<compile_context>
chip_gen: v7x
topology: tpu7x:2x2x1
jax: 0.10.2.dev20260603
libtpu: 0.0.44.dev20260713+nightly
codegen_flags: <defaults>
</compile_context>

<pallas_src>
import functools
import math

import jax
import jax.numpy as jnp
from jax import lax
from jax.experimental import pallas as pl
from jax.experimental.pallas import tpu as pltpu
from jax.experimental.pallas import tpu_sc as plsc

NC = 2
NS = 16
NW = NC * NS
L = 16


def _comb_body(pos_ref, seg_ref, out_ref):
    si = pl.program_id(0)
    out_ref[...] = pos_ref[...] + seg_ref[pl.ds(si, 1), :]


def _build_comb(pos_w, seg_w):
    n_pos, d_model = pos_w.shape
    n_seg = seg_w.shape[0]
    br = 1024
    grid = (n_seg, n_pos // br)
    return pl.pallas_call(
        _comb_body,
        grid=grid,
        in_specs=[
            pl.BlockSpec((br, d_model), lambda si, ri: (ri, 0)),
            pl.BlockSpec((n_seg, d_model), lambda si, ri: (0, 0)),
        ],
        out_specs=pl.BlockSpec((br, d_model),
                               lambda si, ri, _n=(n_pos // br): (si * _n + ri, 0)),
        out_shape=jax.ShapeDtypeStruct((n_seg * n_pos, d_model), jnp.float32),
    )(pos_w, seg_w)


def _emb_body(scale, n_chunks, chunk, d_model,
              t_hbm, c_hbm, tok_hbm, comb_hbm, out_hbm,
              tv, cv,
              a0, b0, o0, a1, b1, o1,
              gs0, gs1, os0, os1):
    per_w = n_chunks * chunk
    cid = lax.axis_index("c")
    sid = lax.axis_index("s")
    wid = sid * NC + cid
    base = wid * per_w

    sets = ((a0, b0, o0, gs0, os0), (a1, b1, o1, gs1, os1))

    pltpu.sync_copy(t_hbm.at[pl.ds(base, per_w)], tv)
    pltpu.sync_copy(c_hbm.at[pl.ds(base, per_w)], cv)

    def issue_gathers(g, bufs):
        a, b, _, gsem, _ = bufs
        off = g * chunk
        pltpu.async_copy(tok_hbm.at[tv.at[pl.ds(off, chunk)]], a, gsem)
        pltpu.async_copy(comb_hbm.at[cv.at[pl.ds(off, chunk)]], b, gsem)

    issue_gathers(0, sets[0])
    issue_gathers(1, sets[1])

    @pl.loop(0, n_chunks, step=2)
    def _pipeline(i):
        for k in range(2):
            a, b, o, gsem, osem = sets[k]
            g = i + k
            off = g * chunk
            pltpu.make_async_copy(
                tok_hbm.at[tv.at[pl.ds(off, chunk)]], a, gsem).wait()
            pltpu.make_async_copy(
                comb_hbm.at[cv.at[pl.ds(off, chunk)]], b, gsem).wait()

            @pl.when(g >= 2)
            def _():
                pltpu.make_async_copy(
                    o, out_hbm.at[pl.ds(base + off, chunk)], osem).wait()

            def combine_row(r, c2):
                for j in range(d_model // L):
                    sl = pl.ds(j * L, L)
                    o[r, sl] = (a[r, sl] + b[r, sl]) * scale
                return c2

            lax.fori_loop(0, chunk, combine_row, 0)

            pltpu.async_copy(o, out_hbm.at[pl.ds(base + off, chunk)], osem)

            @pl.when(g + 2 < n_chunks)
            def _():
                issue_gathers(g + 2, sets[k])

    for k in range(2):
        o, osem = sets[k][2], sets[k][4]
        pltpu.make_async_copy(o, out_hbm.at[pl.ds(base, chunk)], osem).wait()


@jax.jit
def kernel(t, p, s, tok_w, pos_w, seg_w):
    b, s_len = t.shape
    d_model = tok_w.shape[1]
    n_seg = seg_w.shape[0]
    total = b * s_len
    scale = math.sqrt(float(d_model))

    chunk = 16
    assert total % (NW * chunk) == 0
    n_chunks = total // (NW * chunk)
    assert n_chunks % 2 == 0 and n_chunks >= 4

    tf = t.reshape(total).astype(jnp.int32)
    n_pos = pos_w.shape[0]
    comb = _build_comb(pos_w, seg_w)
    cf = (s.reshape(total).astype(jnp.int32) * n_pos
          + p.reshape(total).astype(jnp.int32))

    mesh = plsc.VectorSubcoreMesh(core_axis_name="c", subcore_axis_name="s",
                                  num_cores=NC, num_subcores=NS)
    body = functools.partial(_emb_body, scale, n_chunks, chunk, d_model)
    per_w = n_chunks * chunk
    buf = pltpu.VMEM((chunk, d_model), jnp.float32)
    run = pl.kernel(
        body,
        out_type=jax.ShapeDtypeStruct((total, d_model), jnp.float32),
        mesh=mesh,
        scratch_types=[
            pltpu.VMEM((per_w,), jnp.int32),
            pltpu.VMEM((per_w,), jnp.int32),
            buf, buf, buf, buf, buf, buf,
            pltpu.SemaphoreType.DMA,
            pltpu.SemaphoreType.DMA,
            pltpu.SemaphoreType.DMA,
            pltpu.SemaphoreType.DMA,
        ],
    )
    out = run(tf, cf, tok_w, comb)
    return out.reshape(b, s_len, d_model)

# --- scband reference (transcript-rebuilt; emitter-appended) ---
"""Pipeline reference for scband-emb-86801289052461 (READ-ONLY COPY).

The authoritative reference and input builder live on the scoring server;
editing this copy changes nothing except your own understanding.
"""

import jax, jax.numpy as jnp
import numpy as np

D_MODEL = 1024
N_TOK = 100000
N_POS = 2048
N_SEG = 2
B, S = 4, 2048
PAD_IDX = 0


def setup_inputs(seed: int = 0) -> dict:
    key = jax.random.key(seed)
    k1, k2, k3, k4, k5, k6 = jax.random.split(key, 6)
    t = jax.random.randint(k1, (B, S), 0, N_TOK, dtype=jnp.int64 if jax.config.jax_enable_x64 else jnp.int32)
    p = jax.random.randint(k2, (B, S), 0, N_POS, dtype=jnp.int64 if jax.config.jax_enable_x64 else jnp.int32)
    s = jax.random.randint(k3, (B, S), 0, N_SEG, dtype=jnp.int64 if jax.config.jax_enable_x64 else jnp.int32)
    initrange = 0.1
    tok_w = jax.random.uniform(k4, (N_TOK, D_MODEL), minval=-initrange, maxval=initrange, dtype=jnp.float32)
    pos_w = jax.random.uniform(k5, (N_POS, D_MODEL), minval=-initrange, maxval=initrange, dtype=jnp.float32)
    seg_w = jax.random.uniform(k6, (N_SEG, D_MODEL), minval=-initrange, maxval=initrange, dtype=jnp.float32)
    # padding_idx row is zero in torch nn.Embedding
    tok_w = tok_w.at[PAD_IDX].set(0.0)
    pos_w = pos_w.at[PAD_IDX].set(0.0)
    seg_w = seg_w.at[PAD_IDX].set(0.0)
    return {"t": t, "p": p, "s": s, "tok_w": tok_w, "pos_w": pos_w, "seg_w": seg_w}


def reference(t, p, s, tok_w, pos_w, seg_w):
    scale = jnp.sqrt(jnp.float32(D_MODEL))
    te = jnp.take(tok_w, t, axis=0)
    pe = jnp.take(pos_w, p, axis=0)
    se = jnp.take(seg_w, s, axis=0)
    x = (te + pe + se) * scale
    # dropout is identity in eval/inference mode
    return x

if __name__ == "__main__":
    import jax
    _d = setup_inputs()
    print(jax.jit(kernel)(*tuple(_d.values())))

</pallas_src>

<mosaic_0001>
#map = affine_map<(d0, d1) -> (0)>
#map1 = affine_map<(d0, d1) -> (0, 0)>
module attributes {stable_mosaic.version = 14 : i64} {
  func.func @_emb_body(%arg0: i32, %arg1: i32, %arg2: memref<8192xi32, #tpu.memory_space<hbm>>, %arg3: memref<8192xi32, #tpu.memory_space<hbm>>, %arg4: memref<100000x1024xf32, #tpu.memory_space<hbm>>, %arg5: memref<4096x1024xf32, #tpu.memory_space<hbm>>, %arg6: memref<8192x1024xf32, #tpu.memory_space<hbm>>, %arg7: memref<256xi32, #tpu.memory_space<vmem>>, %arg8: memref<256xi32, #tpu.memory_space<vmem>>, %arg9: memref<16x1024xf32, #tpu.memory_space<vmem>>, %arg10: memref<16x1024xf32, #tpu.memory_space<vmem>>, %arg11: memref<16x1024xf32, #tpu.memory_space<vmem>>, %arg12: memref<16x1024xf32, #tpu.memory_space<vmem>>, %arg13: memref<16x1024xf32, #tpu.memory_space<vmem>>, %arg14: memref<16x1024xf32, #tpu.memory_space<vmem>>, %arg15: memref<!tpu.dma_semaphore, #tpu.memory_space<semaphore_mem>>, %arg16: memref<!tpu.dma_semaphore, #tpu.memory_space<semaphore_mem>>, %arg17: memref<!tpu.dma_semaphore, #tpu.memory_space<semaphore_mem>>, %arg18: memref<!tpu.dma_semaphore, #tpu.memory_space<semaphore_mem>>) attributes {dimension_semantics = [#tpu.dimension_semantics<core_parallel>, #tpu.dimension_semantics<subcore_parallel>], iteration_bounds = array<i64: 2, 16>, scalar_prefetch = 0 : i64, scratch_operands = 12 : i64, tpu.core_type = #tpu.core_type<sc_vector_subcore>, window_params = [{transform_indices = #map}, {transform_indices = #map}, {transform_indices = #map1}, {transform_indices = #map1}, {transform_indices = #map1}]} {
    %mul3A = arith.constant 2 : i32
    %mul3A_0 = arith.muli %arg1, %mul3A : i32
    %add3A = arith.addi %mul3A_0, %arg0 : i32
    %mul3A_1 = arith.constant 256 : i32
    %mul3A_2 = arith.muli %add3A, %mul3A_1 : i32
    "tpu.region"() ({
      %run_scoped3A = tpu.sem_alloc : memref<!tpu.dma_semaphore, #tpu.memory_space<semaphore_mem>>
      %dma_start3A_33 = tpu.memref_slice %arg2[%mul3A_2] : memref<8192xi32, #tpu.memory_space<hbm>> -> memref<256xi32, #tpu.memory_space<hbm>>
      %dma_start3A_34 = tpu.memref_slice %arg2[%mul3A_2] : memref<8192xi32, #tpu.memory_space<hbm>> -> memref<256xi32, #tpu.memory_space<hbm>>
      tpu.enqueue_dma source(%dma_start3A_34 : memref<256xi32, #tpu.memory_space<hbm>>) target(%arg7 : memref<256xi32, #tpu.memory_space<vmem>>) target_semaphore(%run_scoped3A : memref<!tpu.dma_semaphore, #tpu.memory_space<semaphore_mem>>)
      %dma_wait3A_35 = tpu.memref_slice %arg2[%mul3A_2] : memref<8192xi32, #tpu.memory_space<hbm>> -> memref<256xi32, #tpu.memory_space<hbm>>
      %dma_wait3A_36 = tpu.memref_slice %arg2[%mul3A_2] : memref<8192xi32, #tpu.memory_space<hbm>> -> memref<256xi32, #tpu.memory_space<hbm>>
      tpu.wait_dma2 semaphore(%run_scoped3A : memref<!tpu.dma_semaphore, #tpu.memory_space<semaphore_mem>>) src(%dma_wait3A_36 : memref<256xi32, #tpu.memory_space<hbm>>) dst(%arg7 : memref<256xi32, #tpu.memory_space<vmem>>)
      tpu.yield
    }) : () -> ()
    "tpu.region"() ({
      %run_scoped3A = tpu.sem_alloc : memref<!tpu.dma_semaphore, #tpu.memory_space<semaphore_mem>>
      %dma_start3A_33 = tpu.memref_slice %arg3[%mul3A_2] : memref<8192xi32, #tpu.memory_space<hbm>> -> memref<256xi32, #tpu.memory_space<hbm>>
      %dma_start3A_34 = tpu.memref_slice %arg3[%mul3A_2] : memref<8192xi32, #tpu.memory_space<hbm>> -> memref<256xi32, #tpu.memory_space<hbm>>
      tpu.enqueue_dma source(%dma_start3A_34 : memref<256xi32, #tpu.memory_space<hbm>>) target(%arg8 : memref<256xi32, #tpu.memory_space<vmem>>) target_semaphore(%run_scoped3A : memref<!tpu.dma_semaphore, #tpu.memory_space<semaphore_mem>>)
      %dma_wait3A_35 = tpu.memref_slice %arg3[%mul3A_2] : memref<8192xi32, #tpu.memory_space<hbm>> -> memref<256xi32, #tpu.memory_space<hbm>>
      %dma_wait3A_36 = tpu.memref_slice %arg3[%mul3A_2] : memref<8192xi32, #tpu.memory_space<hbm>> -> memref<256xi32, #tpu.memory_space<hbm>>
      tpu.wait_dma2 semaphore(%run_scoped3A : memref<!tpu.dma_semaphore, #tpu.memory_space<semaphore_mem>>) src(%dma_wait3A_36 : memref<256xi32, #tpu.memory_space<hbm>>) dst(%arg8 : memref<256xi32, #tpu.memory_space<vmem>>)
      tpu.yield
    }) : () -> ()
    %dma_start3A = arith.constant 0 : i32
    %dma_start3A_3 = tpu.memref_slice %arg7[%dma_start3A] : memref<256xi32, #tpu.memory_space<vmem>> -> memref<16xi32, #tpu.memory_space<vmem>>
    %dma_start3A_4 = arith.constant 0 : i32
    %dma_start3A_5 = arith.constant 0 : i32
    %dma_start3A_6 = tpu.memref_slice %arg4[%dma_start3A_4, %dma_start3A_5] : memref<100000x1024xf32, #tpu.memory_space<hbm>> -> memref<100000x1024xf32, #tpu.memory_space<hbm>>
    tpu.enqueue_indirect_dma source(%dma_start3A_6 : memref<100000x1024xf32, #tpu.memory_space<hbm>>) target(%arg9 : memref<16x1024xf32, #tpu.memory_space<vmem>>) offsets(%dma_start3A_3 : memref<16xi32, #tpu.memory_space<vmem>>) semaphore(%arg15 : memref<!tpu.dma_semaphore, #tpu.memory_space<semaphore_mem>>)
    %dma_start3A_7 = arith.constant 0 : i32
    %dma_start3A_8 = tpu.memref_slice %arg8[%dma_start3A_7] : memref<256xi32, #tpu.memory_space<vmem>> -> memref<16xi32, #tpu.memory_space<vmem>>
    %dma_start3A_9 = arith.constant 0 : i32
    %dma_start3A_10 = arith.constant 0 : i32
    %dma_start3A_11 = tpu.memref_slice %arg5[%dma_start3A_9, %dma_start3A_10] : memref<4096x1024xf32, #tpu.memory_space<hbm>> -> memref<4096x1024xf32, #tpu.memory_space<hbm>>
    tpu.enqueue_indirect_dma source(%dma_start3A_11 : memref<4096x1024xf32, #tpu.memory_space<hbm>>) target(%arg10 : memref<16x1024xf32, #tpu.memory_space<vmem>>) offsets(%dma_start3A_8 : memref<16xi32, #tpu.memory_space<vmem>>) semaphore(%arg15 : memref<!tpu.dma_semaphore, #tpu.memory_space<semaphore_mem>>)
    %dma_start3A_12 = arith.constant 16 : i32
    %dma_start3A_13 = tpu.memref_slice %arg7[%dma_start3A_12] : memref<256xi32, #tpu.memory_space<vmem>> -> memref<16xi32, #tpu.memory_space<vmem>>
    %dma_start3A_14 = arith.constant 0 : i32
    %dma_start3A_15 = arith.constant 0 : i32
    %dma_start3A_16 = tpu.memref_slice %arg4[%dma_start3A_14, %dma_start3A_15] : memref<100000x1024xf32, #tpu.memory_space<hbm>> -> memref<100000x1024xf32, #tpu.memory_space<hbm>>
    tpu.enqueue_indirect_dma source(%dma_start3A_16 : memref<100000x1024xf32, #tpu.memory_space<hbm>>) target(%arg12 : memref<16x1024xf32, #tpu.memory_space<vmem>>) offsets(%dma_start3A_13 : memref<16xi32, #tpu.memory_space<vmem>>) semaphore(%arg16 : memref<!tpu.dma_semaphore, #tpu.memory_space<semaphore_mem>>)
    %dma_start3A_17 = arith.constant 16 : i32
    %dma_start3A_18 = tpu.memref_slice %arg8[%dma_start3A_17] : memref<256xi32, #tpu.memory_space<vmem>> -> memref<16xi32, #tpu.memory_space<vmem>>
    %dma_start3A_19 = arith.constant 0 : i32
    %dma_start3A_20 = arith.constant 0 : i32
    %dma_start3A_21 = tpu.memref_slice %arg5[%dma_start3A_19, %dma_start3A_20] : memref<4096x1024xf32, #tpu.memory_space<hbm>> -> memref<4096x1024xf32, #tpu.memory_space<hbm>>
    tpu.enqueue_indirect_dma source(%dma_start3A_21 : memref<4096x1024xf32, #tpu.memory_space<hbm>>) target(%arg13 : memref<16x1024xf32, #tpu.memory_space<vmem>>) offsets(%dma_start3A_18 : memref<16xi32, #tpu.memory_space<vmem>>) semaphore(%arg16 : memref<!tpu.dma_semaphore, #tpu.memory_space<semaphore_mem>>)
    %scan3A = arith.constant 0 : i32
    %scan3A_22 = arith.constant 8 : i32
    %scan3A_23 = arith.addi %scan3A, %scan3A_22 : i32
    %scan3A_24 = arith.constant 1 : i32
    scf.for %scan3A_33 = %scan3A to %scan3A_23 step %scan3A_24  : i32 {
      %mul3A_34 = arith.constant 2 : i32
      %mul3A_35 = arith.muli %scan3A_33, %mul3A_34 : i32
      %add3A_36 = arith.constant 0 : i32
      %add3A_37 = arith.addi %add3A_36, %mul3A_35 : i32
      %add3A_38 = arith.constant 0 : i32
      %add3A_39 = arith.addi %add3A_37, %add3A_38 : i32
      %mul3A_40 = arith.constant 16 : i32
      %mul3A_41 = arith.muli %add3A_39, %mul3A_40 : i32
      %dma_wait3A_42 = tpu.memref_slice %arg7[%mul3A_41] : memref<256xi32, #tpu.memory_space<vmem>> -> memref<16xi32, #tpu.memory_space<vmem>>
      %dma_wait3A_43 = arith.constant 0 : i32
      %dma_wait3A_44 = arith.constant 0 : i32
      %dma_wait3A_45 = tpu.memref_slice %arg4[%dma_wait3A_43, %dma_wait3A_44] : memref<100000x1024xf32, #tpu.memory_space<hbm>> -> memref<100000x1024xf32, #tpu.memory_space<hbm>>
      tpu.wait_indirect_dma semaphore(%arg15 : memref<!tpu.dma_semaphore, #tpu.memory_space<semaphore_mem>>) src(%dma_wait3A_45 : memref<100000x1024xf32, #tpu.memory_space<hbm>>) dst(%arg9 : memref<16x1024xf32, #tpu.memory_space<vmem>>)
      %dma_wait3A_46 = tpu.memref_slice %arg8[%mul3A_41] : memref<256xi32, #tpu.memory_space<vmem>> -> memref<16xi32, #tpu.memory_space<vmem>>
      %dma_wait3A_47 = arith.constant 0 : i32
      %dma_wait3A_48 = arith.constant 0 : i32
      %dma_wait3A_49 = tpu.memref_slice %arg5[%dma_wait3A_47, %dma_wait3A_48] : memref<4096x1024xf32, #tpu.memory_space<hbm>> -> memref<4096x1024xf32, #tpu.memory_space<hbm>>
      tpu.wait_indirect_dma semaphore(%arg15 : memref<!tpu.dma_semaphore, #tpu.memory_space<semaphore_mem>>) src(%dma_wait3A_49 : memref<4096x1024xf32, #tpu.memory_space<hbm>>) dst(%arg10 : memref<16x1024xf32, #tpu.memory_space<vmem>>)
      %ge3A = arith.constant 2 : i32
      %ge3A_50 = arith.cmpi sge, %add3A_39, %ge3A : i32
      %convert_element_type3A = arith.extui %ge3A_50 : i1 to i32
      %cond3A = arith.constant 0 : i32
      %cond3A_51 = arith.cmpi ne, %convert_element_type3A, %cond3A : i32
      scf.if %cond3A_51 {
        %add3A_104 = arith.addi %mul3A_2, %mul3A_41 : i32
        %dma_wait3A_105 = arith.constant 0 : i32
        %dma_wait3A_106 = tpu.memref_slice %arg6[%add3A_104, %dma_wait3A_105] : memref<8192x1024xf32, #tpu.memory_space<hbm>> -> memref<16x1024xf32, #tpu.memory_space<hbm>>
        %dma_wait3A_107 = arith.constant 0 : i32
        %dma_wait3A_108 = tpu.memref_slice %arg6[%add3A_104, %dma_wait3A_107] : memref<8192x1024xf32, #tpu.memory_space<hbm>> -> memref<16x1024xf32, #tpu.memory_space<hbm>>
        tpu.wait_dma2 semaphore(%arg17 : memref<!tpu.dma_semaphore, #tpu.memory_space<semaphore_mem>>) src(%arg11 : memref<16x1024xf32, #tpu.memory_space<vmem>>) dst(%dma_wait3A_108 : memref<16x1024xf32, #tpu.memory_space<hbm>>)
      } else {
      }
      %scan3A_52 = arith.constant 0 : i32
      %scan3A_53 = arith.constant 0 : i32
      %scan3A_54 = arith.constant 16 : i32
      %scan3A_55 = arith.addi %scan3A_53, %scan3A_54 : i32
      %scan3A_56 = arith.constant 1 : i32
      scf.for %scan3A_104 = %scan3A_53 to %scan3A_55 step %scan3A_56  : i32 {
        %get3A = arith.index_cast %scan3A_104 : i32 to index
        %get3A_105 = arith.constant 0 : index
        %get3A_106 = tpu.vector_load %arg9[%get3A, %get3A_105] {strides = array<i32>} : memref<16x1024xf32, #tpu.memory_space<vmem>>, vector<1x16xf32>,
        %get3A_107 = vector.shape_cast %get3A_106 : vector<1x16xf32> to vector<16xf32>
        %get3A_108 = arith.index_cast %scan3A_104 : i32 to index
        %get3A_109 = arith.constant 0 : index
        %get3A_110 = tpu.vector_load %arg10[%get3A_108, %get3A_109] {strides = array<i32>} : memref<16x1024xf32, #tpu.memory_space<vmem>>, vector<1x16xf32>,
        %get3A_111 = vector.shape_cast %get3A_110 : vector<1x16xf32> to vector<16xf32>
        %add3A_112 = arith.addf %get3A_107, %get3A_111 : vector<16xf32>
        %mul3A_113 = arith.constant 3.200000e+01 : f32
        %mul3A_114 = vector.broadcast %mul3A_113 : f32 to vector<16xf32>
        %mul3A_115 = arith.mulf %add3A_112, %mul3A_114 : vector<16xf32>
        %swap3A = arith.index_cast %scan3A_104 : i32 to index
        %swap3A_116 = arith.constant 0 : index
        %swap3A_117 = tpu.vector_load %arg11[%swap3A, %swap3A_116] {strides = array<i32>} : memref<16x1024xf32, #tpu.memory_space<vmem>>, vector<1x16xf32>,
        %swap3A_118 = vector.shape_cast %swap3A_117 : vector<1x16xf32> to vector<16xf32>
        %swap3A_119 = vector.shape_cast %mul3A_115 : vector<16xf32> to vector<1x16xf32>
        tpu.vector_store %arg11[%swap3A, %swap3A_116], %swap3A_119 {strides = array<i32>} : memref<16x1024xf32, #tpu.memory_space<vmem>>, vector<1x16xf32>,
        %get3A_120 = arith.index_cast %scan3A_104 : i32 to index
        %get3A_121 = arith.constant 16 : index
        %get3A_122 = tpu.vector_load %arg9[%get3A_120, %get3A_121] {strides = array<i32>} : memref<16x1024xf32, #tpu.memory_space<vmem>>, vector<1x16xf32>,
        %get3A_123 = vector.shape_cast %get3A_122 : vector<1x16xf32> to vector<16xf32>
        %get3A_124 = arith.index_cast %scan3A_104 : i32 to index
        %get3A_125 = arith.constant 16 : index
        %get3A_126 = tpu.vector_load %arg10[%get3A_124, %get3A_125] {strides = array<i32>} : memref<16x1024xf32, #tpu.memory_space<vmem>>, vector<1x16xf32>,
        %get3A_127 = vector.shape_cast %get3A_126 : vector<1x16xf32> to vector<16xf32>
        %add3A_128 = arith.addf %get3A_123, %get3A_127 : vector<16xf32>
        %mul3A_129 = arith.constant 3.200000e+01 : f32
        %mul3A_130 = vector.broadcast %mul3A_129 : f32 to vector<16xf32>
        %mul3A_131 = arith.mulf %add3A_128, %mul3A_130 : vector<16xf32>
        %swap3A_132 = arith.index_cast %scan3A_104 : i32 to index
        %swap3A_133 = arith.constant 16 : index
        %swap3A_134 = tpu.vector_load %arg11[%swap3A_132, %swap3A_133] {strides = array<i32>} : memref<16x1024xf32, #tpu.memory_space<vmem>>, vector<1x16xf32>,
        %swap3A_135 = vector.shape_cast %swap3A_134 : vector<1x16xf32> to vector<16xf32>
        %swap3A_136 = vector.shape_cast %mul3A_131 : vector<16xf32> to vector<1x16xf32>
        tpu.vector_store %arg11[%swap3A_132, %swap3A_133], %swap3A_136 {strides = array<i32>} : memref<16x1024xf32, #tpu.memory_space<vmem>>, vector<1x16xf32>,
        %get3A_137 = arith.index_cast %scan3A_104 : i32 to index
        %get3A_138 = arith.constant 32 : index
        %get3A_139 = tpu.vector_load %arg9[%get3A_137, %get3A_138] {strides = array<i32>} : memref<16x1024xf32, #tpu.memory_space<vmem>>, vector<1x16xf32>,
        %get3A_140 = vector.shape_cast %get3A_139 : vector<1x16xf32> to vector<16xf32>
        %get3A_141 = arith.index_cast %scan3A_104 : i32 to index
        %get3A_142 = arith.constant 32 : index
        %get3A_143 = tpu.vector_load %arg10[%get3A_141, %get3A_142] {strides = array<i32>} : memref<16x1024xf32, #tpu.memory_space<vmem>>, vector<1x16xf32>,
        %get3A_144 = vector.shape_cast %get3A_143 : vector<1x16xf32> to vector<16xf32>
        %add3A_145 = arith.addf %get3A_140, %get3A_144 : vector<16xf32>
        %mul3A_146 = arith.constant 3.200000e+01 : f32
        %mul3A_147 = vector.broadcast %mul3A_146 : f32 to vector<16xf32>
        %mul3A_148 = arith.mulf %add3A_145, %mul3A_147 : vector<16xf32>
        %swap3A_149 = arith.index_cast %scan3A_104 : i32 to index
        %swap3A_150 = arith.constant 32 : index
        %swap3A_151 = tpu.vector_load %arg11[%swap3A_149, %swap3A_150] {strides = array<i32>} : memref<16x1024xf32, #tpu.memory_space<vmem>>, vector<1x16xf32>,
        %swap3A_152 = vector.shape_cast %swap3A_151 : vector<1x16xf32> to vector<16xf32>
        %swap3A_153 = vector.shape_cast %mul3A_148 : vector<16xf32> to vector<1x16xf32>
        tpu.vector_store %arg11[%swap3A_149, %swap3A_150], %swap3A_153 {strides = array<i32>} : memref<16x1024xf32, #tpu.memory_space<vmem>>, vector<1x16xf32>,
        %get3A_154 = arith.index_cast %scan3A_104 : i32 to index
        %get3A_155 = arith.constant 48 : index
        %get3A_156 = tpu.vector_load %arg9[%get3A_154, %get3A_155] {strides = array<i32>} : memref<16x1024xf32, #tpu.memory_space<vmem>>, vector<1x16xf32>,
        %get3A_157 = vector.shape_cast %get3A_156 : vector<1x16xf32> to vector<16xf32>
        %get3A_158 = arith.index_cast %scan3A_104 : i32 to index
        %get3A_159 = arith.constant 48 : index
        %get3A_160 = tpu.vector_load %arg10[%get3A_158, %get3A_159] {strides = array<i32>} : memref<16x1024xf32, #tpu.memory_space<vmem>>, vector<1x16xf32>,
        %get3A_161 = vector.shape_cast %get3A_160 : vector<1x16xf32> to vector<16xf32>
        %add3A_162 = arith.addf %get3A_157, %get3A_161 : vector<16xf32>
        %mul3A_163 = arith.constant 3.200000e+01 : f32
        %mul3A_164 = vector.broadcast %mul3A_163 : f32 to vector<16xf32>
        %mul3A_165 = arith.mulf %add3A_162, %mul3A_164 : vector<16xf32>
        %swap3A_166 = arith.index_cast %scan3A_104 : i32 to index
        %swap3A_167 = arith.constant 48 : index
        %swap3A_168 = tpu.vector_load %arg11[%swap3A_166, %swap3A_167] {strides = array<i32>} : memref<16x1024xf32, #tpu.memory_space<vmem>>, vector<1x16xf32>,
        %swap3A_169 = vector.shape_cast %swap3A_168 : vector<1x16xf32> to vector<16xf32>
        %swap3A_170 = vector.shape_cast %mul3A_165 : vector<16xf32> to vector<1x16xf32>
        tpu.vector_store %arg11[%swap3A_166, %swap3A_167], %swap3A_170 {strides = array<i32>} : memref<16x1024xf32, #tpu.memory_space<vmem>>, vector<1x16xf32>,
        %get3A_171 = arith.index_cast %scan3A_104 : i32 to index
        %get3A_172 = arith.constant 64 : index
        %get3A_173 = tpu.vector_load %arg9[%get3A_171, %get3A_172] {strides = array<i32>} : memref<16x1024xf32, #tpu.memory_space<vmem>>, vector<1x16xf32>,
        %get3A_174 = vector.shape_cast %get3A_173 : vector<1x16xf32> to vector<16xf32>
        %get3A_175 = arith.index_cast %scan3A_104 : i32 to index
        %get3A_176 = arith.constant 64 : index
        %get3A_177 = tpu.vector_load %arg10[%get3A_175, %get3A_176] {strides = array<i32>} : memref<16x1024xf32, #tpu.memory_space<vmem>>, vector<1x16xf32>,
        %get3A_178 = vector.shape_cast %get3A_177 : vector<1x16xf32> to vector<16xf32>
        %add3A_179 = arith.addf %get3A_174, %get3A_178 : vector<16xf32>
        %mul3A_180 = arith.constant 3.200000e+01 : f32
        %mul3A_181 = vector.broadcast %mul3A_180 : f32 to vector<16xf32>
        %mul3A_182 = arith.mulf %add3A_179, %mul3A_181 : vector<16xf32>
        %swap3A_183 = arith.index_cast %scan3A_104 : i32 to index
        %swap3A_184 = arith.constant 64 : index
        %swap3A_185 = tpu.vector_load %arg11[%swap3A_183, %swap3A_184] {strides = array<i32>} : memref<16x1024xf32, #tpu.memory_space<vmem>>, vector<1x16xf32>,
        %swap3A_186 = vector.shape_cast %swap3A_185 : vector<1x16xf32> to vector<16xf32>
        %swap3A_187 = vector.shape_cast %mul3A_182 : vector<16xf32> to vector<1x16xf32>
        tpu.vector_store %arg11[%swap3A_183, %swap3A_184], %swap3A_187 {strides = array<i32>} : memref<16x1024xf32, #tpu.memory_space<vmem>>, vector<1x16xf32>,
        %get3A_188 = arith.index_cast %scan3A_104 : i32 to index
        %get3A_189 = arith.constant 80 : index
        %get3A_190 = tpu.vector_load %arg9[%get3A_188, %get3A_189] {strides = array<i32>} : memref<16x1024xf32, #tpu.memory_space<vmem>>, vector<1x16xf32>,
        %get3A_191 = vector.shape_cast %get3A_190 : vector<1x16xf32> to vector<16xf32>
        %get3A_192 = arith.index_cast %scan3A_104 : i32 to index
        %get3A_193 = arith.constant 80 : index
        %get3A_194 = tpu.vector_load %arg10[%get3A_192, %get3A_193] {strides = array<i32>} : memref<16x1024xf32, #tpu.memory_space<vmem>>, vector<1x16xf32>,
        %get3A_195 = vector.shape_cast %get3A_194 : vector<1x16xf32> to vector<16xf32>
        %add3A_196 = arith.addf %get3A_191, %get3A_195 : vector<16xf32>
        %mul3A_197 = arith.constant 3.200000e+01 : f32
        %mul3A_198 = vector.broadcast %mul3A_197 : f32 to vector<16xf32>
        %mul3A_199 = arith.mulf %add3A_196, %mul3A_198 : vector<16xf32>
        %swap3A_200 = arith.index_cast %scan3A_104 : i32 to index
        %swap3A_201 = arith.constant 80 : index
        %swap3A_202 = tpu.vector_load %arg11[%swap3A_200, %swap3A_201] {strides = array<i32>} : memref<16x1024xf32, #tpu.memory_space<vmem>>, vector<1x16xf32>,
        %swap3A_203 = vector.shape_cast %swap3A_202 : vector<1x16xf32> to vector<16xf32>
        %swap3A_204 = vector.shape_cast %mul3A_199 : vector<16xf32> to vector<1x16xf32>
        tpu.vector_store %arg11[%swap3A_200, %swap3A_201], %swap3A_204 {strides = array<i32>} : memref<16x1024xf32, #tpu.memory_space<vmem>>, vector<1x16xf32>,
        %get3A_205 = arith.index_cast %scan3A_104 : i32 to index
        %get3A_206 = arith.constant 96 : index
        %get3A_207 = tpu.vector_load %arg9[%get3A_205, %get3A_206] {strides = array<i32>} : memref<16x1024xf32, #tpu.memory_space<vmem>>, vector<1x16xf32>,
        %get3A_208 = vector.shape_cast %get3A_207 : vector<1x16xf32> to vector<16xf32>
        %get3A_209 = arith.index_cast %scan3A_104 : i32 to index
        %get3A_210 = arith.constant 96 : index
        %get3A_211 = tpu.vector_load %arg10[%get3A_209, %get3A_210] {strides = array<i32>} : memref<16x1024xf32, #tpu.memory_space<vmem>>, vector<1x16xf32>,
        %get3A_212 = vector.shape_cast %get3A_211 : vector<1x16xf32> to vector<16xf32>
        %add3A_213 = arith.addf %get3A_208, %get3A_212 : vector<16xf32>
        %mul3A_214 = arith.constant 3.200000e+01 : f32
        %mul3A_215 = vector.broadcast %mul3A_214 : f32 to vector<16xf32>
        %mul3A_216 = arith.mulf %add3A_213, %mul3A_215 : vector<16xf32>
        %swap3A_217 = arith.index_cast %scan3A_104 : i32 to index
        %swap3A_218 = arith.constant 96 : index
        %swap3A_219 = tpu.vector_load %arg11[%swap3A_217, %swap3A_218] {strides = array<i32>} : memref<16x1024xf32, #tpu.memory_space<vmem>>, vector<1x16xf32>,
        %swap3A_220 = vector.shape_cast %swap3A_219 : vector<1x16xf32> to vector<16xf32>
        %swap3A_221 = vector.shape_cast %mul3A_216 : vector<16xf32> to vector<1x16xf32>
        tpu.vector_store %arg11[%swap3A_217, %swap3A_218], %swap3A_221 {strides = array<i32>} : memref<16x1024xf32, #tpu.memory_space<vmem>>, vector<1x16xf32>,
        %get3A_222 = arith.index_cast %scan3A_104 : i32 to index
        %get3A_223 = arith.constant 112 : index
        %get3A_224 = tpu.vector_load %arg9[%get3A_222, %get3A_223] {strides = array<i32>} : memref<16x1024xf32, #tpu.memory_space<vmem>>, vector<1x16xf32>,
        %get3A_225 = vector.shape_cast %get3A_224 : vector<1x16xf32> to vector<16xf32>
        %get3A_226 = arith.index_cast %scan3A_104 : i32 to index
        %get3A_227 = arith.constant 112 : index
        %get3A_228 = tpu.vector_load %arg10[%get3A_226, %get3A_227] {strides = array<i32>} : memref<16x1024xf32, #tpu.memory_space<vmem>>, vector<1x16xf32>,
        %get3A_229 = vector.shape_cast %get3A_228 : vector<1x16xf32> to vector<16xf32>
        %add3A_230 = arith.addf %get3A_225, %get3A_229 : vector<16xf32>
        %mul3A_231 = arith.constant 3.200000e+01 : f32
        %mul3A_232 = vector.broadcast %mul3A_231 : f32 to vector<16xf32>
        %mul3A_233 = arith.mulf %add3A_230, %mul3A_232 : vector<16xf32>
        %swap3A_234 = arith.index_cast %scan3A_104 : i32 to index
        %swap3A_235 = arith.constant 112 : index
        %swap3A_236 = tpu.vector_load %arg11[%swap3A_234, %swap3A_235] {strides = array<i32>} : memref<16x1024xf32, #tpu.memory_space<vmem>>, vector<1x16xf32>,
        %swap3A_237 = vector.shape_cast %swap3A_236 : vector<1x16xf32> to vector<16xf32>
        %swap3A_238 = vector.shape_cast %mul3A_233 : vector<16xf32> to vector<1x16xf32>
        tpu.vector_store %arg11[%swap3A_234, %swap3A_235], %swap3A_238 {strides = array<i32>} : memref<16x1024xf32, #tpu.memory_space<vmem>>, vector<1x16xf32>,
        %get3A_239 = arith.index_cast %scan3A_104 : i32 to index
        %get3A_240 = arith.constant 128 : index
        %get3A_241 = tpu.vector_load %arg9[%get3A_239, %get3A_240] {strides = array<i32>} : memref<16x1024xf32, #tpu.memory_space<vmem>>, vector<1x16xf32>,
        %get3A_242 = vector.shape_cast %get3A_241 : vector<1x16xf32> to vector<16xf32>
        %get3A_243 = arith.index_cast %scan3A_104 : i32 to index
        %get3A_244 = arith.constant 128 : index
        %get3A_245 = tpu.vector_load %arg10[%get3A_243, %get3A_244] {strides = array<i32>} : memref<16x1024xf32, #tpu.memory_space<vmem>>, vector<1x16xf32>,
        %get3A_246 = vector.shape_cast %get3A_245 : vector<1x16xf32> to vector<16xf32>
        %add3A_247 = arith.addf %get3A_242, %get3A_246 : vector<16xf32>
        %mul3A_248 = arith.constant 3.200000e+01 : f32
        %mul3A_249 = vector.broadcast %mul3A_248 : f32 to vector<16xf32>
        %mul3A_250 = arith.mulf %add3A_247, %mul3A_249 : vector<16xf32>
        %swap3A_251 = arith.index_cast %scan3A_104 : i32 to index
        %swap3A_252 = arith.constant 128 : index
        %swap3A_253 = tpu.vector_load %arg11[%swap3A_251, %swap3A_252] {strides = array<i32>} : memref<16x1024xf32, #tpu.memory_space<vmem>>, vector<1x16xf32>,
        %swap3A_254 = vector.shape_cast %swap3A_253 : vector<1x16xf32> to vector<16xf32>
        %swap3A_255 = vector.shape_cast %mul3A_250 : vector<16xf32> to vector<1x16xf32>
        tpu.vector_store %arg11[%swap3A_251, %swap3A_252], %swap3A_255 {strides = array<i32>} : memref<16x1024xf32, #tpu.memory_space<vmem>>, vector<1x16xf32>,
        %get3A_256 = arith.index_cast %scan3A_104 : i32 to index
        %get3A_257 = arith.constant 144 : index
        %get3A_258 = tpu.vector_load %arg9[%get3A_256, %get3A_257] {strides = array<i32>} : memref<16x1024xf32, #tpu.memory_space<vmem>>, vector<1x16xf32>,
        %get3A_259 = vector.shape_cast %get3A_258 : vector<1x16xf32> to vector<16xf32>
        %get3A_260 = arith.index_cast %scan3A_104 : i32 to index
        %get3A_261 = arith.constant 144 : index
        %get3A_262 = tpu.vector_load %arg10[%get3A_260, %get3A_261] {strides = array<i32>} : memref<16x1024xf32, #tpu.memory_space<vmem>>, vector<1x16xf32>,
        %get3A_263 = vector.shape_cast %get3A_262 : vector<1x16xf32> to vector<16xf32>
        %add3A_264 = arith.addf %get3A_259, %get3A_263 : vector<16xf32>
        %mul3A_265 = arith.constant 3.200000e+01 : f32
        %mul3A_266 = vector.broadcast %mul3A_265 : f32 to vector<16xf32>
        %mul3A_267 = arith.mulf %add3A_264, %mul3A_266 : vector<16xf32>
        %swap3A_268 = arith.index_cast %scan3A_104 : i32 to index
        %swap3A_269 = arith.constant 144 : index
        %swap3A_270 = tpu.vector_load %arg11[%swap3A_268, %swap3A_269] {strides = array<i32>} : memref<16x1024xf32, #tpu.memory_space<vmem>>, vector<1x16xf32>,
        %swap3A_271 = vector.shape_cast %swap3A_270 : vector<1x16xf32> to vector<16xf32>
        %swap3A_272 = vector.shape_cast %mul3A_267 : vector<16xf32> to vector<1x16xf32>
        tpu.vector_store %arg11[%swap3A_268, %swap3A_269], %swap3A_272 {strides = array<i32>} : memref<16x1024xf32, #tpu.memory_space<vmem>>, vector<1x16xf32>,
        %get3A_273 = arith.index_cast %scan3A_104 : i32 to index
        %get3A_274 = arith.constant 160 : index
        %get3A_275 = tpu.vector_load %arg9[%get3A_273, %get3A_274] {strides = array<i32>} : memref<16x1024xf32, #tpu.memory_space<vmem>>, vector<1x16xf32>,
        %get3A_276 = vector.shape_cast %get3A_275 : vector<1x16xf32> to vector<16xf32>
        %get3A_277 = arith.index_cast %scan3A_104 : i32 to index
        %get3A_278 = arith.constant 160 : index
        %get3A_279 = tpu.vector_load %arg10[%get3A_277, %get3A_278] {strides = array<i32>} : memref<16x1024xf32, #tpu.memory_space<vmem>>, vector<1x16xf32>,
        %get3A_280 = vector.shape_cast %get3A_279 : vector<1x16xf32> to vector<16xf32>
        %add3A_281 = arith.addf %get3A_276, %get3A_280 : vector<16xf32>
        %mul3A_282 = arith.constant 3.200000e+01 : f32
        %mul3A_283 = vector.broadcast %mul3A_282 : f32 to vector<16xf32>
        %mul3A_284 = arith.mulf %add3A_281, %mul3A_283 : vector<16xf32>
        %swap3A_285 = arith.index_cast %scan3A_104 : i32 to index
        %swap3A_286 = arith.constant 160 : index
        %swap3A_287 = tpu.vector_load %arg11[%swap3A_285, %swap3A_286] {strides = array<i32>} : memref<16x1024xf32, #tpu.memory_space<vmem>>, vector<1x16xf32>,
        %swap3A_288 = vector.shape_cast %swap3A_287 : vector<1x16xf32> to vector<16xf32>
        %swap3A_289 = vector.shape_cast %mul3A_284 : vector<16xf32> to vector<1x16xf32>
        tpu.vector_store %arg11[%swap3A_285, %swap3A_286], %swap3A_289 {strides = array<i32>} : memref<16x1024xf32, #tpu.memory_space<vmem>>, vector<1x16xf32>,
        %get3A_290 = arith.index_cast %scan3A_104 : i32 to index
        %get3A_291 = arith.constant 176 : index
        %get3A_292 = tpu.vector_load %arg9[%get3A_290, %get3A_291] {strides = array<i32>} : memref<16x1024xf32, #tpu.memory_space<vmem>>, vector<1x16xf32>,
        %get3A_293 = vector.shape_cast %get3A_292 : vector<1x16xf32> to vector<16xf32>
        %get3A_294 = arith.index_cast %scan3A_104 : i32 to index
        %get3A_295 = arith.constant 176 : index
        %get3A_296 = tpu.vector_load %arg10[%get3A_294, %get3A_295] {strides = array<i32>} : memref<16x1024xf32, #tpu.memory_space<vmem>>, vector<1x16xf32>,
        %get3A_297 = vector.shape_cast %get3A_296 : vector<1x16xf32> to vector<16xf32>
        %add3A_298 = arith.addf %get3A_293, %get3A_297 : vector<16xf32>
        %mul3A_299 = arith.constant 3.200000e+01 : f32
        %mul3A_300 = vector.broadcast %mul3A_299 : f32 to vector<16xf32>
        %mul3A_301 = arith.mulf %add3A_298, %mul3A_300 : vector<16xf32>
        %swap3A_302 = arith.index_cast %scan3A_104 : i32 to index
        %swap3A_303 = arith.constant 176 : index
        %swap3A_304 = tpu.vector_load %arg11[%swap3A_302, %swap3A_303] {strides = array<i32>} : memref<16x1024xf32, #tpu.memory_space<vmem>>, vector<1x16xf32>,
        %swap3A_305 = vector.shape_cast %swap3A_304 : vector<1x16xf32> to vector<16xf32>
        %swap3A_306 = vector.shape_cast %mul3A_301 : vector<16xf32> to vector<1x16xf32>
        tpu.vector_store %arg11[%swap3A_302, %swap3A_303], %swap3A_306 {strides = array<i32>} : memref<16x1024xf32, #tpu.memory_space<vmem>>, vector<1x16xf32>,
        %get3A_307 = arith.index_cast %scan3A_104 : i32 to index
        %get3A_308 = arith.constant 192 : index
        %get3A_309 = tpu.vector_load %arg9[%get3A_307, %get3A_308] {strides = array<i32>} : memref<16x1024xf32, #tpu.memory_space<vmem>>, vector<1x16xf32>,
        %get3A_310 = vector.shape_cast %get3A_309 : vector<1x16xf32> to vector<16xf32>
        %get3A_311 = arith.index_cast %scan3A_104 : i32 to index
        %get3A_312 = arith.constant 192 : index
        %get3A_313 = tpu.vector_load %arg10[%get3A_311, %get3A_312] {strides = array<i32>} : memref<16x1024xf32, #tpu.memory_space<vmem>>, vector<1x16xf32>,
        %get3A_314 = vector.shape_cast %get3A_313 : vector<1x16xf32> to vector<16xf32>
        %add3A_315 = arith.addf %get3A_310, %get3A_314 : vector<16xf32>
        %mul3A_316 = arith.constant 3.200000e+01 : f32
        %mul3A_317 = vector.broadcast %mul3A_316 : f32 to vector<16xf32>
        %mul3A_318 = arith.mulf %add3A_315, %mul3A_317 : vector<16xf32>
        %swap3A_319 = arith.index_cast %scan3A_104 : i32 to index
        %swap3A_320 = arith.constant 192 : index
        %swap3A_321 = tpu.vector_load %arg11[%swap3A_319, %swap3A_320] {strides = array<i32>} : memref<16x1024xf32, #tpu.memory_space<vmem>>, vector<1x16xf32>,
        %swap3A_322 = vector.shape_cast %swap3A_321 : vector<1x16xf32> to vector<16xf32>
        %swap3A_323 = vector.shape_cast %mul3A_318 : vector<16xf32> to vector<1x16xf32>
        tpu.vector_store %arg11[%swap3A_319, %swap3A_320], %swap3A_323 {strides = array<i32>} : memref<16x1024xf32, #tpu.memory_space<vmem>>, vector<1x16xf32>,
        %get3A_324 = arith.index_cast %scan3A_104 : i32 to index
        %get3A_325 = arith.constant 208 : index
        %get3A_326 = tpu.vector_load %arg9[%get3A_324, %get3A_325] {strides = array<i32>} : memref<16x1024xf32, #tpu.memory_space<vmem>>, vector<1x16xf32>,
        %get3A_327 = vector.shape_cast %get3A_326 : vector<1x16xf32> to vector<16xf32>
        %get3A_328 = arith.index_cast %scan3A_104 : i32 to index
        %get3A_329 = arith.constant 208 : index
        %get3A_330 = tpu.vector_load %arg10[%get3A_328, %get3A_329] {strides = array<i32>} : memref<16x1024xf32, #tpu.memory_space<vmem>>, vector<1x16xf32>,
        %get3A_331 = vector.shape_cast %get3A_330 : vector<1x16xf32> to vector<16xf32>
        %add3A_332 = arith.addf %get3A_327, %get3A_331 : vector<16xf32>
        %mul3A_333 = arith.constant 3.200000e+01 : f32
        %mul3A_334 = vector.broadcast %mul3A_333 : f32 to vector<16xf32>
        %mul3A_335 = arith.mulf %add3A_332, %mul3A_334 : vector<16xf32>
        %swap3A_336 = arith.index_cast %scan3A_104 : i32 to index
        %swap3A_337 = arith.constant 208 : index
        %swap3A_338 = tpu.vector_load %arg11[%swap3A_336, %swap3A_337] {strides = array<i32>} : memref<16x1024xf32, #tpu.memory_space<vmem>>, vector<1x16xf32>,
        %swap3A_339 = vector.shape_cast %swap3A_338 : vector<1x16xf32> to vector<16xf32>
        %swap3A_340 = vector.shape_cast %mul3A_335 : vector<16xf32> to vector<1x16xf32>
        tpu.vector_store %arg11[%swap3A_336, %swap3A_337], %swap3A_340 {strides = array<i32>} : memref<16x1024xf32, #tpu.memory_space<vmem>>, vector<1x16xf32>,
        %get3A_341 = arith.index_cast %scan3A_104 : i32 to index
        %get3A_342 = arith.constant 224 : index
        %get3A_343 = tpu.vector_load %arg9[%get3A_341, %get3A_342] {strides = array<i32>} : memref<16x1024xf32, #tpu.memory_space<vmem>>, vector<1x16xf32>,
        %get3A_344 = vector.shape_cast %get3A_343 : vector<1x16xf32> to vector<16xf32>
        %get3A_345 = arith.index_cast %scan3A_104 : i32 to index
        %get3A_346 = arith.constant 224 : index
        %get3A_347 = tpu.vector_load %arg10[%get3A_345, %get3A_346] {strides = array<i32>} : memref<16x1024xf32, #tpu.memory_space<vmem>>, vector<1x16xf32>,
        %get3A_348 = vector.shape_cast %get3A_347 : vector<1x16xf32> to vector<16xf32>
        %add3A_349 = arith.addf %get3A_344, %get3A_348 : vector<16xf32>
        %mul3A_350 = arith.constant 3.200000e+01 : f32
        %mul3A_351 = vector.broadcast %mul3A_350 : f32 to vector<16xf32>
        %mul3A_352 = arith.mulf %add3A_349, %mul3A_351 : vector<16xf32>
        %swap3A_353 = arith.index_cast %scan3A_104 : i32 to index
        %swap3A_354 = arith.constant 224 : index
        %swap3A_355 = tpu.vector_load %arg11[%swap3A_353, %swap3A_354] {strides = array<i32>} : memref<16x1024xf32, #tpu.memory_space<vmem>>, vector<1x16xf32>,
        %swap3A_356 = vector.shape_cast %swap3A_355 : vector<1x16xf32> to vector<16xf32>
        %swap3A_357 = vector.shape_cast %mul3A_352 : vector<16xf32> to vector<1x16xf32>
        tpu.vector_store %arg11[%swap3A_353, %swap3A_354], %swap3A_357 {strides = array<i32>} : memref<16x1024xf32, #tpu.memory_space<vmem>>, vector<1x16xf32>,
        %get3A_358 = arith.index_cast %scan3A_104 : i32 to index
        %get3A_359 = arith.constant 240 : index
        %get3A_360 = tpu.vector_load %arg9[%get3A_358, %get3A_359] {strides = array<i32>} : memref<16x1024xf32, #tpu.memory_space<vmem>>, vector<1x16xf32>,
        %get3A_361 = vector.shape_cast %get3A_360 : vector<1x16xf32> to vector<16xf32>
        %get3A_362 = arith.index_cast %scan3A_104 : i32 to index
        %get3A_363 = arith.constant 240 : index
        %get3A_364 = tpu.vector_load %arg10[%get3A_362, %get3A_363] {strides = array<i32>} : memref<16x1024xf32, #tpu.memory_space<vmem>>, vector<1x16xf32>,
        %get3A_365 = vector.shape_cast %get3A_364 : vector<1x16xf32> to vector<16xf32>
        %add3A_366 = arith.addf %get3A_361, %get3A_365 : vector<16xf32>
        %mul3A_367 = arith.constant 3.200000e+01 : f32
        %mul3A_368 = vector.broadcast %mul3A_367 : f32 to vector<16xf32>
        %mul3A_369 = arith.mulf %add3A_366, %mul3A_368 : vector<16xf32>
        %swap3A_370 = arith.index_cast %scan3A_104 : i32 to index
        %swap3A_371 = arith.constant 240 : index
        %swap3A_372 = tpu.vector_load %arg11[%swap3A_370, %swap3A_371] {strides = array<i32>} : memref<16x1024xf32, #tpu.memory_space<vmem>>, vector<1x16xf32>,
        %swap3A_373 = vector.shape_cast %swap3A_372 : vector<1x16xf32> to vector<16xf32>
        %swap3A_374 = vector.shape_cast %mul3A_369 : vector<16xf32> to vector<1x16xf32>
        tpu.vector_store %arg11[%swap3A_370, %swap3A_371], %swap3A_374 {strides = array<i32>} : memref<16x1024xf32, #tpu.memory_space<vmem>>, vector<1x16xf32>,
        %get3A_375 = arith.index_cast %scan3A_104 : i32 to index
        %get3A_376 = arith.constant 256 : index
        %get3A_377 = tpu.vector_load %arg9[%get3A_375, %get3A_376] {strides = array<i32>} : memref<16x1024xf32, #tpu.memory_space<vmem>>, vector<1x16xf32>,
        %get3A_378 = vector.shape_cast %get3A_377 : vector<1x16xf32> to vector<16xf32>
        %get3A_379 = arith.index_cast %scan3A_104 : i32 to index
        %get3A_380 = arith.constant 256 : index
        %get3A_381 = tpu.vector_load %arg10[%get3A_379, %get3A_380] {strides = array<i32>} : memref<16x1024xf32, #tpu.memory_space<vmem>>, vector<1x16xf32>,
        %get3A_382 = vector.shape_cast %get3A_381 : vector<1x16xf32> to vector<16xf32>
        %add3A_383 = arith.addf %get3A_378, %get3A_382 : vector<16xf32>
        %mul3A_384 = arith.constant 3.200000e+01 : f32
        %mul3A_385 = vector.broadcast %mul3A_384 : f32 to vector<16xf32>
        %mul3A_386 = arith.mulf %add3A_383, %mul3A_385 : vector<16xf32>
        %swap3A_387 = arith.index_cast %scan3A_104 : i32 to index
        %swap3A_388 = arith.constant 256 : index
        %swap3A_389 = tpu.vector_load %arg11[%swap3A_387, %swap3A_388] {strides = array<i32>} : memref<16x1024xf32, #tpu.memory_space<vmem>>, vector<1x16xf32>,
        %swap3A_390 = vector.shape_cast %swap3A_389 : vector<1x16xf32> to vector<16xf32>
        %swap3A_391 = vector.shape_cast %mul3A_386 : vector<16xf32> to vector<1x16xf32>
        tpu.vector_store %arg11[%swap3A_387, %swap3A_388], %swap3A_391 {strides = array<i32>} : memref<16x1024xf32, #tpu.memory_space<vmem>>, vector<1x16xf32>,
        %get3A_392 = arith.index_cast %scan3A_104 : i32 to index
        %get3A_393 = arith.constant 272 : index
        %get3A_394 = tpu.vector_load %arg9[%get3A_392, %get3A_393] {strides = array<i32>} : memref<16x1024xf32, #tpu.memory_space<vmem>>, vector<1x16xf32>,
        %get3A_395 = vector.shape_cast %get3A_394 : vector<1x16xf32> to vector<16xf32>
        %get3A_396 = arith.index_cast %scan3A_104 : i32 to index
        %get3A_397 = arith.constant 272 : index
        %get3A_398 = tpu.vector_load %arg10[%get3A_396, %get3A_397] {strides = array<i32>} : memref<16x1024xf32, #tpu.memory_space<vmem>>, vector<1x16xf32>,
        %get3A_399 = vector.shape_cast %get3A_398 : vector<1x16xf32> to vector<16xf32>
        %add3A_400 = arith.addf %get3A_395, %get3A_399 : vector<16xf32>
        %mul3A_401 = arith.constant 3.200000e+01 : f32
        %mul3A_402 = vector.broadcast %mul3A_401 : f32 to vector<16xf32>
        %mul3A_403 = arith.mulf %add3A_400, %mul3A_402 : vector<16xf32>
        %swap3A_404 = arith.index_cast %scan3A_104 : i32 to index
        %swap3A_405 = arith.constant 272 : index
        %swap3A_406 = tpu.vector_load %arg11[%swap3A_404, %swap3A_405] {strides = array<i32>} : memref<16x1024xf32, #tpu.memory_space<vmem>>, vector<1x16xf32>,
        %swap3A_407 = vector.shape_cast %swap3A_406 : vector<1x16xf32> to vector<16xf32>
        %swap3A_408 = vector.shape_cast %mul3A_403 : vector<16xf32> to vector<1x16xf32>
        tpu.vector_store %arg11[%swap3A_404, %swap3A_405], %swap3A_408 {strides = array<i32>} : memref<16x1024xf32, #tpu.memory_space<vmem>>, vector<1x16xf32>,
        %get3A_409 = arith.index_cast %scan3A_104 : i32 to index
        %get3A_410 = arith.constant 288 : index
        %get3A_411 = tpu.vector_load %arg9[%get3A_409, %get3A_410] {strides = array<i32>} : memref<16x1024xf32, #tpu.memory_space<vmem>>, vector<1x16xf32>,
        %get3A_412 = vector.shape_cast %get3A_411 : vector<1x16xf32> to vector<16xf32>
        %get3A_413 = arith.index_cast %scan3A_104 : i32 to index
        %get3A_414 = arith.constant 288 : index
        %get3A_415 = tpu.vector_load %arg10[%get3A_413, %get3A_414] {strides = array<i32>} : memref<16x1024xf32, #tpu.memory_space<vmem>>, vector<1x16xf32>,
        %get3A_416 = vector.shape_cast %get3A_415 : vector<1x16xf32> to vector<16xf32>
        %add3A_417 = arith.addf %get3A_412, %get3A_416 : vector<16xf32>
        %mul3A_418 = arith.constant 3.200000e+01 : f32
        %mul3A_419 = vector.broadcast %mul3A_418 : f32 to vector<16xf32>
        %mul3A_420 = arith.mulf %add3A_417, %mul3A_419 : vector<16xf32>
        %swap3A_421 = arith.index_cast %scan3A_104 : i32 to index
        %swap3A_422 = arith.constant 288 : index
        %swap3A_423 = tpu.vector_load %arg11[%swap3A_421, %swap3A_422] {strides = array<i32>} : memref<16x1024xf32, #tpu.memory_space<vmem>>, vector<1x16xf32>,
        %swap3A_424 = vector.shape_cast %swap3A_423 : vector<1x16xf32> to vector<16xf32>
        %swap3A_425 = vector.shape_cast %mul3A_420 : vector<16xf32> to vector<1x16xf32>
        tpu.vector_store %arg11[%swap3A_421, %swap3A_422], %swap3A_425 {strides = array<i32>} : memref<16x1024xf32, #tpu.memory_space<vmem>>, vector<1x16xf32>,
        %get3A_426 = arith.index_cast %scan3A_104 : i32 to index
        %get3A_427 = arith.constant 304 : index
        %get3A_428 = tpu.vector_load %arg9[%get3A_426, %get3A_427] {strides = array<i32>} : memref<16x1024xf32, #tpu.memory_space<vmem>>, vector<1x16xf32>,
        %get3A_429 = vector.shape_cast %get3A_428 : vector<1x16xf32> to vector<16xf32>
        %get3A_430 = arith.index_cast %scan3A_104 : i32 to index
        %get3A_431 = arith.constant 304 : index
        %get3A_432 = tpu.vector_load %arg10[%get3A_430, %get3A_431] {strides = array<i32>} : memref<16x1024xf32, #tpu.memory_space<vmem>>, vector<1x16xf32>,
        %get3A_433 = vector.shape_cast %get3A_432 : vector<1x16xf32> to vector<16xf32>
        %add3A_434 = arith.addf %get3A_429, %get3A_433 : vector<16xf32>
        %mul3A_435 = arith.constant 3.200000e+01 : f32
        %mul3A_436 = vector.broadcast %mul3A_435 : f32 to vector<16xf32>
        %mul3A_437 = arith.mulf %add3A_434, %mul3A_436 : vector<16xf32>
        %swap3A_438 = arith.index_cast %scan3A_104 : i32 to index
        %swap3A_439 = arith.constant 304 : index
        %swap3A_440 = tpu.vector_load %arg11[%swap3A_438, %swap3A_439] {strides = array<i32>} : memref<16x1024xf32, #tpu.memory_space<vmem>>, vector<1x16xf32>,
        %swap3A_441 = vector.shape_cast %swap3A_440 : vector<1x16xf32> to vector<16xf32>
        %swap3A_442 = vector.shape_cast %mul3A_437 : vector<16xf32> to vector<1x16xf32>
        tpu.vector_store %arg11[%swap3A_438, %swap3A_439], %swap3A_442 {strides = array<i32>} : memref<16x1024xf32, #tpu.memory_space<vmem>>, vector<1x16xf32>,
        %get3A_443 = arith.index_cast %scan3A_104 : i32 to index
        %get3A_444 = arith.constant 320 : index
        %get3A_445 = tpu.vector_load %arg9[%get3A_443, %get3A_444] {strides = array<i32>} : memref<16x1024xf32, #tpu.memory_space<vmem>>, vector<1x16xf32>,
        %get3A_446 = vector.shape_cast %get3A_445 : vector<1x16xf32> to vector<16xf32>
        %get3A_447 = arith.index_cast %scan3A_104 : i32 to index
        %get3A_448 = arith.constant 320 : index
        %get3A_449 = tpu.vector_load %arg10[%get3A_447, %get3A_448] {strides = array<i32>} : memref<16x1024xf32, #tpu.memory_space<vmem>>, vector<1x16xf32>,
        %get3A_450 = vector.shape_cast %get3A_449 : vector<1x16xf32> to vector<16xf32>
        %add3A_451 = arith.addf %get3A_446, %get3A_450 : vector<16xf32>
        %mul3A_452 = arith.constant 3.200000e+01 : f32
        %mul3A_453 = vector.broadcast %mul3A_452 : f32 to vector<16xf32>
        %mul3A_454 = arith.mulf %add3A_451, %mul3A_453 : vector<16xf32>
        %swap3A_455 = arith.index_cast %scan3A_104 : i32 to index
        %swap3A_456 = arith.constant 320 : index
        %swap3A_457 = tpu.vector_load %arg11[%swap3A_455, %swap3A_456] {strides = array<i32>} : memref<16x1024xf32, #tpu.memory_space<vmem>>, vector<1x16xf32>,
        %swap3A_458 = vector.shape_cast %swap3A_457 : vector<1x16xf32> to vector<16xf32>
        %swap3A_459 = vector.shape_cast %mul3A_454 : vector<16xf32> to vector<1x16xf32>
        tpu.vector_store %arg11[%swap3A_455, %swap3A_456], %swap3A_459 {strides = array<i32>} : memref<16x1024xf32, #tpu.memory_space<vmem>>, vector<1x16xf32>,
        %get3A_460 = arith.index_cast %scan3A_104 : i32 to index
        %get3A_461 = arith.constant 336 : index
        %get3A_462 = tpu.vector_load %arg9[%get3A_460, %get3A_461] {strides = array<i32>} : memref<16x1024xf32, #tpu.memory_space<vmem>>, vector<1x16xf32>,
        %get3A_463 = vector.shape_cast %get3A_462 : vector<1x16xf32> to vector<16xf32>
        %get3A_464 = arith.index_cast %scan3A_104 : i32 to index
        %get3A_465 = arith.constant 336 : index
        %get3A_466 = tpu.vector_load %arg10[%get3A_464, %get3A_465] {strides = array<i32>} : memref<16x1024xf32, #tpu.memory_space<vmem>>, vector<1x16xf32>,
        %get3A_467 = vector.shape_cast %get3A_466 : vector<1x16xf32> to vector<16xf32>
        %add3A_468 = arith.addf %get3A_463, %get3A_467 : vector<16xf32>
        %mul3A_469 = arith.constant 3.200000e+01 : f32
        %mul3A_470 = vector.broadcast %mul3A_469 : f32 to vector<16xf32>
        %mul3A_471 = arith.mulf %add3A_468, %mul3A_470 : vector<16xf32>
        %swap3A_472 = arith.index_cast %scan3A_104 : i32 to index
        %swap3A_473 = arith.constant 336 : index
        %swap3A_474 = tpu.vector_load %arg11[%swap3A_472, %swap3A_473] {strides = array<i32>} : memref<16x1024xf32, #tpu.memory_space<vmem>>, vector<1x16xf32>,
        %swap3A_475 = vector.shape_cast %swap3A_474 : vector<1x16xf32> to vector<16xf32>
        %swap3A_476 = vector.shape_cast %mul3A_471 : vector<16xf32> to vector<1x16xf32>
        tpu.vector_store %arg11[%swap3A_472, %swap3A_473], %swap3A_476 {strides = array<i32>} : memref<16x1024xf32, #tpu.memory_space<vmem>>, vector<1x16xf32>,
        %get3A_477 = arith.index_cast %scan3A_104 : i32 to index
        %get3A_478 = arith.constant 352 : index
        %get3A_479 = tpu.vector_load %arg9[%get3A_477, %get3A_478] {strides = array<i32>} : memref<16x1024xf32, #tpu.memory_space<vmem>>, vector<1x16xf32>,
        %get3A_480 = vector.shape_cast %get3A_479 : vector<1x16xf32> to vector<16xf32>
        %get3A_481 = arith.index_cast %scan3A_104 : i32 to index
        %get3A_482 = arith.constant 352 : index
        %get3A_483 = tpu.vector_load %arg10[%get3A_481, %get3A_482] {strides = array<i32>} : memref<16x1024xf32, #tpu.memory_space<vmem>>, vector<1x16xf32>,
        %get3A_484 = vector.shape_cast %get3A_483 : vector<1x16xf32> to vector<16xf32>
        %add3A_485 = arith.addf %get3A_480, %get3A_484 : vector<16xf32>
        %mul3A_486 = arith.constant 3.200000e+01 : f32
        %mul3A_487 = vector.broadcast %mul3A_486 : f32 to vector<16xf32>
        %mul3A_488 = arith.mulf %add3A_485, %mul3A_487 : vector<16xf32>
        %swap3A_489 = arith.index_cast %scan3A_104 : i32 to index
        %swap3A_490 = arith.constant 352 : index
        %swap3A_491 = tpu.vector_load %arg11[%swap3A_489, %swap3A_490] {strides = array<i32>} : memref<16x1024xf32, #tpu.memory_space<vmem>>, vector<1x16xf32>,
        %swap3A_492 = vector.shape_cast %swap3A_491 : vector<1x16xf32> to vector<16xf32>
        %swap3A_493 = vector.shape_cast %mul3A_488 : vector<16xf32> to vector<1x16xf32>
        tpu.vector_store %arg11[%swap3A_489, %swap3A_490], %swap3A_493 {strides = array<i32>} : memref<16x1024xf32, #tpu.memory_space<vmem>>, vector<1x16xf32>,
        %get3A_494 = arith.index_cast %scan3A_104 : i32 to index
        %get3A_495 = arith.constant 368 : index
        %get3A_496 = tpu.vector_load %arg9[%get3A_494, %get3A_495] {strides = array<i32>} : memref<16x1024xf32, #tpu.memory_space<vmem>>, vector<1x16xf32>,
        %get3A_497 = vector.shape_cast %get3A_496 : vector<1x16xf32> to vector<16xf32>
        %get3A_498 = arith.index_cast %scan3A_104 : i32 to index
        %get3A_499 = arith.constant 368 : index
        %get3A_500 = tpu.vector_load %arg10[%get3A_498, %get3A_499] {strides = array<i32>} : memref<16x1024xf32, #tpu.memory_space<vmem>>, vector<1x16xf32>,
        %get3A_501 = vector.shape_cast %get3A_500 : vector<1x16xf32> to vector<16xf32>
        %add3A_502 = arith.addf %get3A_497, %get3A_501 : vector<16xf32>
        %mul3A_503 = arith.constant 3.200000e+01 : f32
        %mul3A_504 = vector.broadcast %mul3A_503 : f32 to vector<16xf32>
        %mul3A_505 = arith.mulf %add3A_502, %mul3A_504 : vector<16xf32>
        %swap3A_506 = arith.index_cast %scan3A_104 : i32 to index
        %swap3A_507 = arith.constant 368 : index
        %swap3A_508 = tpu.vector_load %arg11[%swap3A_506, %swap3A_507] {strides = array<i32>} : memref<16x1024xf32, #tpu.memory_space<vmem>>, vector<1x16xf32>,
        %swap3A_509 = vector.shape_cast %swap3A_508 : vector<1x16xf32> to vector<16xf32>
        %swap3A_510 = vector.shape_cast %mul3A_505 : vector<16xf32> to vector<1x16xf32>
        tpu.vector_store %arg11[%swap3A_506, %swap3A_507], %swap3A_510 {strides = array<i32>} : memref<16x1024xf32, #tpu.memory_space<vmem>>, vector<1x16xf32>,
        %get3A_511 = arith.index_cast %scan3A_104 : i32 to index
        %get3A_512 = arith.constant 384 : index
        %get3A_513 = tpu.vector_load %arg9[%get3A_511, %get3A_512] {strides = array<i32>} : memref<16x1024xf32, #tpu.memory_space<vmem>>, vector<1x16xf32>,
        %get3A_514 = vector.shape_cast %get3A_513 : vector<1x16xf32> to vector<16xf32>
        %get3A_515 = arith.index_cast %scan3A_104 : i32 to index
        %get3A_516 = arith.constant 384 : index
        %get3A_517 = tpu.vector_load %arg10[%get3A_515, %get3A_516] {strides = array<i32>} : memref<16x1024xf32, #tpu.memory_space<vmem>>, vector<1x16xf32>,
        %get3A_518 = vector.shape_cast %get3A_517 : vector<1x16xf32> to vector<16xf32>
        %add3A_519 = arith.addf %get3A_514, %get3A_518 : vector<16xf32>
        %mul3A_520 = arith.constant 3.200000e+01 : f32
        %mul3A_521 = vector.broadcast %mul3A_520 : f32 to vector<16xf32>
        %mul3A_522 = arith.mulf %add3A_519, %mul3A_521 : vector<16xf32>
        %swap3A_523 = arith.index_cast %scan3A_104 : i32 to index
        %swap3A_524 = arith.constant 384 : index
        %swap3A_525 = tpu.vector_load %arg11[%swap3A_523, %swap3A_524] {strides = array<i32>} : memref<16x1024xf32, #tpu.memory_space<vmem>>, vector<1x16xf32>,
        %swap3A_526 = vector.shape_cast %swap3A_525 : vector<1x16xf32> to vector<16xf32>
        %swap3A_527 = vector.shape_cast %mul3A_522 : vector<16xf32> to vector<1x16xf32>
        tpu.vector_store %arg11[%swap3A_523, %swap3A_524], %swap3A_527 {strides = array<i32>} : memref<16x1024xf32, #tpu.memory_space<vmem>>, vector<1x16xf32>,
        %get3A_528 = arith.index_cast %scan3A_104 : i32 to index
        %get3A_529 = arith.constant 400 : index
        %get3A_530 = tpu.vector_load %arg9[%get3A_528, %get3A_529] {strides = array<i32>} : memref<16x1024xf32, #tpu.memory_space<vmem>>, vector<1x16xf32>,
        %get3A_531 = vector.shape_cast %get3A_530 : vector<1x16xf32> to vector<16xf32>
        %get3A_532 = arith.index_cast %scan3A_104 : i32 to index
        %get3A_533 = arith.constant 400 : index
        %get3A_534 = tpu.vector_load %arg10[%get3A_532, %get3A_533] {strides = array<i32>} : memref<16x1024xf32, #tpu.memory_space<vmem>>, vector<1x16xf32>,
        %get3A_535 = vector.shape_cast %get3A_534 : vector<1x16xf32> to vector<16xf32>
        %add3A_536 = arith.addf %get3A_531, %get3A_535 : vector<16xf32>
        %mul3A_537 = arith.constant 3.200000e+01 : f32
        %mul3A_538 = vector.broadcast %mul3A_537 : f32 to vector<16xf32>
        %mul3A_539 = arith.mulf %add3A_536, %mul3A_538 : vector<16xf32>
        %swap3A_540 = arith.index_cast %scan3A_104 : i32 to index
        %swap3A_541 = arith.constant 400 : index
        %swap3A_542 = tpu.vector_load %arg11[%swap3A_540, %swap3A_541] {strides = array<i32>} : memref<16x1024xf32, #tpu.memory_space<vmem>>, vector<1x16xf32>,
        %swap3A_543 = vector.shape_cast %swap3A_542 : vector<1x16xf32> to vector<16xf32>
        %swap3A_544 = vector.shape_cast %mul3A_539 : vector<16xf32> to vector<1x16xf32>
        tpu.vector_store %arg11[%swap3A_540, %swap3A_541], %swap3A_544 {strides = array<i32>} : memref<16x1024xf32, #tpu.memory_space<vmem>>, vector<1x16xf32>,
        %get3A_545 = arith.index_cast %scan3A_104 : i32 to index
        %get3A_546 = arith.constant 416 : index
        %get3A_547 = tpu.vector_load %arg9[%get3A_545, %get3A_546] {strides = array<i32>} : memref<16x1024xf32, #tpu.memory_space<vmem>>, vector<1x16xf32>,
        %get3A_548 = vector.shape_cast %get3A_547 : vector<1x16xf32> to vector<16xf32>
        %get3A_549 = arith.index_cast %scan3A_104 : i32 to index
        %get3A_550 = arith.constant 416 : index
        %get3A_551 = tpu.vector_load %arg10[%get3A_549, %get3A_550] {strides = array<i32>} : memref<16x1024xf32, #tpu.memory_space<vmem>>, vector<1x16xf32>,
        %get3A_552 = vector.shape_cast %get3A_551 : vector<1x16xf32> to vector<16xf32>
        %add3A_553 = arith.addf %get3A_548, %get3A_552 : vector<16xf32>
        %mul3A_554 = arith.constant 3.200000e+01 : f32
        %mul3A_555 = vector.broadcast %mul3A_554 : f32 to vector<16xf32>
        %mul3A_556 = arith.mulf %add3A_553, %mul3A_555 : vector<16xf32>
        %swap3A_557 = arith.index_cast %scan3A_104 : i32 to index
        %swap3A_558 = arith.constant 416 : index
        %swap3A_559 = tpu.vector_load %arg11[%swap3A_557, %swap3A_558] {strides = array<i32>} : memref<16x1024xf32, #tpu.memory_space<vmem>>, vector<1x16xf32>,
        %swap3A_560 = vector.shape_cast %swap3A_559 : vector<1x16xf32> to vector<16xf32>
        %swap3A_561 = vector.shape_cast %mul3A_556 : vector<16xf32> to vector<1x16xf32>
        tpu.vector_store %arg11[%swap3A_557, %swap3A_558], %swap3A_561 {strides = array<i32>} : memref<16x1024xf32, #tpu.memory_space<vmem>>, vector<1x16xf32>,
        %get3A_562 = arith.index_cast %scan3A_104 : i32 to index
        %get3A_563 = arith.constant 432 : index
        %get3A_564 = tpu.vector_load %arg9[%get3A_562, %get3A_563] {strides = array<i32>} : memref<16x1024xf32, #tpu.memory_space<vmem>>, vector<1x16xf32>,
        %get3A_565 = vector.shape_cast %get3A_564 : vector<1x16xf32> to vector<16xf32>
        %get3A_566 = arith.index_cast %scan3A_104 : i32 to index
        %get3A_567 = arith.constant 432 : index
        %get3A_568 = tpu.vector_load %arg10[%get3A_566, %get3A_567] {strides = array<i32>} : memref<16x1024xf32, #tpu.memory_space<vmem>>, vector<1x16xf32>,
        %get3A_569 = vector.shape_cast %get3A_568 : vector<1x16xf32> to vector<16xf32>
        %add3A_570 = arith.addf %get3A_565, %get3A_569 : vector<16xf32>
        %mul3A_571 = arith.constant 3.200000e+01 : f32
        %mul3A_572 = vector.broadcast %mul3A_571 : f32 to vector<16xf32>
        %mul3A_573 = arith.mulf %add3A_570, %mul3A_572 : vector<16xf32>
        %swap3A_574 = arith.index_cast %scan3A_104 : i32 to index
        %swap3A_575 = arith.constant 432 : index
        %swap3A_576 = tpu.vector_load %arg11[%swap3A_574, %swap3A_575] {strides = array<i32>} : memref<16x1024xf32, #tpu.memory_space<vmem>>, vector<1x16xf32>,
        %swap3A_577 = vector.shape_cast %swap3A_576 : vector<1x16xf32> to vector<16xf32>
        %swap3A_578 = vector.shape_cast %mul3A_573 : vector<16xf32> to vector<1x16xf32>
        tpu.vector_store %arg11[%swap3A_574, %swap3A_575], %swap3A_578 {strides = array<i32>} : memref<16x1024xf32, #tpu.memory_space<vmem>>, vector<1x16xf32>,
        %get3A_579 = arith.index_cast %scan3A_104 : i32 to index
        %get3A_580 = arith.constant 448 : index
        %get3A_581 = tpu.vector_load %arg9[%get3A_579, %get3A_580] {strides = array<i32>} : memref<16x1024xf32, #tpu.memory_space<vmem>>, vector<1x16xf32>,
        %get3A_582 = vector.shape_cast %get3A_581 : vector<1x16xf32> to vector<16xf32>
        %get3A_583 = arith.index_cast %scan3A_104 : i32 to index
        %get3A_584 = arith.constant 448 : index
        %get3A_585 = tpu.vector_load %arg10[%get3A_583, %get3A_584] {strides = array<i32>} : memref<16x1024xf32, #tpu.memory_space<vmem>>, vector<1x16xf32>,
        %get3A_586 = vector.shape_cast %get3A_585 : vector<1x16xf32> to vector<16xf32>
        %add3A_587 = arith.addf %get3A_582, %get3A_586 : vector<16xf32>
        %mul3A_588 = arith.constant 3.200000e+01 : f32
        %mul3A_589 = vector.broadcast %mul3A_588 : f32 to vector<16xf32>
        %mul3A_590 = arith.mulf %add3A_587, %mul3A_589 : vector<16xf32>
        %swap3A_591 = arith.index_cast %scan3A_104 : i32 to index
        %swap3A_592 = arith.constant 448 : index
        %swap3A_593 = tpu.vector_load %arg11[%swap3A_591, %swap3A_592] {strides = array<i32>} : memref<16x1024xf32, #tpu.memory_space<vmem>>, vector<1x16xf32>,
        %swap3A_594 = vector.shape_cast %swap3A_593 : vector<1x16xf32> to vector<16xf32>
        %swap3A_595 = vector.shape_cast %mul3A_590 : vector<16xf32> to vector<1x16xf32>
        tpu.vector_store %arg11[%swap3A_591, %swap3A_592], %swap3A_595 {strides = array<i32>} : memref<16x1024xf32, #tpu.memory_space<vmem>>, vector<1x16xf32>,
        %get3A_596 = arith.index_cast %scan3A_104 : i32 to index
        %get3A_597 = arith.constant 464 : index
        %get3A_598 = tpu.vector_load %arg9[%get3A_596, %get3A_597] {strides = array<i32>} : memref<16x1024xf32, #tpu.memory_space<vmem>>, vector<1x16xf32>,
        %get3A_599 = vector.shape_cast %get3A_598 : vector<1x16xf32> to vector<16xf32>
        %get3A_600 = arith.index_cast %scan3A_104 : i32 to index
        %get3A_601 = arith.constant 464 : index
        %get3A_602 = tpu.vector_load %arg10[%get3A_600, %get3A_601] {strides = array<i32>} : memref<16x1024xf32, #tpu.memory_space<vmem>>, vector<1x16xf32>,
        %get3A_603 = vector.shape_cast %get3A_602 : vector<1x16xf32> to vector<16xf32>
        %add3A_604 = arith.addf %get3A_599, %get3A_603 : vector<16xf32>
        %mul3A_605 = arith.constant 3.200000e+01 : f32
        %mul3A_606 = vector.broadcast %mul3A_605 : f32 to vector<16xf32>
        %mul3A_607 = arith.mulf %add3A_604, %mul3A_606 : vector<16xf32>
        %swap3A_608 = arith.index_cast %scan3A_104 : i32 to index
        %swap3A_609 = arith.constant 464 : index
        %swap3A_610 = tpu.vector_load %arg11[%swap3A_608, %swap3A_609] {strides = array<i32>} : memref<16x1024xf32, #tpu.memory_space<vmem>>, vector<1x16xf32>,
        %swap3A_611 = vector.shape_cast %swap3A_610 : vector<1x16xf32> to vector<16xf32>
        %swap3A_612 = vector.shape_cast %mul3A_607 : vector<16xf32> to vector<1x16xf32>
        tpu.vector_store %arg11[%swap3A_608, %swap3A_609], %swap3A_612 {strides = array<i32>} : memref<16x1024xf32, #tpu.memory_space<vmem>>, vector<1x16xf32>,
        %get3A_613 = arith.index_cast %scan3A_104 : i32 to index
        %get3A_614 = arith.constant 480 : index
        %get3A_615 = tpu.vector_load %arg9[%get3A_613, %get3A_614] {strides = array<i32>} : memref<16x1024xf32, #tpu.memory_space<vmem>>, vector<1x16xf32>,
        %get3A_616 = vector.shape_cast %get3A_615 : vector<1x16xf32> to vector<16xf32>
        %get3A_617 = arith.index_cast %scan3A_104 : i32 to index
        %get3A_618 = arith.constant 480 : index
        %get3A_619 = tpu.vector_load %arg10[%get3A_617, %get3A_618] {strides = array<i32>} : memref<16x1024xf32, #tpu.memory_space<vmem>>, vector<1x16xf32>,
        %get3A_620 = vector.shape_cast %get3A_619 : vector<1x16xf32> to vector<16xf32>
        %add3A_621 = arith.addf %get3A_616, %get3A_620 : vector<16xf32>
        %mul3A_622 = arith.constant 3.200000e+01 : f32
        %mul3A_623 = vector.broadcast %mul3A_622 : f32 to vector<16xf32>
        %mul3A_624 = arith.mulf %add3A_621, %mul3A_623 : vector<16xf32>
        %swap3A_625 = arith.index_cast %scan3A_104 : i32 to index
        %swap3A_626 = arith.constant 480 : index
        %swap3A_627 = tpu.vector_load %arg11[%swap3A_625, %swap3A_626] {strides = array<i32>} : memref<16x1024xf32, #tpu.memory_space<vmem>>, vector<1x16xf32>,
        %swap3A_628 = vector.shape_cast %swap3A_627 : vector<1x16xf32> to vector<16xf32>
        %swap3A_629 = vector.shape_cast %mul3A_624 : vector<16xf32> to vector<1x16xf32>
        tpu.vector_store %arg11[%swap3A_625, %swap3A_626], %swap3A_629 {strides = array<i32>} : memref<16x1024xf32, #tpu.memory_space<vmem>>, vector<1x16xf32>,
        %get3A_630 = arith.index_cast %scan3A_104 : i32 to index
        %get3A_631 = arith.constant 496 : index
        %get3A_632 = tpu.vector_load %arg9[%get3A_630, %get3A_631] {strides = array<i32>} : memref<16x1024xf32, #tpu.memory_space<vmem>>, vector<1x16xf32>,
        %get3A_633 = vector.shape_cast %get3A_632 : vector<1x16xf32> to vector<16xf32>
        %get3A_634 = arith.index_cast %scan3A_104 : i32 to index
        %get3A_635 = arith.constant 496 : index
        %get3A_636 = tpu.vector_load %arg10[%get3A_634, %get3A_635] {strides = array<i32>} : memref<16x1024xf32, #tpu.memory_space<vmem>>, vector<1x16xf32>,
        %get3A_637 = vector.shape_cast %get3A_636 : vector<1x16xf32> to vector<16xf32>
        %add3A_638 = arith.addf %get3A_633, %get3A_637 : vector<16xf32>
        %mul3A_639 = arith.constant 3.200000e+01 : f32
        %mul3A_640 = vector.broadcast %mul3A_639 : f32 to vector<16xf32>
        %mul3A_641 = arith.mulf %add3A_638, %mul3A_640 : vector<16xf32>
        %swap3A_642 = arith.index_cast %scan3A_104 : i32 to index
        %swap3A_643 = arith.constant 496 : index
        %swap3A_644 = tpu.vector_load %arg11[%swap3A_642, %swap3A_643] {strides = array<i32>} : memref<16x1024xf32, #tpu.memory_space<vmem>>, vector<1x16xf32>,
        %swap3A_645 = vector.shape_cast %swap3A_644 : vector<1x16xf32> to vector<16xf32>
        %swap3A_646 = vector.shape_cast %mul3A_641 : vector<16xf32> to vector<1x16xf32>
        tpu.vector_store %arg11[%swap3A_642, %swap3A_643], %swap3A_646 {strides = array<i32>} : memref<16x1024xf32, #tpu.memory_space<vmem>>, vector<1x16xf32>,
        %get3A_647 = arith.index_cast %scan3A_104 : i32 to index
        %get3A_648 = arith.constant 512 : index
        %get3A_649 = tpu.vector_load %arg9[%get3A_647, %get3A_648] {strides = array<i32>} : memref<16x1024xf32, #tpu.memory_space<vmem>>, vector<1x16xf32>,
        %get3A_650 = vector.shape_cast %get3A_649 : vector<1x16xf32> to vector<16xf32>
        %get3A_651 = arith.index_cast %scan3A_104 : i32 to index
        %get3A_652 = arith.constant 512 : index
        %get3A_653 = tpu.vector_load %arg10[%get3A_651, %get3A_652] {strides = array<i32>} : memref<16x1024xf32, #tpu.memory_space<vmem>>, vector<1x16xf32>,
        %get3A_654 = vector.shape_cast %get3A_653 : vector<1x16xf32> to vector<16xf32>
        %add3A_655 = arith.addf %get3A_650, %get3A_654 : vector<16xf32>
        %mul3A_656 = arith.constant 3.200000e+01 : f32
        %mul3A_657 = vector.broadcast %mul3A_656 : f32 to vector<16xf32>
        %mul3A_658 = arith.mulf %add3A_655, %mul3A_657 : vector<16xf32>
        %swap3A_659 = arith.index_cast %scan3A_104 : i32 to index
        %swap3A_660 = arith.constant 512 : index
        %swap3A_661 = tpu.vector_load %arg11[%swap3A_659, %swap3A_660] {strides = array<i32>} : memref<16x1024xf32, #tpu.memory_space<vmem>>, vector<1x16xf32>,
        %swap3A_662 = vector.shape_cast %swap3A_661 : vector<1x16xf32> to vector<16xf32>
        %swap3A_663 = vector.shape_cast %mul3A_658 : vector<16xf32> to vector<1x16xf32>
        tpu.vector_store %arg11[%swap3A_659, %swap3A_660], %swap3A_663 {strides = array<i32>} : memref<16x1024xf32, #tpu.memory_space<vmem>>, vector<1x16xf32>,
        %get3A_664 = arith.index_cast %scan3A_104 : i32 to index
        %get3A_665 = arith.constant 528 : index
        %get3A_666 = tpu.vector_load %arg9[%get3A_664, %get3A_665] {strides = array<i32>} : memref<16x1024xf32, #tpu.memory_space<vmem>>, vector<1x16xf32>,
        %get3A_667 = vector.shape_cast %get3A_666 : vector<1x16xf32> to vector<16xf32>
        %get3A_668 = arith.index_cast %scan3A_104 : i32 to index
        %get3A_669 = arith.constant 528 : index
        %get3A_670 = tpu.vector_load %arg10[%get3A_668, %get3A_669] {strides = array<i32>} : memref<16x1024xf32, #tpu.memory_space<vmem>>, vector<1x16xf32>,
        %get3A_671 = vector.shape_cast %get3A_670 : vector<1x16xf32> to vector<16xf32>
        %add3A_672 = arith.addf %get3A_667, %get3A_671 : vector<16xf32>
        %mul3A_673 = arith.constant 3.200000e+01 : f32
        %mul3A_674 = vector.broadcast %mul3A_673 : f32 to vector<16xf32>
        %mul3A_675 = arith.mulf %add3A_672, %mul3A_674 : vector<16xf32>
        %swap3A_676 = arith.index_cast %scan3A_104 : i32 to index
        %swap3A_677 = arith.constant 528 : index
        %swap3A_678 = tpu.vector_load %arg11[%swap3A_676, %swap3A_677] {strides = array<i32>} : memref<16x1024xf32, #tpu.memory_space<vmem>>, vector<1x16xf32>,
        %swap3A_679 = vector.shape_cast %swap3A_678 : vector<1x16xf32> to vector<16xf32>
        %swap3A_680 = vector.shape_cast %mul3A_675 : vector<16xf32> to vector<1x16xf32>
        tpu.vector_store %arg11[%swap3A_676, %swap3A_677], %swap3A_680 {strides = array<i32>} : memref<16x1024xf32, #tpu.memory_space<vmem>>, vector<1x16xf32>,
        %get3A_681 = arith.index_cast %scan3A_104 : i32 to index
        %get3A_682 = arith.constant 544 : index
        %get3A_683 = tpu.vector_load %arg9[%get3A_681, %get3A_682] {strides = array<i32>} : memref<16x1024xf32, #tpu.memory_space<vmem>>, vector<1x16xf32>,
        %get3A_684 = vector.shape_cast %get3A_683 : vector<1x16xf32> to vector<16xf32>
        %get3A_685 = arith.index_cast %scan3A_104 : i32 to index
        %get3A_686 = arith.constant 544 : index
        %get3A_687 = tpu.vector_load %arg10[%get3A_685, %get3A_686] {strides = array<i32>} : memref<16x1024xf32, #tpu.memory_space<vmem>>, vector<1x16xf32>,
        %get3A_688 = vector.shape_cast %get3A_687 : vector<1x16xf32> to vector<16xf32>
        %add3A_689 = arith.addf %get3A_684, %get3A_688 : vector<16xf32>
        %mul3A_690 = arith.constant 3.200000e+01 : f32
        %mul3A_691 = vector.broadcast %mul3A_690 : f32 to vector<16xf32>
        %mul3A_692 = arith.mulf %add3A_689, %mul3A_691 : vector<16xf32>
        %swap3A_693 = arith.index_cast %scan3A_104 : i32 to index
        %swap3A_694 = arith.constant 544 : index
        %swap3A_695 = tpu.vector_load %arg11[%swap3A_693, %swap3A_694] {strides = array<i32>} : memref<16x1024xf32, #tpu.memory_space<vmem>>, vector<1x16xf32>,
        %swap3A_696 = vector.shape_cast %swap3A_695 : vector<1x16xf32> to vector<16xf32>
        %swap3A_697 = vector.shape_cast %mul3A_692 : vector<16xf32> to vector<1x16xf32>
        tpu.vector_store %arg11[%swap3A_693, %swap3A_694], %swap3A_697 {strides = array<i32>} : memref<16x1024xf32, #tpu.memory_space<vmem>>, vector<1x16xf32>,
        %get3A_698 = arith.index_cast %scan3A_104 : i32 to index
        %get3A_699 = arith.constant 560 : index
        %get3A_700 = tpu.vector_load %arg9[%get3A_698, %get3A_699] {strides = array<i32>} : memref<16x1024xf32, #tpu.memory_space<vmem>>, vector<1x16xf32>,
        %get3A_701 = vector.shape_cast %get3A_700 : vector<1x16xf32> to vector<16xf32>
        %get3A_702 = arith.index_cast %scan3A_104 : i32 to index
        %get3A_703 = arith.constant 560 : index
        %get3A_704 = tpu.vector_load %arg10[%get3A_702, %get3A_703] {strides = array<i32>} : memref<16x1024xf32, #tpu.memory_space<vmem>>, vector<1x16xf32>,
        %get3A_705 = vector.shape_cast %get3A_704 : vector<1x16xf32> to vector<16xf32>
        %add3A_706 = arith.addf %get3A_701, %get3A_705 : vector<16xf32>
        %mul3A_707 = arith.constant 3.200000e+01 : f32
        %mul3A_708 = vector.broadcast %mul3A_707 : f32 to vector<16xf32>
        %mul3A_709 = arith.mulf %add3A_706, %mul3A_708 : vector<16xf32>
        %swap3A_710 = arith.index_cast %scan3A_104 : i32 to index
        %swap3A_711 = arith.constant 560 : index
        %swap3A_712 = tpu.vector_load %arg11[%swap3A_710, %swap3A_711] {strides = array<i32>} : memref<16x1024xf32, #tpu.memory_space<vmem>>, vector<1x16xf32>,
        %swap3A_713 = vector.shape_cast %swap3A_712 : vector<1x16xf32> to vector<16xf32>
        %swap3A_714 = vector.shape_cast %mul3A_709 : vector<16xf32> to vector<1x16xf32>
        tpu.vector_store %arg11[%swap3A_710, %swap3A_711], %swap3A_714 {strides = array<i32>} : memref<16x1024xf32, #tpu.memory_space<vmem>>, vector<1x16xf32>,
        %get3A_715 = arith.index_cast %scan3A_104 : i32 to index
        %get3A_716 = arith.constant 576 : index
        %get3A_717 = tpu.vector_load %arg9[%get3A_715, %get3A_716] {strides = array<i32>} : memref<16x1024xf32, #tpu.memory_space<vmem>>, vector<1x16xf32>,
        %get3A_718 = vector.shape_cast %get3A_717 : vector<1x16xf32> to vector<16xf32>
        %get3A_719 = arith.index_cast %scan3A_104 : i32 to index
        %get3A_720 = arith.constant 576 : index
        %get3A_721 = tpu.vector_load %arg10[%get3A_719, %get3A_720] {strides = array<i32>} : memref<16x1024xf32, #tpu.memory_space<vmem>>, vector<1x16xf32>,
        %get3A_722 = vector.shape_cast %get3A_721 : vector<1x16xf32> to vector<16xf32>
        %add3A_723 = arith.addf %get3A_718, %get3A_722 : vector<16xf32>
        %mul3A_724 = arith.constant 3.200000e+01 : f32
        %mul3A_725 = vector.broadcast %mul3A_724 : f32 to vector<16xf32>
        %mul3A_726 = arith.mulf %add3A_723, %mul3A_725 : vector<16xf32>
        %swap3A_727 = arith.index_cast %scan3A_104 : i32 to index
        %swap3A_728 = arith.constant 576 : index
        %swap3A_729 = tpu.vector_load %arg11[%swap3A_727, %swap3A_728] {strides = array<i32>} : memref<16x1024xf32, #tpu.memory_space<vmem>>, vector<1x16xf32>,
        %swap3A_730 = vector.shape_cast %swap3A_729 : vector<1x16xf32> to vector<16xf32>
        %swap3A_731 = vector.shape_cast %mul3A_726 : vector<16xf32> to vector<1x16xf32>
        tpu.vector_store %arg11[%swap3A_727, %swap3A_728], %swap3A_731 {strides = array<i32>} : memref<16x1024xf32, #tpu.memory_space<vmem>>, vector<1x16xf32>,
        %get3A_732 = arith.index_cast %scan3A_104 : i32 to index
        %get3A_733 = arith.constant 592 : index
        %get3A_734 = tpu.vector_load %arg9[%get3A_732, %get3A_733] {strides = array<i32>} : memref<16x1024xf32, #tpu.memory_space<vmem>>, vector<1x16xf32>,
        %get3A_735 = vector.shape_cast %get3A_734 : vector<1x16xf32> to vector<16xf32>
        %get3A_736 = arith.index_cast %scan3A_104 : i32 to index
        %get3A_737 = arith.constant 592 : index
        %get3A_738 = tpu.vector_load %arg10[%get3A_736, %get3A_737] {strides = array<i32>} : memref<16x1024xf32, #tpu.memory_space<vmem>>, vector<1x16xf32>,
        %get3A_739 = vector.shape_cast %get3A_738 : vector<1x16xf32> to vector<16xf32>
        %add3A_740 = arith.addf %get3A_735, %get3A_739 : vector<16xf32>
        %mul3A_741 = arith.constant 3.200000e+01 : f32
        %mul3A_742 = vector.broadcast %mul3A_741 : f32 to vector<16xf32>
        %mul3A_743 = arith.mulf %add3A_740, %mul3A_742 : vector<16xf32>
        %swap3A_744 = arith.index_cast %scan3A_104 : i32 to index
        %swap3A_745 = arith.constant 592 : index
        %swap3A_746 = tpu.vector_load %arg11[%swap3A_744, %swap3A_745] {strides = array<i32>} : memref<16x1024xf32, #tpu.memory_space<vmem>>, vector<1x16xf32>,
        %swap3A_747 = vector.shape_cast %swap3A_746 : vector<1x16xf32> to vector<16xf32>
        %swap3A_748 = vector.shape_cast %mul3A_743 : vector<16xf32> to vector<1x16xf32>
        tpu.vector_store %arg11[%swap3A_744, %swap3A_745], %swap3A_748 {strides = array<i32>} : memref<16x1024xf32, #tpu.memory_space<vmem>>, vector<1x16xf32>,
        %get3A_749 = arith.index_cast %scan3A_104 : i32 to index
        %get3A_750 = arith.constant 608 : index
        %get3A_751 = tpu.vector_load %arg9[%get3A_749, %get3A_750] {strides = array<i32>} : memref<16x1024xf32, #tpu.memory_space<vmem>>, vector<1x16xf32>,
        %get3A_752 = vector.shape_cast %get3A_751 : vector<1x16xf32> to vector<16xf32>
        %get3A_753 = arith.index_cast %scan3A_104 : i32 to index
        %get3A_754 = arith.constant 608 : index
        %get3A_755 = tpu.vector_load %arg10[%get3A_753, %get3A_754] {strides = array<i32>} : memref<16x1024xf32, #tpu.memory_space<vmem>>, vector<1x16xf32>,
        %get3A_756 = vector.shape_cast %get3A_755 : vector<1x16xf32> to vector<16xf32>
        %add3A_757 = arith.addf %get3A_752, %get3A_756 : vector<16xf32>
        %mul3A_758 = arith.constant 3.200000e+01 : f32
        %mul3A_759 = vector.broadcast %mul3A_758 : f32 to vector<16xf32>
        %mul3A_760 = arith.mulf %add3A_757, %mul3A_759 : vector<16xf32>
        %swap3A_761 = arith.index_cast %scan3A_104 : i32 to index
        %swap3A_762 = arith.constant 608 : index
        %swap3A_763 = tpu.vector_load %arg11[%swap3A_761, %swap3A_762] {strides = array<i32>} : memref<16x1024xf32, #tpu.memory_space<vmem>>, vector<1x16xf32>,
        %swap3A_764 = vector.shape_cast %swap3A_763 : vector<1x16xf32> to vector<16xf32>
        %swap3A_765 = vector.shape_cast %mul3A_760 : vector<16xf32> to vector<1x16xf32>
        tpu.vector_store %arg11[%swap3A_761, %swap3A_762], %swap3A_765 {strides = array<i32>} : memref<16x1024xf32, #tpu.memory_space<vmem>>, vector<1x16xf32>,
        %get3A_766 = arith.index_cast %scan3A_104 : i32 to index
        %get3A_767 = arith.constant 624 : index
        %get3A_768 = tpu.vector_load %arg9[%get3A_766, %get3A_767] {strides = array<i32>} : memref<16x1024xf32, #tpu.memory_space<vmem>>, vector<1x16xf32>,
        %get3A_769 = vector.shape_cast %get3A_768 : vector<1x16xf32> to vector<16xf32>
        %get3A_770 = arith.index_cast %scan3A_104 : i32 to index
        %get3A_771 = arith.constant 624 : index
        %get3A_772 = tpu.vector_load %arg10[%get3A_770, %get3A_771] {strides = array<i32>} : memref<16x1024xf32, #tpu.memory_space<vmem>>, vector<1x16xf32>,
        %get3A_773 = vector.shape_cast %get3A_772 : vector<1x16xf32> to vector<16xf32>
        %add3A_774 = arith.addf %get3A_769, %get3A_773 : vector<16xf32>
        %mul3A_775 = arith.constant 3.200000e+01 : f32
        %mul3A_776 = vector.broadcast %mul3A_775 : f32 to vector<16xf32>
        %mul3A_777 = arith.mulf %add3A_774, %mul3A_776 : vector<16xf32>
        %swap3A_778 = arith.index_cast %scan3A_104 : i32 to index
        %swap3A_779 = arith.constant 624 : index
        %swap3A_780 = tpu.vector_load %arg11[%swap3A_778, %swap3A_779] {strides = array<i32>} : memref<16x1024xf32, #tpu.memory_space<vmem>>, vector<1x16xf32>,
        %swap3A_781 = vector.shape_cast %swap3A_780 : vector<1x16xf32> to vector<16xf32>
        %swap3A_782 = vector.shape_cast %mul3A_777 : vector<16xf32> to vector<1x16xf32>
        tpu.vector_store %arg11[%swap3A_778, %swap3A_779], %swap3A_782 {strides = array<i32>} : memref<16x1024xf32, #tpu.memory_space<vmem>>, vector<1x16xf32>,
        %get3A_783 = arith.index_cast %scan3A_104 : i32 to index
        %get3A_784 = arith.constant 640 : index
        %get3A_785 = tpu.vector_load %arg9[%get3A_783, %get3A_784] {strides = array<i32>} : memref<16x1024xf32, #tpu.memory_space<vmem>>, vector<1x16xf32>,
        %get3A_786 = vector.shape_cast %get3A_785 : vector<1x16xf32> to vector<16xf32>
        %get3A_787 = arith.index_cast %scan3A_104 : i32 to index
        %get3A_788 = arith.constant 640 : index
        %get3A_789 = tpu.vector_load %arg10[%get3A_787, %get3A_788] {strides = array<i32>} : memref<16x1024xf32, #tpu.memory_space<vmem>>, vector<1x16xf32>,
        %get3A_790 = vector.shape_cast %get3A_789 : vector<1x16xf32> to vector<16xf32>
        %add3A_791 = arith.addf %get3A_786, %get3A_790 : vector<16xf32>
        %mul3A_792 = arith.constant 3.200000e+01 : f32
        %mul3A_793 = vector.broadcast %mul3A_792 : f32 to vector<16xf32>
        %mul3A_794 = arith.mulf %add3A_791, %mul3A_793 : vector<16xf32>
        %swap3A_795 = arith.index_cast %scan3A_104 : i32 to index
        %swap3A_796 = arith.constant 640 : index
        %swap3A_797 = tpu.vector_load %arg11[%swap3A_795, %swap3A_796] {strides = array<i32>} : memref<16x1024xf32, #tpu.memory_space<vmem>>, vector<1x16xf32>,
        %swap3A_798 = vector.shape_cast %swap3A_797 : vector<1x16xf32> to vector<16xf32>
        %swap3A_799 = vector.shape_cast %mul3A_794 : vector<16xf32> to vector<1x16xf32>
        tpu.vector_store %arg11[%swap3A_795, %swap3A_796], %swap3A_799 {strides = array<i32>} : memref<16x1024xf32, #tpu.memory_space<vmem>>, vector<1x16xf32>,
        %get3A_800 = arith.index_cast %scan3A_104 : i32 to index
        %get3A_801 = arith.constant 656 : index
        %get3A_802 = tpu.vector_load %arg9[%get3A_800, %get3A_801] {strides = array<i32>} : memref<16x1024xf32, #tpu.memory_space<vmem>>, vector<1x16xf32>,
        %get3A_803 = vector.shape_cast %get3A_802 : vector<1x16xf32> to vector<16xf32>
        %get3A_804 = arith.index_cast %scan3A_104 : i32 to index
        %get3A_805 = arith.constant 656 : index
        %get3A_806 = tpu.vector_load %arg10[%get3A_804, %get3A_805] {strides = array<i32>} : memref<16x1024xf32, #tpu.memory_space<vmem>>, vector<1x16xf32>,
        %get3A_807 = vector.shape_cast %get3A_806 : vector<1x16xf32> to vector<16xf32>
        %add3A_808 = arith.addf %get3A_803, %get3A_807 : vector<16xf32>
        %mul3A_809 = arith.constant 3.200000e+01 : f32
        %mul3A_810 = vector.broadcast %mul3A_809 : f32 to vector<16xf32>
        %mul3A_811 = arith.mulf %add3A_808, %mul3A_810 : vector<16xf32>
        %swap3A_812 = arith.index_cast %scan3A_104 : i32 to index
        %swap3A_813 = arith.constant 656 : index
        %swap3A_814 = tpu.vector_load %arg11[%swap3A_812, %swap3A_813] {strides = array<i32>} : memref<16x1024xf32, #tpu.memory_space<vmem>>, vector<1x16xf32>,
        %swap3A_815 = vector.shape_cast %swap3A_814 : vector<1x16xf32> to vector<16xf32>
        %swap3A_816 = vector.shape_cast %mul3A_811 : vector<16xf32> to vector<1x16xf32>
        tpu.vector_store %arg11[%swap3A_812, %swap3A_813], %swap3A_816 {strides = array<i32>} : memref<16x1024xf32, #tpu.memory_space<vmem>>, vector<1x16xf32>,
        %get3A_817 = arith.index_cast %scan3A_104 : i32 to index
        %get3A_818 = arith.constant 672 : index
        %get3A_819 = tpu.vector_load %arg9[%get3A_817, %get3A_818] {strides = array<i32>} : memref<16x1024xf32, #tpu.memory_space<vmem>>, vector<1x16xf32>,
        %get3A_820 = vector.shape_cast %get3A_819 : vector<1x16xf32> to vector<16xf32>
        %get3A_821 = arith.index_cast %scan3A_104 : i32 to index
        %get3A_822 = arith.constant 672 : index
        %get3A_823 = tpu.vector_load %arg10[%get3A_821, %get3A_822] {strides = array<i32>} : memref<16x1024xf32, #tpu.memory_space<vmem>>, vector<1x16xf32>,
        %get3A_824 = vector.shape_cast %get3A_823 : vector<1x16xf32> to vector<16xf32>
        %add3A_825 = arith.addf %get3A_820, %get3A_824 : vector<16xf32>
        %mul3A_826 = arith.constant 3.200000e+01 : f32
        %mul3A_827 = vector.broadcast %mul3A_826 : f32 to vector<16xf32>
        %mul3A_828 = arith.mulf %add3A_825, %mul3A_827 : vector<16xf32>
        %swap3A_829 = arith.index_cast %scan3A_104 : i32 to index
        %swap3A_830 = arith.constant 672 : index
        %swap3A_831 = tpu.vector_load %arg11[%swap3A_829, %swap3A_830] {strides = array<i32>} : memref<16x1024xf32, #tpu.memory_space<vmem>>, vector<1x16xf32>,
        %swap3A_832 = vector.shape_cast %swap3A_831 : vector<1x16xf32> to vector<16xf32>
        %swap3A_833 = vector.shape_cast %mul3A_828 : vector<16xf32> to vector<1x16xf32>
        tpu.vector_store %arg11[%swap3A_829, %swap3A_830], %swap3A_833 {strides = array<i32>} : memref<16x1024xf32, #tpu.memory_space<vmem>>, vector<1x16xf32>,
        %get3A_834 = arith.index_cast %scan3A_104 : i32 to index
        %get3A_835 = arith.constant 688 : index
        %get3A_836 = tpu.vector_load %arg9[%get3A_834, %get3A_835] {strides = array<i32>} : memref<16x1024xf32, #tpu.memory_space<vmem>>, vector<1x16xf32>,
        %get3A_837 = vector.shape_cast %get3A_836 : vector<1x16xf32> to vector<16xf32>
        %get3A_838 = arith.index_cast %scan3A_104 : i32 to index
        %get3A_839 = arith.constant 688 : index
        %get3A_840 = tpu.vector_load %arg10[%get3A_838, %get3A_839] {strides = array<i32>} : memref<16x1024xf32, #tpu.memory_space<vmem>>, vector<1x16xf32>,
        %get3A_841 = vector.shape_cast %get3A_840 : vector<1x16xf32> to vector<16xf32>
        %add3A_842 = arith.addf %get3A_837, %get3A_841 : vector<16xf32>
        %mul3A_843 = arith.constant 3.200000e+01 : f32
        %mul3A_844 = vector.broadcast %mul3A_843 : f32 to vector<16xf32>
        %mul3A_845 = arith.mulf %add3A_842, %mul3A_844 : vector<16xf32>
        %swap3A_846 = arith.index_cast %scan3A_104 : i32 to index
        %swap3A_847 = arith.constant 688 : index
        %swap3A_848 = tpu.vector_load %arg11[%swap3A_846, %swap3A_847] {strides = array<i32>} : memref<16x1024xf32, #tpu.memory_space<vmem>>, vector<1x16xf32>,
        %swap3A_849 = vector.shape_cast %swap3A_848 : vector<1x16xf32> to vector<16xf32>
        %swap3A_850 = vector.shape_cast %mul3A_845 : vector<16xf32> to vector<1x16xf32>
        tpu.vector_store %arg11[%swap3A_846, %swap3A_847], %swap3A_850 {strides = array<i32>} : memref<16x1024xf32, #tpu.memory_space<vmem>>, vector<1x16xf32>,
        %get3A_851 = arith.index_cast %scan3A_104 : i32 to index
        %get3A_852 = arith.constant 704 : index
        %get3A_853 = tpu.vector_load %arg9[%get3A_851, %get3A_852] {strides = array<i32>} : memref<16x1024xf32, #tpu.memory_space<vmem>>, vector<1x16xf32>,
        %get3A_854 = vector.shape_cast %get3A_853 : vector<1x16xf32> to vector<16xf32>
        %get3A_855 = arith.index_cast %scan3A_104 : i32 to index
        %get3A_856 = arith.constant 704 : index
        %get3A_857 = tpu.vector_load %arg10[%get3A_855, %get3A_856] {strides = array<i32>} : memref<16x1024xf32, #tpu.memory_space<vmem>>, vector<1x16xf32>,
        %get3A_858 = vector.shape_cast %get3A_857 : vector<1x16xf32> to vector<16xf32>
        %add3A_859 = arith.addf %get3A_854, %get3A_858 : vector<16xf32>
        %mul3A_860 = arith.constant 3.200000e+01 : f32
        %mul3A_861 = vector.broadcast %mul3A_860 : f32 to vector<16xf32>
        %mul3A_862 = arith.mulf %add3A_859, %mul3A_861 : vector<16xf32>
        %swap3A_863 = arith.index_cast %scan3A_104 : i32 to index
        %swap3A_864 = arith.constant 704 : index
        %swap3A_865 = tpu.vector_load %arg11[%swap3A_863, %swap3A_864] {strides = array<i32>} : memref<16x1024xf32, #tpu.memory_space<vmem>>, vector<1x16xf32>,
        %swap3A_866 = vector.shape_cast %swap3A_865 : vector<1x16xf32> to vector<16xf32>
        %swap3A_867 = vector.shape_cast %mul3A_862 : vector<16xf32> to vector<1x16xf32>
        tpu.vector_store %arg11[%swap3A_863, %swap3A_864], %swap3A_867 {strides = array<i32>} : memref<16x1024xf32, #tpu.memory_space<vmem>>, vector<1x16xf32>,
        %get3A_868 = arith.index_cast %scan3A_104 : i32 to index
        %get3A_869 = arith.constant 720 : index
        %get3A_870 = tpu.vector_load %arg9[%get3A_868, %get3A_869] {strides = array<i32>} : memref<16x1024xf32, #tpu.memory_space<vmem>>, vector<1x16xf32>,
        %get3A_871 = vector.shape_cast %get3A_870 : vector<1x16xf32> to vector<16xf32>
        %get3A_872 = arith.index_cast %scan3A_104 : i32 to index
        %get3A_873 = arith.constant 720 : index
        %get3A_874 = tpu.vector_load %arg10[%get3A_872, %get3A_873] {strides = array<i32>} : memref<16x1024xf32, #tpu.memory_space<vmem>>, vector<1x16xf32>,
        %get3A_875 = vector.shape_cast %get3A_874 : vector<1x16xf32> to vector<16xf32>
        %add3A_876 = arith.addf %get3A_871, %get3A_875 : vector<16xf32>
        %mul3A_877 = arith.constant 3.200000e+01 : f32
        %mul3A_878 = vector.broadcast %mul3A_877 : f32 to vector<16xf32>
        %mul3A_879 = arith.mulf %add3A_876, %mul3A_878 : vector<16xf32>
        %swap3A_880 = arith.index_cast %scan3A_104 : i32 to index
        %swap3A_881 = arith.constant 720 : index
        %swap3A_882 = tpu.vector_load %arg11[%swap3A_880, %swap3A_881] {strides = array<i32>} : memref<16x1024xf32, #tpu.memory_space<vmem>>, vector<1x16xf32>,
        %swap3A_883 = vector.shape_cast %swap3A_882 : vector<1x16xf32> to vector<16xf32>
        %swap3A_884 = vector.shape_cast %mul3A_879 : vector<16xf32> to vector<1x16xf32>
        tpu.vector_store %arg11[%swap3A_880, %swap3A_881], %swap3A_884 {strides = array<i32>} : memref<16x1024xf32, #tpu.memory_space<vmem>>, vector<1x16xf32>,
        %get3A_885 = arith.index_cast %scan3A_104 : i32 to index
        %get3A_886 = arith.constant 736 : index
        %get3A_887 = tpu.vector_load %arg9[%get3A_885, %get3A_886] {strides = array<i32>} : memref<16x1024xf32, #tpu.memory_space<vmem>>, vector<1x16xf32>,
        %get3A_888 = vector.shape_cast %get3A_887 : vector<1x16xf32> to vector<16xf32>
        %get3A_889 = arith.index_cast %scan3A_104 : i32 to index
        %get3A_890 = arith.constant 736 : index
        %get3A_891 = tpu.vector_load %arg10[%get3A_889, %get3A_890] {strides = array<i32>} : memref<16x1024xf32, #tpu.memory_space<vmem>>, vector<1x16xf32>,
        %get3A_892 = vector.shape_cast %get3A_891 : vector<1x16xf32> to vector<16xf32>
        %add3A_893 = arith.addf %get3A_888, %get3A_892 : vector<16xf32>
        %mul3A_894 = arith.constant 3.200000e+01 : f32
        %mul3A_895 = vector.broadcast %mul3A_894 : f32 to vector<16xf32>
        %mul3A_896 = arith.mulf %add3A_893, %mul3A_895 : vector<16xf32>
        %swap3A_897 = arith.index_cast %scan3A_104 : i32 to index
        %swap3A_898 = arith.constant 736 : index
        %swap3A_899 = tpu.vector_load %arg11[%swap3A_897, %swap3A_898] {strides = array<i32>} : memref<16x1024xf32, #tpu.memory_space<vmem>>, vector<1x16xf32>,
        %swap3A_900 = vector.shape_cast %swap3A_899 : vector<1x16xf32> to vector<16xf32>
        %swap3A_901 = vector.shape_cast %mul3A_896 : vector<16xf32> to vector<1x16xf32>
        tpu.vector_store %arg11[%swap3A_897, %swap3A_898], %swap3A_901 {strides = array<i32>} : memref<16x1024xf32, #tpu.memory_space<vmem>>, vector<1x16xf32>,
        %get3A_902 = arith.index_cast %scan3A_104 : i32 to index
        %get3A_903 = arith.constant 752 : index
        %get3A_904 = tpu.vector_load %arg9[%get3A_902, %get3A_903] {strides = array<i32>} : memref<16x1024xf32, #tpu.memory_space<vmem>>, vector<1x16xf32>,
        %get3A_905 = vector.shape_cast %get3A_904 : vector<1x16xf32> to vector<16xf32>
        %get3A_906 = arith.index_cast %scan3A_104 : i32 to index
        %get3A_907 = arith.constant 752 : index
        %get3A_908 = tpu.vector_load %arg10[%get3A_906, %get3A_907] {strides = array<i32>} : memref<16x1024xf32, #tpu.memory_space<vmem>>, vector<1x16xf32>,
        %get3A_909 = vector.shape_cast %get3A_908 : vector<1x16xf32> to vector<16xf32>
        %add3A_910 = arith.addf %get3A_905, %get3A_909 : vector<16xf32>
        %mul3A_911 = arith.constant 3.200000e+01 : f32
        %mul3A_912 = vector.broadcast %mul3A_911 : f32 to vector<16xf32>
        %mul3A_913 = arith.mulf %add3A_910, %mul3A_912 : vector<16xf32>
        %swap3A_914 = arith.index_cast %scan3A_104 : i32 to index
        %swap3A_915 = arith.constant 752 : index
        %swap3A_916 = tpu.vector_load %arg11[%swap3A_914, %swap3A_915] {strides = array<i32>} : memref<16x1024xf32, #tpu.memory_space<vmem>>, vector<1x16xf32>,
        %swap3A_917 = vector.shape_cast %swap3A_916 : vector<1x16xf32> to vector<16xf32>
        %swap3A_918 = vector.shape_cast %mul3A_913 : vector<16xf32> to vector<1x16xf32>
        tpu.vector_store %arg11[%swap3A_914, %swap3A_915], %swap3A_918 {strides = array<i32>} : memref<16x1024xf32, #tpu.memory_space<vmem>>, vector<1x16xf32>,
        %get3A_919 = arith.index_cast %scan3A_104 : i32 to index
        %get3A_920 = arith.constant 768 : index
        %get3A_921 = tpu.vector_load %arg9[%get3A_919, %get3A_920] {strides = array<i32>} : memref<16x1024xf32, #tpu.memory_space<vmem>>, vector<1x16xf32>,
        %get3A_922 = vector.shape_cast %get3A_921 : vector<1x16xf32> to vector<16xf32>
        %get3A_923 = arith.index_cast %scan3A_104 : i32 to index
        %get3A_924 = arith.constant 768 : index
        %get3A_925 = tpu.vector_load %arg10[%get3A_923, %get3A_924] {strides = array<i32>} : memref<16x1024xf32, #tpu.memory_space<vmem>>, vector<1x16xf32>,
        %get3A_926 = vector.shape_cast %get3A_925 : vector<1x16xf32> to vector<16xf32>
        %add3A_927 = arith.addf %get3A_922, %get3A_926 : vector<16xf32>
        %mul3A_928 = arith.constant 3.200000e+01 : f32
        %mul3A_929 = vector.broadcast %mul3A_928 : f32 to vector<16xf32>
        %mul3A_930 = arith.mulf %add3A_927, %mul3A_929 : vector<16xf32>
        %swap3A_931 = arith.index_cast %scan3A_104 : i32 to index
        %swap3A_932 = arith.constant 768 : index
        %swap3A_933 = tpu.vector_load %arg11[%swap3A_931, %swap3A_932] {strides = array<i32>} : memref<16x1024xf32, #tpu.memory_space<vmem>>, vector<1x16xf32>,
        %swap3A_934 = vector.shape_cast %swap3A_933 : vector<1x16xf32> to vector<16xf32>
        %swap3A_935 = vector.shape_cast %mul3A_930 : vector<16xf32> to vector<1x16xf32>
        tpu.vector_store %arg11[%swap3A_931, %swap3A_932], %swap3A_935 {strides = array<i32>} : memref<16x1024xf32, #tpu.memory_space<vmem>>, vector<1x16xf32>,
        %get3A_936 = arith.index_cast %scan3A_104 : i32 to index
        %get3A_937 = arith.constant 784 : index
        %get3A_938 = tpu.vector_load %arg9[%get3A_936, %get3A_937] {strides = array<i32>} : memref<16x1024xf32, #tpu.memory_space<vmem>>, vector<1x16xf32>,
        %get3A_939 = vector.shape_cast %get3A_938 : vector<1x16xf32> to vector<16xf32>
        %get3A_940 = arith.index_cast %scan3A_104 : i32 to index
        %get3A_941 = arith.constant 784 : index
        %get3A_942 = tpu.vector_load %arg10[%get3A_940, %get3A_941] {strides = array<i32>} : memref<16x1024xf32, #tpu.memory_space<vmem>>, vector<1x16xf32>,
        %get3A_943 = vector.shape_cast %get3A_942 : vector<1x16xf32> to vector<16xf32>
        %add3A_944 = arith.addf %get3A_939, %get3A_943 : vector<16xf32>
        %mul3A_945 = arith.constant 3.200000e+01 : f32
        %mul3A_946 = vector.broadcast %mul3A_945 : f32 to vector<16xf32>
        %mul3A_947 = arith.mulf %add3A_944, %mul3A_946 : vector<16xf32>
        %swap3A_948 = arith.index_cast %scan3A_104 : i32 to index
        %swap3A_949 = arith.constant 784 : index
        %swap3A_950 = tpu.vector_load %arg11[%swap3A_948, %swap3A_949] {strides = array<i32>} : memref<16x1024xf32, #tpu.memory_space<vmem>>, vector<1x16xf32>,
        %swap3A_951 = vector.shape_cast %swap3A_950 : vector<1x16xf32> to vector<16xf32>
        %swap3A_952 = vector.shape_cast %mul3A_947 : vector<16xf32> to vector<1x16xf32>
        tpu.vector_store %arg11[%swap3A_948, %swap3A_949], %swap3A_952 {strides = array<i32>} : memref<16x1024xf32, #tpu.memory_space<vmem>>, vector<1x16xf32>,
        %get3A_953 = arith.index_cast %scan3A_104 : i32 to index
        %get3A_954 = arith.constant 800 : index
        %get3A_955 = tpu.vector_load %arg9[%get3A_953, %get3A_954] {strides = array<i32>} : memref<16x1024xf32, #tpu.memory_space<vmem>>, vector<1x16xf32>,
        %get3A_956 = vector.shape_cast %get3A_955 : vector<1x16xf32> to vector<16xf32>
        %get3A_957 = arith.index_cast %scan3A_104 : i32 to index
        %get3A_958 = arith.constant 800 : index
        %get3A_959 = tpu.vector_load %arg10[%get3A_957, %get3A_958] {strides = array<i32>} : memref<16x1024xf32, #tpu.memory_space<vmem>>, vector<1x16xf32>,
        %get3A_960 = vector.shape_cast %get3A_959 : vector<1x16xf32> to vector<16xf32>
        %add3A_961 = arith.addf %get3A_956, %get3A_960 : vector<16xf32>
        %mul3A_962 = arith.constant 3.200000e+01 : f32
        %mul3A_963 = vector.broadcast %mul3A_962 : f32 to vector<16xf32>
        %mul3A_964 = arith.mulf %add3A_961, %mul3A_963 : vector<16xf32>
        %swap3A_965 = arith.index_cast %scan3A_104 : i32 to index
        %swap3A_966 = arith.constant 800 : index
        %swap3A_967 = tpu.vector_load %arg11[%swap3A_965, %swap3A_966] {strides = array<i32>} : memref<16x1024xf32, #tpu.memory_space<vmem>>, vector<1x16xf32>,
        %swap3A_968 = vector.shape_cast %swap3A_967 : vector<1x16xf32> to vector<16xf32>
        %swap3A_969 = vector.shape_cast %mul3A_964 : vector<16xf32> to vector<1x16xf32>
        tpu.vector_store %arg11[%swap3A_965, %swap3A_966], %swap3A_969 {strides = array<i32>} : memref<16x1024xf32, #tpu.memory_space<vmem>>, vector<1x16xf32>,
        %get3A_970 = arith.index_cast %scan3A_104 : i32 to index
        %get3A_971 = arith.constant 816 : index
        %get3A_972 = tpu.vector_load %arg9[%get3A_970, %get3A_971] {strides = array<i32>} : memref<16x1024xf32, #tpu.memory_space<vmem>>, vector<1x16xf32>,
        %get3A_973 = vector.shape_cast %get3A_972 : vector<1x16xf32> to vector<16xf32>
        %get3A_974 = arith.index_cast %scan3A_104 : i32 to index
        %get3A_975 = arith.constant 816 : index
        %get3A_976 = tpu.vector_load %arg10[%get3A_974, %get3A_975] {strides = array<i32>} : memref<16x1024xf32, #tpu.memory_space<vmem>>, vector<1x16xf32>,
        %get3A_977 = vector.shape_cast %get3A_976 : vector<1x16xf32> to vector<16xf32>
        %add3A_978 = arith.addf %get3A_973, %get3A_977 : vector<16xf32>
        %mul3A_979 = arith.constant 3.200000e+01 : f32
        %mul3A_980 = vector.broadcast %mul3A_979 : f32 to vector<16xf32>
        %mul3A_981 = arith.mulf %add3A_978, %mul3A_980 : vector<16xf32>
        %swap3A_982 = arith.index_cast %scan3A_104 : i32 to index
        %swap3A_983 = arith.constant 816 : index
        %swap3A_984 = tpu.vector_load %arg11[%swap3A_982, %swap3A_983] {strides = array<i32>} : memref<16x1024xf32, #tpu.memory_space<vmem>>, vector<1x16xf32>,
        %swap3A_985 = vector.shape_cast %swap3A_984 : vector<1x16xf32> to vector<16xf32>
        %swap3A_986 = vector.shape_cast %mul3A_981 : vector<16xf32> to vector<1x16xf32>
        tpu.vector_store %arg11[%swap3A_982, %swap3A_983], %swap3A_986 {strides = array<i32>} : memref<16x1024xf32, #tpu.memory_space<vmem>>, vector<1x16xf32>,
        %get3A_987 = arith.index_cast %scan3A_104 : i32 to index
        %get3A_988 = arith.constant 832 : index
        %get3A_989 = tpu.vector_load %arg9[%get3A_987, %get3A_988] {strides = array<i32>} : memref<16x1024xf32, #tpu.memory_space<vmem>>, vector<1x16xf32>,
        %get3A_990 = vector.shape_cast %get3A_989 : vector<1x16xf32> to vector<16xf32>
        %get3A_991 = arith.index_cast %scan3A_104 : i32 to index
        %get3A_992 = arith.constant 832 : index
        %get3A_993 = tpu.vector_load %arg10[%get3A_991, %get3A_992] {strides = array<i32>} : memref<16x1024xf32, #tpu.memory_space<vmem>>, vector<1x16xf32>,
        %get3A_994 = vector.shape_cast %get3A_993 : vector<1x16xf32> to vector<16xf32>
        %add3A_995 = arith.addf %get3A_990, %get3A_994 : vector<16xf32>
        %mul3A_996 = arith.constant 3.200000e+01 : f32
        %mul3A_997 = vector.broadcast %mul3A_996 : f32 to vector<16xf32>
        %mul3A_998 = arith.mulf %add3A_995, %mul3A_997 : vector<16xf32>
        %swap3A_999 = arith.index_cast %scan3A_104 : i32 to index
        %swap3A_1000 = arith.constant 832 : index
        %swap3A_1001 = tpu.vector_load %arg11[%swap3A_999, %swap3A_1000] {strides = array<i32>} : memref<16x1024xf32, #tpu.memory_space<vmem>>, vector<1x16xf32>,
        %swap3A_1002 = vector.shape_cast %swap3A_1001 : vector<1x16xf32> to vector<16xf32>
        %swap3A_1003 = vector.shape_cast %mul3A_998 : vector<16xf32> to vector<1x16xf32>
        tpu.vector_store %arg11[%swap3A_999, %swap3A_1000], %swap3A_1003 {strides = array<i32>} : memref<16x1024xf32, #tpu.memory_space<vmem>>, vector<1x16xf32>,
        %get3A_1004 = arith.index_cast %scan3A_104 : i32 to index
        %get3A_1005 = arith.constant 848 : index
        %get3A_1006 = tpu.vector_load %arg9[%get3A_1004, %get3A_1005] {strides = array<i32>} : memref<16x1024xf32, #tpu.memory_space<vmem>>, vector<1x16xf32>,
        %get3A_1007 = vector.shape_cast %get3A_1006 : vector<1x16xf32> to vector<16xf32>
        %get3A_1008 = arith.index_cast %scan3A_104 : i32 to index
        %get3A_1009 = arith.constant 848 : index
        %get3A_1010 = tpu.vector_load %arg10[%get3A_1008, %get3A_1009] {strides = array<i32>} : memref<16x1024xf32, #tpu.memory_space<vmem>>, vector<1x16xf32>,
        %get3A_1011 = vector.shape_cast %get3A_1010 : vector<1x16xf32> to vector<16xf32>
        %add3A_1012 = arith.addf %get3A_1007, %get3A_1011 : vector<16xf32>
        %mul3A_1013 = arith.constant 3.200000e+01 : f32
        %mul3A_1014 = vector.broadcast %mul3A_1013 : f32 to vector<16xf32>
        %mul3A_1015 = arith.mulf %add3A_1012, %mul3A_1014 : vector<16xf32>
        %swap3A_1016 = arith.index_cast %scan3A_104 : i32 to index
        %swap3A_1017 = arith.constant 848 : index
        %swap3A_1018 = tpu.vector_load %arg11[%swap3A_1016, %swap3A_1017] {strides = array<i32>} : memref<16x1024xf32, #tpu.memory_space<vmem>>, vector<1x16xf32>,
        %swap3A_1019 = vector.shape_cast %swap3A_1018 : vector<1x16xf32> to vector<16xf32>
        %swap3A_1020 = vector.shape_cast %mul3A_1015 : vector<16xf32> to vector<1x16xf32>
        tpu.vector_store %arg11[%swap3A_1016, %swap3A_1017], %swap3A_1020 {strides = array<i32>} : memref<16x1024xf32, #tpu.memory_space<vmem>>, vector<1x16xf32>,
        %get3A_1021 = arith.index_cast %scan3A_104 : i32 to index
        %get3A_1022 = arith.constant 864 : index
        %get3A_1023 = tpu.vector_load %arg9[%get3A_1021, %get3A_1022] {strides = array<i32>} : memref<16x1024xf32, #tpu.memory_space<vmem>>, vector<1x16xf32>,
        %get3A_1024 = vector.shape_cast %get3A_1023 : vector<1x16xf32> to vector<16xf32>
        %get3A_1025 = arith.index_cast %scan3A_104 : i32 to index
        %get3A_1026 = arith.constant 864 : index
        %get3A_1027 = tpu.vector_load %arg10[%get3A_1025, %get3A_1026] {strides = array<i32>} : memref<16x1024xf32, #tpu.memory_space<vmem>>, vector<1x16xf32>,
        %get3A_1028 = vector.shape_cast %get3A_1027 : vector<1x16xf32> to vector<16xf32>
        %add3A_1029 = arith.addf %get3A_1024, %get3A_1028 : vector<16xf32>
        %mul3A_1030 = arith.constant 3.200000e+01 : f32
        %mul3A_1031 = vector.broadcast %mul3A_1030 : f32 to vector<16xf32>
        %mul3A_1032 = arith.mulf %add3A_1029, %mul3A_1031 : vector<16xf32>
        %swap3A_1033 = arith.index_cast %scan3A_104 : i32 to index
        %swap3A_1034 = arith.constant 864 : index
        %swap3A_1035 = tpu.vector_load %arg11[%swap3A_1033, %swap3A_1034] {strides = array<i32>} : memref<16x1024xf32, #tpu.memory_space<vmem>>, vector<1x16xf32>,
        %swap3A_1036 = vector.shape_cast %swap3A_1035 : vector<1x16xf32> to vector<16xf32>
        %swap3A_1037 = vector.shape_cast %mul3A_1032 : vector<16xf32> to vector<1x16xf32>
        tpu.vector_store %arg11[%swap3A_1033, %swap3A_1034], %swap3A_1037 {strides = array<i32>} : memref<16x1024xf32, #tpu.memory_space<vmem>>, vector<1x16xf32>,
        %get3A_1038 = arith.index_cast %scan3A_104 : i32 to index
        %get3A_1039 = arith.constant 880 : index
        %get3A_1040 = tpu.vector_load %arg9[%get3A_1038, %get3A_1039] {strides = array<i32>} : memref<16x1024xf32, #tpu.memory_space<vmem>>, vector<1x16xf32>,
        %get3A_1041 = vector.shape_cast %get3A_1040 : vector<1x16xf32> to vector<16xf32>
        %get3A_1042 = arith.index_cast %scan3A_104 : i32 to index
        %get3A_1043 = arith.constant 880 : index
        %get3A_1044 = tpu.vector_load %arg10[%get3A_1042, %get3A_1043] {strides = array<i32>} : memref<16x1024xf32, #tpu.memory_space<vmem>>, vector<1x16xf32>,
        %get3A_1045 = vector.shape_cast %get3A_1044 : vector<1x16xf32> to vector<16xf32>
        %add3A_1046 = arith.addf %get3A_1041, %get3A_1045 : vector<16xf32>
        %mul3A_1047 = arith.constant 3.200000e+01 : f32
        %mul3A_1048 = vector.broadcast %mul3A_1047 : f32 to vector<16xf32>
        %mul3A_1049 = arith.mulf %add3A_1046, %mul3A_1048 : vector<16xf32>
        %swap3A_1050 = arith.index_cast %scan3A_104 : i32 to index
        %swap3A_1051 = arith.constant 880 : index
        %swap3A_1052 = tpu.vector_load %arg11[%swap3A_1050, %swap3A_1051] {strides = array<i32>} : memref<16x1024xf32, #tpu.memory_space<vmem>>, vector<1x16xf32>,
        %swap3A_1053 = vector.shape_cast %swap3A_1052 : vector<1x16xf32> to vector<16xf32>
        %swap3A_1054 = vector.shape_cast %mul3A_1049 : vector<16xf32> to vector<1x16xf32>
        tpu.vector_store %arg11[%swap3A_1050, %swap3A_1051], %swap3A_1054 {strides = array<i32>} : memref<16x1024xf32, #tpu.memory_space<vmem>>, vector<1x16xf32>,
        %get3A_1055 = arith.index_cast %scan3A_104 : i32 to index
        %get3A_1056 = arith.constant 896 : index
        %get3A_1057 = tpu.vector_load %arg9[%get3A_1055, %get3A_1056] {strides = array<i32>} : memref<16x1024xf32, #tpu.memory_space<vmem>>, vector<1x16xf32>,
        %get3A_1058 = vector.shape_cast %get3A_1057 : vector<1x16xf32> to vector<16xf32>
        %get3A_1059 = arith.index_cast %scan3A_104 : i32 to index
        %get3A_1060 = arith.constant 896 : index
        %get3A_1061 = tpu.vector_load %arg10[%get3A_1059, %get3A_1060] {strides = array<i32>} : memref<16x1024xf32, #tpu.memory_space<vmem>>, vector<1x16xf32>,
        %get3A_1062 = vector.shape_cast %get3A_1061 : vector<1x16xf32> to vector<16xf32>
        %add3A_1063 = arith.addf %get3A_1058, %get3A_1062 : vector<16xf32>
        %mul3A_1064 = arith.constant 3.200000e+01 : f32
        %mul3A_1065 = vector.broadcast %mul3A_1064 : f32 to vector<16xf32>
        %mul3A_1066 = arith.mulf %add3A_1063, %mul3A_1065 : vector<16xf32>
        %swap3A_1067 = arith.index_cast %scan3A_104 : i32 to index
        %swap3A_1068 = arith.constant 896 : index
        %swap3A_1069 = tpu.vector_load %arg11[%swap3A_1067, %swap3A_1068] {strides = array<i32>} : memref<16x1024xf32, #tpu.memory_space<vmem>>, vector<1x16xf32>,
        %swap3A_1070 = vector.shape_cast %swap3A_1069 : vector<1x16xf32> to vector<16xf32>
        %swap3A_1071 = vector.shape_cast %mul3A_1066 : vector<16xf32> to vector<1x16xf32>
        tpu.vector_store %arg11[%swap3A_1067, %swap3A_1068], %swap3A_1071 {strides = array<i32>} : memref<16x1024xf32, #tpu.memory_space<vmem>>, vector<1x16xf32>,
        %get3A_1072 = arith.index_cast %scan3A_104 : i32 to index
        %get3A_1073 = arith.constant 912 : index
        %get3A_1074 = tpu.vector_load %arg9[%get3A_1072, %get3A_1073] {strides = array<i32>} : memref<16x1024xf32, #tpu.memory_space<vmem>>, vector<1x16xf32>,
        %get3A_1075 = vector.shape_cast %get3A_1074 : vector<1x16xf32> to vector<16xf32>
        %get3A_1076 = arith.index_cast %scan3A_104 : i32 to index
        %get3A_1077 = arith.constant 912 : index
        %get3A_1078 = tpu.vector_load %arg10[%get3A_1076, %get3A_1077] {strides = array<i32>} : memref<16x1024xf32, #tpu.memory_space<vmem>>, vector<1x16xf32>,
        %get3A_1079 = vector.shape_cast %get3A_1078 : vector<1x16xf32> to vector<16xf32>
        %add3A_1080 = arith.addf %get3A_1075, %get3A_1079 : vector<16xf32>
        %mul3A_1081 = arith.constant 3.200000e+01 : f32
        %mul3A_1082 = vector.broadcast %mul3A_1081 : f32 to vector<16xf32>
        %mul3A_1083 = arith.mulf %add3A_1080, %mul3A_1082 : vector<16xf32>
        %swap3A_1084 = arith.index_cast %scan3A_104 : i32 to index
        %swap3A_1085 = arith.constant 912 : index
        %swap3A_1086 = tpu.vector_load %arg11[%swap3A_1084, %swap3A_1085] {strides = array<i32>} : memref<16x1024xf32, #tpu.memory_space<vmem>>, vector<1x16xf32>,
        %swap3A_1087 = vector.shape_cast %swap3A_1086 : vector<1x16xf32> to vector<16xf32>
        %swap3A_1088 = vector.shape_cast %mul3A_1083 : vector<16xf32> to vector<1x16xf32>
        tpu.vector_store %arg11[%swap3A_1084, %swap3A_1085], %swap3A_1088 {strides = array<i32>} : memref<16x1024xf32, #tpu.memory_space<vmem>>, vector<1x16xf32>,
        %get3A_1089 = arith.index_cast %scan3A_104 : i32 to index
        %get3A_1090 = arith.constant 928 : index
        %get3A_1091 = tpu.vector_load %arg9[%get3A_1089, %get3A_1090] {strides = array<i32>} : memref<16x1024xf32, #tpu.memory_space<vmem>>, vector<1x16xf32>,
        %get3A_1092 = vector.shape_cast %get3A_1091 : vector<1x16xf32> to vector<16xf32>
        %get3A_1093 = arith.index_cast %scan3A_104 : i32 to index
        %get3A_1094 = arith.constant 928 : index
        %get3A_1095 = tpu.vector_load %arg10[%get3A_1093, %get3A_1094] {strides = array<i32>} : memref<16x1024xf32, #tpu.memory_space<vmem>>, vector<1x16xf32>,
        %get3A_1096 = vector.shape_cast %get3A_1095 : vector<1x16xf32> to vector<16xf32>
        %add3A_1097 = arith.addf %get3A_1092, %get3A_1096 : vector<16xf32>
        %mul3A_1098 = arith.constant 3.200000e+01 : f32
        %mul3A_1099 = vector.broadcast %mul3A_1098 : f32 to vector<16xf32>
        %mul3A_1100 = arith.mulf %add3A_1097, %mul3A_1099 : vector<16xf32>
        %swap3A_1101 = arith.index_cast %scan3A_104 : i32 to index
        %swap3A_1102 = arith.constant 928 : index
        %swap3A_1103 = tpu.vector_load %arg11[%swap3A_1101, %swap3A_1102] {strides = array<i32>} : memref<16x1024xf32, #tpu.memory_space<vmem>>, vector<1x16xf32>,
        %swap3A_1104 = vector.shape_cast %swap3A_1103 : vector<1x16xf32> to vector<16xf32>
        %swap3A_1105 = vector.shape_cast %mul3A_1100 : vector<16xf32> to vector<1x16xf32>
        tpu.vector_store %arg11[%swap3A_1101, %swap3A_1102], %swap3A_1105 {strides = array<i32>} : memref<16x1024xf32, #tpu.memory_space<vmem>>, vector<1x16xf32>,
        %get3A_1106 = arith.index_cast %scan3A_104 : i32 to index
        %get3A_1107 = arith.constant 944 : index
        %get3A_1108 = tpu.vector_load %arg9[%get3A_1106, %get3A_1107] {strides = array<i32>} : memref<16x1024xf32, #tpu.memory_space<vmem>>, vector<1x16xf32>,
        %get3A_1109 = vector.shape_cast %get3A_1108 : vector<1x16xf32> to vector<16xf32>
        %get3A_1110 = arith.index_cast %scan3A_104 : i32 to index
        %get3A_1111 = arith.constant 944 : index
        %get3A_1112 = tpu.vector_load %arg10[%get3A_1110, %get3A_1111] {strides = array<i32>} : memref<16x1024xf32, #tpu.memory_space<vmem>>, vector<1x16xf32>,
        %get3A_1113 = vector.shape_cast %get3A_1112 : vector<1x16xf32> to vector<16xf32>
        %add3A_1114 = arith.addf %get3A_1109, %get3A_1113 : vector<16xf32>
        %mul3A_1115 = arith.constant 3.200000e+01 : f32
        %mul3A_1116 = vector.broadcast %mul3A_1115 : f32 to vector<16xf32>
        %mul3A_1117 = arith.mulf %add3A_1114, %mul3A_1116 : vector<16xf32>
        %swap3A_1118 = arith.index_cast %scan3A_104 : i32 to index
        %swap3A_1119 = arith.constant 944 : index
        %swap3A_1120 = tpu.vector_load %arg11[%swap3A_1118, %swap3A_1119] {strides = array<i32>} : memref<16x1024xf32, #tpu.memory_space<vmem>>, vector<1x16xf32>,
        %swap3A_1121 = vector.shape_cast %swap3A_1120 : vector<1x16xf32> to vector<16xf32>
        %swap3A_1122 = vector.shape_cast %mul3A_1117 : vector<16xf32> to vector<1x16xf32>
        tpu.vector_store %arg11[%swap3A_1118, %swap3A_1119], %swap3A_1122 {strides = array<i32>} : memref<16x1024xf32, #tpu.memory_space<vmem>>, vector<1x16xf32>,
        %get3A_1123 = arith.index_cast %scan3A_104 : i32 to index
        %get3A_1124 = arith.constant 960 : index
        %get3A_1125 = tpu.vector_load %arg9[%get3A_1123, %get3A_1124] {strides = array<i32>} : memref<16x1024xf32, #tpu.memory_space<vmem>>, vector<1x16xf32>,
        %get3A_1126 = vector.shape_cast %get3A_1125 : vector<1x16xf32> to vector<16xf32>
        %get3A_1127 = arith.index_cast %scan3A_104 : i32 to index
        %get3A_1128 = arith.constant 960 : index
        %get3A_1129 = tpu.vector_load %arg10[%get3A_1127, %get3A_1128] {strides = array<i32>} : memref<16x1024xf32, #tpu.memory_space<vmem>>, vector<1x16xf32>,
        %get3A_1130 = vector.shape_cast %get3A_1129 : vector<1x16xf32> to vector<16xf32>
        %add3A_1131 = arith.addf %get3A_1126, %get3A_1130 : vector<16xf32>
        %mul3A_1132 = arith.constant 3.200000e+01 : f32
        %mul3A_1133 = vector.broadcast %mul3A_1132 : f32 to vector<16xf32>
        %mul3A_1134 = arith.mulf %add3A_1131, %mul3A_1133 : vector<16xf32>
        %swap3A_1135 = arith.index_cast %scan3A_104 : i32 to index
        %swap3A_1136 = arith.constant 960 : index
        %swap3A_1137 = tpu.vector_load %arg11[%swap3A_1135, %swap3A_1136] {strides = array<i32>} : memref<16x1024xf32, #tpu.memory_space<vmem>>, vector<1x16xf32>,
        %swap3A_1138 = vector.shape_cast %swap3A_1137 : vector<1x16xf32> to vector<16xf32>
        %swap3A_1139 = vector.shape_cast %mul3A_1134 : vector<16xf32> to vector<1x16xf32>
        tpu.vector_store %arg11[%swap3A_1135, %swap3A_1136], %swap3A_1139 {strides = array<i32>} : memref<16x1024xf32, #tpu.memory_space<vmem>>, vector<1x16xf32>,
        %get3A_1140 = arith.index_cast %scan3A_104 : i32 to index
        %get3A_1141 = arith.constant 976 : index
        %get3A_1142 = tpu.vector_load %arg9[%get3A_1140, %get3A_1141] {strides = array<i32>} : memref<16x1024xf32, #tpu.memory_space<vmem>>, vector<1x16xf32>,
        %get3A_1143 = vector.shape_cast %get3A_1142 : vector<1x16xf32> to vector<16xf32>
        %get3A_1144 = arith.index_cast %scan3A_104 : i32 to index
        %get3A_1145 = arith.constant 976 : index
        %get3A_1146 = tpu.vector_load %arg10[%get3A_1144, %get3A_1145] {strides = array<i32>} : memref<16x1024xf32, #tpu.memory_space<vmem>>, vector<1x16xf32>,
        %get3A_1147 = vector.shape_cast %get3A_1146 : vector<1x16xf32> to vector<16xf32>
        %add3A_1148 = arith.addf %get3A_1143, %get3A_1147 : vector<16xf32>
        %mul3A_1149 = arith.constant 3.200000e+01 : f32
        %mul3A_1150 = vector.broadcast %mul3A_1149 : f32 to vector<16xf32>
        %mul3A_1151 = arith.mulf %add3A_1148, %mul3A_1150 : vector<16xf32>
        %swap3A_1152 = arith.index_cast %scan3A_104 : i32 to index
        %swap3A_1153 = arith.constant 976 : index
        %swap3A_1154 = tpu.vector_load %arg11[%swap3A_1152, %swap3A_1153] {strides = array<i32>} : memref<16x1024xf32, #tpu.memory_space<vmem>>, vector<1x16xf32>,
        %swap3A_1155 = vector.shape_cast %swap3A_1154 : vector<1x16xf32> to vector<16xf32>
        %swap3A_1156 = vector.shape_cast %mul3A_1151 : vector<16xf32> to vector<1x16xf32>
        tpu.vector_store %arg11[%swap3A_1152, %swap3A_1153], %swap3A_1156 {strides = array<i32>} : memref<16x1024xf32, #tpu.memory_space<vmem>>, vector<1x16xf32>,
        %get3A_1157 = arith.index_cast %scan3A_104 : i32 to index
        %get3A_1158 = arith.constant 992 : index
        %get3A_1159 = tpu.vector_load %arg9[%get3A_1157, %get3A_1158] {strides = array<i32>} : memref<16x1024xf32, #tpu.memory_space<vmem>>, vector<1x16xf32>,
        %get3A_1160 = vector.shape_cast %get3A_1159 : vector<1x16xf32> to vector<16xf32>
        %get3A_1161 = arith.index_cast %scan3A_104 : i32 to index
        %get3A_1162 = arith.constant 992 : index
        %get3A_1163 = tpu.vector_load %arg10[%get3A_1161, %get3A_1162] {strides = array<i32>} : memref<16x1024xf32, #tpu.memory_space<vmem>>, vector<1x16xf32>,
        %get3A_1164 = vector.shape_cast %get3A_1163 : vector<1x16xf32> to vector<16xf32>
        %add3A_1165 = arith.addf %get3A_1160, %get3A_1164 : vector<16xf32>
        %mul3A_1166 = arith.constant 3.200000e+01 : f32
        %mul3A_1167 = vector.broadcast %mul3A_1166 : f32 to vector<16xf32>
        %mul3A_1168 = arith.mulf %add3A_1165, %mul3A_1167 : vector<16xf32>
        %swap3A_1169 = arith.index_cast %scan3A_104 : i32 to index
        %swap3A_1170 = arith.constant 992 : index
        %swap3A_1171 = tpu.vector_load %arg11[%swap3A_1169, %swap3A_1170] {strides = array<i32>} : memref<16x1024xf32, #tpu.memory_space<vmem>>, vector<1x16xf32>,
        %swap3A_1172 = vector.shape_cast %swap3A_1171 : vector<1x16xf32> to vector<16xf32>
        %swap3A_1173 = vector.shape_cast %mul3A_1168 : vector<16xf32> to vector<1x16xf32>
        tpu.vector_store %arg11[%swap3A_1169, %swap3A_1170], %swap3A_1173 {strides = array<i32>} : memref<16x1024xf32, #tpu.memory_space<vmem>>, vector<1x16xf32>,
        %get3A_1174 = arith.index_cast %scan3A_104 : i32 to index
        %get3A_1175 = arith.constant 1008 : index
        %get3A_1176 = tpu.vector_load %arg9[%get3A_1174, %get3A_1175] {strides = array<i32>} : memref<16x1024xf32, #tpu.memory_space<vmem>>, vector<1x16xf32>,
        %get3A_1177 = vector.shape_cast %get3A_1176 : vector<1x16xf32> to vector<16xf32>
        %get3A_1178 = arith.index_cast %scan3A_104 : i32 to index
        %get3A_1179 = arith.constant 1008 : index
        %get3A_1180 = tpu.vector_load %arg10[%get3A_1178, %get3A_1179] {strides = array<i32>} : memref<16x1024xf32, #tpu.memory_space<vmem>>, vector<1x16xf32>,
        %get3A_1181 = vector.shape_cast %get3A_1180 : vector<1x16xf32> to vector<16xf32>
        %add3A_1182 = arith.addf %get3A_1177, %get3A_1181 : vector<16xf32>
        %mul3A_1183 = arith.constant 3.200000e+01 : f32
        %mul3A_1184 = vector.broadcast %mul3A_1183 : f32 to vector<16xf32>
        %mul3A_1185 = arith.mulf %add3A_1182, %mul3A_1184 : vector<16xf32>
        %swap3A_1186 = arith.index_cast %scan3A_104 : i32 to index
        %swap3A_1187 = arith.constant 1008 : index
        %swap3A_1188 = tpu.vector_load %arg11[%swap3A_1186, %swap3A_1187] {strides = array<i32>} : memref<16x1024xf32, #tpu.memory_space<vmem>>, vector<1x16xf32>,
        %swap3A_1189 = vector.shape_cast %swap3A_1188 : vector<1x16xf32> to vector<16xf32>
        %swap3A_1190 = vector.shape_cast %mul3A_1185 : vector<16xf32> to vector<1x16xf32>
        tpu.vector_store %arg11[%swap3A_1186, %swap3A_1187], %swap3A_1190 {strides = array<i32>} : memref<16x1024xf32, #tpu.memory_space<vmem>>, vector<1x16xf32>,
      }
      %scan3A_57 = arith.constant 16 : i32
      %add3A_58 = arith.addi %mul3A_2, %mul3A_41 : i32
      %dma_start3A_59 = arith.constant 0 : i32
      %dma_start3A_60 = tpu.memref_slice %arg6[%add3A_58, %dma_start3A_59] : memref<8192x1024xf32, #tpu.memory_space<hbm>> -> memref<16x1024xf32, #tpu.memory_space<hbm>>
      %dma_start3A_61 = arith.constant 0 : i32
      %dma_start3A_62 = tpu.memref_slice %arg6[%add3A_58, %dma_start3A_61] : memref<8192x1024xf32, #tpu.memory_space<hbm>> -> memref<16x1024xf32, #tpu.memory_space<hbm>>
      tpu.enqueue_dma source(%arg11 : memref<16x1024xf32, #tpu.memory_space<vmem>>) target(%dma_start3A_62 : memref<16x1024xf32, #tpu.memory_space<hbm>>) target_semaphore(%arg17 : memref<!tpu.dma_semaphore, #tpu.memory_space<semaphore_mem>>)
      %add3A_63 = arith.constant 2 : i32
      %add3A_64 = arith.addi %add3A_39, %add3A_63 : i32
      %lt3A = arith.constant 16 : i32
      %lt3A_65 = arith.cmpi slt, %add3A_64, %lt3A : i32
      %convert_element_type3A_66 = arith.extui %lt3A_65 : i1 to i32
      %cond3A_67 = arith.constant 0 : i32
      %cond3A_68 = arith.cmpi ne, %convert_element_type3A_66, %cond3A_67 : i32
      scf.if %cond3A_68 {
        %add3A_104 = arith.constant 2 : i32
        %add3A_105 = arith.addi %add3A_39, %add3A_104 : i32
        %mul3A_106 = arith.constant 16 : i32
        %mul3A_107 = arith.muli %add3A_105, %mul3A_106 : i32
        %dma_start3A_108 = tpu.memref_slice %arg7[%mul3A_107] : memref<256xi32, #tpu.memory_space<vmem>> -> memref<16xi32, #tpu.memory_space<vmem>>
        %dma_start3A_109 = arith.constant 0 : i32
        %dma_start3A_110 = arith.constant 0 : i32
        %dma_start3A_111 = tpu.memref_slice %arg4[%dma_start3A_109, %dma_start3A_110] : memref<100000x1024xf32, #tpu.memory_space<hbm>> -> memref<100000x1024xf32, #tpu.memory_space<hbm>>
        tpu.enqueue_indirect_dma source(%dma_start3A_111 : memref<100000x1024xf32, #tpu.memory_space<hbm>>) target(%arg9 : memref<16x1024xf32, #tpu.memory_space<vmem>>) offsets(%dma_start3A_108 : memref<16xi32, #tpu.memory_space<vmem>>) semaphore(%arg15 : memref<!tpu.dma_semaphore, #tpu.memory_space<semaphore_mem>>)
        %dma_start3A_112 = tpu.memref_slice %arg8[%mul3A_107] : memref<256xi32, #tpu.memory_space<vmem>> -> memref<16xi32, #tpu.memory_space<vmem>>
        %dma_start3A_113 = arith.constant 0 : i32
        %dma_start3A_114 = arith.constant 0 : i32
        %dma_start3A_115 = tpu.memref_slice %arg5[%dma_start3A_113, %dma_start3A_114] : memref<4096x1024xf32, #tpu.memory_space<hbm>> -> memref<4096x1024xf32, #tpu.memory_space<hbm>>
        tpu.enqueue_indirect_dma source(%dma_start3A_115 : memref<4096x1024xf32, #tpu.memory_space<hbm>>) target(%arg10 : memref<16x1024xf32, #tpu.memory_space<vmem>>) offsets(%dma_start3A_112 : memref<16xi32, #tpu.memory_space<vmem>>) semaphore(%arg15 : memref<!tpu.dma_semaphore, #tpu.memory_space<semaphore_mem>>)
      } else {
      }
      %add3A_69 = arith.constant 1 : i32
      %add3A_70 = arith.addi %add3A_37, %add3A_69 : i32
      %mul3A_71 = arith.constant 16 : i32
      %mul3A_72 = arith.muli %add3A_70, %mul3A_71 : i32
      %dma_wait3A_73 = tpu.memref_slice %arg7[%mul3A_72] : memref<256xi32, #tpu.memory_space<vmem>> -> memref<16xi32, #tpu.memory_space<vmem>>
      %dma_wait3A_74 = arith.constant 0 : i32
      %dma_wait3A_75 = arith.constant 0 : i32
      %dma_wait3A_76 = tpu.memref_slice %arg4[%dma_wait3A_74, %dma_wait3A_75] : memref<100000x1024xf32, #tpu.memory_space<hbm>> -> memref<100000x1024xf32, #tpu.memory_space<hbm>>
      tpu.wait_indirect_dma semaphore(%arg16 : memref<!tpu.dma_semaphore, #tpu.memory_space<semaphore_mem>>) src(%dma_wait3A_76 : memref<100000x1024xf32, #tpu.memory_space<hbm>>) dst(%arg12 : memref<16x1024xf32, #tpu.memory_space<vmem>>)
      %dma_wait3A_77 = tpu.memref_slice %arg8[%mul3A_72] : memref<256xi32, #tpu.memory_space<vmem>> -> memref<16xi32, #tpu.memory_space<vmem>>
      %dma_wait3A_78 = arith.constant 0 : i32
      %dma_wait3A_79 = arith.constant 0 : i32
      %dma_wait3A_80 = tpu.memref_slice %arg5[%dma_wait3A_78, %dma_wait3A_79] : memref<4096x1024xf32, #tpu.memory_space<hbm>> -> memref<4096x1024xf32, #tpu.memory_space<hbm>>
      tpu.wait_indirect_dma semaphore(%arg16 : memref<!tpu.dma_semaphore, #tpu.memory_space<semaphore_mem>>) src(%dma_wait3A_80 : memref<4096x1024xf32, #tpu.memory_space<hbm>>) dst(%arg13 : memref<16x1024xf32, #tpu.memory_space<vmem>>)
      %ge3A_81 = arith.constant 2 : i32
      %ge3A_82 = arith.cmpi sge, %add3A_70, %ge3A_81 : i32
      %convert_element_type3A_83 = arith.extui %ge3A_82 : i1 to i32
      %cond3A_84 = arith.constant 0 : i32
      %cond3A_85 = arith.cmpi ne, %convert_element_type3A_83, %cond3A_84 : i32
      scf.if %cond3A_85 {
        %add3A_104 = arith.addi %mul3A_2, %mul3A_72 : i32
        %dma_wait3A_105 = arith.constant 0 : i32
        %dma_wait3A_106 = tpu.memref_slice %arg6[%add3A_104, %dma_wait3A_105] : memref<8192x1024xf32, #tpu.memory_space<hbm>> -> memref<16x1024xf32, #tpu.memory_space<hbm>>
        %dma_wait3A_107 = arith.constant 0 : i32
        %dma_wait3A_108 = tpu.memref_slice %arg6[%add3A_104, %dma_wait3A_107] : memref<8192x1024xf32, #tpu.memory_space<hbm>> -> memref<16x1024xf32, #tpu.memory_space<hbm>>
        tpu.wait_dma2 semaphore(%arg18 : memref<!tpu.dma_semaphore, #tpu.memory_space<semaphore_mem>>) src(%arg14 : memref<16x1024xf32, #tpu.memory_space<vmem>>) dst(%dma_wait3A_108 : memref<16x1024xf32, #tpu.memory_space<hbm>>)
      } else {
      }
      %scan3A_86 = arith.constant 0 : i32
      %scan3A_87 = arith.constant 0 : i32
      %scan3A_88 = arith.constant 16 : i32
      %scan3A_89 = arith.addi %scan3A_87, %scan3A_88 : i32
      %scan3A_90 = arith.constant 1 : i32
      scf.for %scan3A_104 = %scan3A_87 to %scan3A_89 step %scan3A_90  : i32 {
        %get3A = arith.index_cast %scan3A_104 : i32 to index
        %get3A_105 = arith.constant 0 : index
        %get3A_106 = tpu.vector_load %arg12[%get3A, %get3A_105] {strides = array<i32>} : memref<16x1024xf32, #tpu.memory_space<vmem>>, vector<1x16xf32>,
        %get3A_107 = vector.shape_cast %get3A_106 : vector<1x16xf32> to vector<16xf32>
        %get3A_108 = arith.index_cast %scan3A_104 : i32 to index
        %get3A_109 = arith.constant 0 : index
        %get3A_110 = tpu.vector_load %arg13[%get3A_108, %get3A_109] {strides = array<i32>} : memref<16x1024xf32, #tpu.memory_space<vmem>>, vector<1x16xf32>,
        %get3A_111 = vector.shape_cast %get3A_110 : vector<1x16xf32> to vector<16xf32>
        %add3A_112 = arith.addf %get3A_107, %get3A_111 : vector<16xf32>
        %mul3A_113 = arith.constant 3.200000e+01 : f32
        %mul3A_114 = vector.broadcast %mul3A_113 : f32 to vector<16xf32>
        %mul3A_115 = arith.mulf %add3A_112, %mul3A_114 : vector<16xf32>
        %swap3A = arith.index_cast %scan3A_104 : i32 to index
        %swap3A_116 = arith.constant 0 : index
        %swap3A_117 = tpu.vector_load %arg14[%swap3A, %swap3A_116] {strides = array<i32>} : memref<16x1024xf32, #tpu.memory_space<vmem>>, vector<1x16xf32>,
        %swap3A_118 = vector.shape_cast %swap3A_117 : vector<1x16xf32> to vector<16xf32>
        %swap3A_119 = vector.shape_cast %mul3A_115 : vector<16xf32> to vector<1x16xf32>
        tpu.vector_store %arg14[%swap3A, %swap3A_116], %swap3A_119 {strides = array<i32>} : memref<16x1024xf32, #tpu.memory_space<vmem>>, vector<1x16xf32>,
        %get3A_120 = arith.index_cast %scan3A_104 : i32 to index
        %get3A_121 = arith.constant 16 : index
        %get3A_122 = tpu.vector_load %arg12[%get3A_120, %get3A_121] {strides = array<i32>} : memref<16x1024xf32, #tpu.memory_space<vmem>>, vector<1x16xf32>,
        %get3A_123 = vector.shape_cast %get3A_122 : vector<1x16xf32> to vector<16xf32>
        %get3A_124 = arith.index_cast %scan3A_104 : i32 to index
        %get3A_125 = arith.constant 16 : index
        %get3A_126 = tpu.vector_load %arg13[%get3A_124, %get3A_125] {strides = array<i32>} : memref<16x1024xf32, #tpu.memory_space<vmem>>, vector<1x16xf32>,
        %get3A_127 = vector.shape_cast %get3A_126 : vector<1x16xf32> to vector<16xf32>
        %add3A_128 = arith.addf %get3A_123, %get3A_127 : vector<16xf32>
        %mul3A_129 = arith.constant 3.200000e+01 : f32
        %mul3A_130 = vector.broadcast %mul3A_129 : f32 to vector<16xf32>
        %mul3A_131 = arith.mulf %add3A_128, %mul3A_130 : vector<16xf32>
        %swap3A_132 = arith.index_cast %scan3A_104 : i32 to index
        %swap3A_133 = arith.constant 16 : index
        %swap3A_134 = tpu.vector_load %arg14[%swap3A_132, %swap3A_133] {strides = array<i32>} : memref<16x1024xf32, #tpu.memory_space<vmem>>, vector<1x16xf32>,
        %swap3A_135 = vector.shape_cast %swap3A_134 : vector<1x16xf32> to vector<16xf32>
        %swap3A_136 = vector.shape_cast %mul3A_131 : vector<16xf32> to vector<1x16xf32>
        tpu.vector_store %arg14[%swap3A_132, %swap3A_133], %swap3A_136 {strides = array<i32>} : memref<16x1024xf32, #tpu.memory_space<vmem>>, vector<1x16xf32>,
        %get3A_137 = arith.index_cast %scan3A_104 : i32 to index
        %get3A_138 = arith.constant 32 : index
        %get3A_139 = tpu.vector_load %arg12[%get3A_137, %get3A_138] {strides = array<i32>} : memref<16x1024xf32, #tpu.memory_space<vmem>>, vector<1x16xf32>,
        %get3A_140 = vector.shape_cast %get3A_139 : vector<1x16xf32> to vector<16xf32>
        %get3A_141 = arith.index_cast %scan3A_104 : i32 to index
        %get3A_142 = arith.constant 32 : index
        %get3A_143 = tpu.vector_load %arg13[%get3A_141, %get3A_142] {strides = array<i32>} : memref<16x1024xf32, #tpu.memory_space<vmem>>, vector<1x16xf32>,
        %get3A_144 = vector.shape_cast %get3A_143 : vector<1x16xf32> to vector<16xf32>
        %add3A_145 = arith.addf %get3A_140, %get3A_144 : vector<16xf32>
        %mul3A_146 = arith.constant 3.200000e+01 : f32
        %mul3A_147 = vector.broadcast %mul3A_146 : f32 to vector<16xf32>
        %mul3A_148 = arith.mulf %add3A_145, %mul3A_147 : vector<16xf32>
        %swap3A_149 = arith.index_cast %scan3A_104 : i32 to index
        %swap3A_150 = arith.constant 32 : index
        %swap3A_151 = tpu.vector_load %arg14[%swap3A_149, %swap3A_150] {strides = array<i32>} : memref<16x1024xf32, #tpu.memory_space<vmem>>, vector<1x16xf32>,
        %swap3A_152 = vector.shape_cast %swap3A_151 : vector<1x16xf32> to vector<16xf32>
        %swap3A_153 = vector.shape_cast %mul3A_148 : vector<16xf32> to vector<1x16xf32>
        tpu.vector_store %arg14[%swap3A_149, %swap3A_150], %swap3A_153 {strides = array<i32>} : memref<16x1024xf32, #tpu.memory_space<vmem>>, vector<1x16xf32>,
        %get3A_154 = arith.index_cast %scan3A_104 : i32 to index
        %get3A_155 = arith.constant 48 : index
        %get3A_156 = tpu.vector_load %arg12[%get3A_154, %get3A_155] {strides = array<i32>} : memref<16x1024xf32, #tpu.memory_space<vmem>>, vector<1x16xf32>,
        %get3A_157 = vector.shape_cast %get3A_156 : vector<1x16xf32> to vector<16xf32>
        %get3A_158 = arith.index_cast %scan3A_104 : i32 to index
        %get3A_159 = arith.constant 48 : index
        %get3A_160 = tpu.vector_load %arg13[%get3A_158, %get3A_159] {strides = array<i32>} : memref<16x1024xf32, #tpu.memory_space<vmem>>, vector<1x16xf32>,
        %get3A_161 = vector.shape_cast %get3A_160 : vector<1x16xf32> to vector<16xf32>
        %add3A_162 = arith.addf %get3A_157, %get3A_161 : vector<16xf32>
        %mul3A_163 = arith.constant 3.200000e+01 : f32
        %mul3A_164 = vector.broadcast %mul3A_163 : f32 to vector<16xf32>
        %mul3A_165 = arith.mulf %add3A_162, %mul3A_164 : vector<16xf32>
        %swap3A_166 = arith.index_cast %scan3A_104 : i32 to index
        %swap3A_167 = arith.constant 48 : index
        %swap3A_168 = tpu.vector_load %arg14[%swap3A_166, %swap3A_167] {strides = array<i32>} : memref<16x1024xf32, #tpu.memory_space<vmem>>, vector<1x16xf32>,
        %swap3A_169 = vector.shape_cast %swap3A_168 : vector<1x16xf32> to vector<16xf32>
        %swap3A_170 = vector.shape_cast %mul3A_165 : vector<16xf32> to vector<1x16xf32>
        tpu.vector_store %arg14[%swap3A_166, %swap3A_167], %swap3A_170 {strides = array<i32>} : memref<16x1024xf32, #tpu.memory_space<vmem>>, vector<1x16xf32>,
        %get3A_171 = arith.index_cast %scan3A_104 : i32 to index
        %get3A_172 = arith.constant 64 : index
        %get3A_173 = tpu.vector_load %arg12[%get3A_171, %get3A_172] {strides = array<i32>} : memref<16x1024xf32, #tpu.memory_space<vmem>>, vector<1x16xf32>,
        %get3A_174 = vector.shape_cast %get3A_173 : vector<1x16xf32> to vector<16xf32>
        %get3A_175 = arith.index_cast %scan3A_104 : i32 to index
        %get3A_176 = arith.constant 64 : index
        %get3A_177 = tpu.vector_load %arg13[%get3A_175, %get3A_176] {strides = array<i32>} : memref<16x1024xf32, #tpu.memory_space<vmem>>, vector<1x16xf32>,
        %get3A_178 = vector.shape_cast %get3A_177 : vector<1x16xf32> to vector<16xf32>
        %add3A_179 = arith.addf %get3A_174, %get3A_178 : vector<16xf32>
        %mul3A_180 = arith.constant 3.200000e+01 : f32
        %mul3A_181 = vector.broadcast %mul3A_180 : f32 to vector<16xf32>
        %mul3A_182 = arith.mulf %add3A_179, %mul3A_181 : vector<16xf32>
        %swap3A_183 = arith.index_cast %scan3A_104 : i32 to index
        %swap3A_184 = arith.constant 64 : index
        %swap3A_185 = tpu.vector_load %arg14[%swap3A_183, %swap3A_184] {strides = array<i32>} : memref<16x1024xf32, #tpu.memory_space<vmem>>, vector<1x16xf32>,
        %swap3A_186 = vector.shape_cast %swap3A_185 : vector<1x16xf32> to vector<16xf32>
        %swap3A_187 = vector.shape_cast %mul3A_182 : vector<16xf32> to vector<1x16xf32>
        tpu.vector_store %arg14[%swap3A_183, %swap3A_184], %swap3A_187 {strides = array<i32>} : memref<16x1024xf32, #tpu.memory_space<vmem>>, vector<1x16xf32>,
        %get3A_188 = arith.index_cast %scan3A_104 : i32 to index
        %get3A_189 = arith.constant 80 : index
        %get3A_190 = tpu.vector_load %arg12[%get3A_188, %get3A_189] {strides = array<i32>} : memref<16x1024xf32, #tpu.memory_space<vmem>>, vector<1x16xf32>,
        %get3A_191 = vector.shape_cast %get3A_190 : vector<1x16xf32> to vector<16xf32>
        %get3A_192 = arith.index_cast %scan3A_104 : i32 to index
        %get3A_193 = arith.constant 80 : index
        %get3A_194 = tpu.vector_load %arg13[%get3A_192, %get3A_193] {strides = array<i32>} : memref<16x1024xf32, #tpu.memory_space<vmem>>, vector<1x16xf32>,
        %get3A_195 = vector.shape_cast %get3A_194 : vector<1x16xf32> to vector<16xf32>
        %add3A_196 = arith.addf %get3A_191, %get3A_195 : vector<16xf32>
        %mul3A_197 = arith.constant 3.200000e+01 : f32
        %mul3A_198 = vector.broadcast %mul3A_197 : f32 to vector<16xf32>
        %mul3A_199 = arith.mulf %add3A_196, %mul3A_198 : vector<16xf32>
        %swap3A_200 = arith.index_cast %scan3A_104 : i32 to index
        %swap3A_201 = arith.constant 80 : index
        %swap3A_202 = tpu.vector_load %arg14[%swap3A_200, %swap3A_201] {strides = array<i32>} : memref<16x1024xf32, #tpu.memory_space<vmem>>, vector<1x16xf32>,
        %swap3A_203 = vector.shape_cast %swap3A_202 : vector<1x16xf32> to vector<16xf32>
        %swap3A_204 = vector.shape_cast %mul3A_199 : vector<16xf32> to vector<1x16xf32>
        tpu.vector_store %arg14[%swap3A_200, %swap3A_201], %swap3A_204 {strides = array<i32>} : memref<16x1024xf32, #tpu.memory_space<vmem>>, vector<1x16xf32>,
        %get3A_205 = arith.index_cast %scan3A_104 : i32 to index
        %get3A_206 = arith.constant 96 : index
        %get3A_207 = tpu.vector_load %arg12[%get3A_205, %get3A_206] {strides = array<i32>} : memref<16x1024xf32, #tpu.memory_space<vmem>>, vector<1x16xf32>,
        %get3A_208 = vector.shape_cast %get3A_207 : vector<1x16xf32> to vector<16xf32>
        %get3A_209 = arith.index_cast %scan3A_104 : i32 to index
        %get3A_210 = arith.constant 96 : index
        %get3A_211 = tpu.vector_load %arg13[%get3A_209, %get3A_210] {strides = array<i32>} : memref<16x1024xf32, #tpu.memory_space<vmem>>, vector<1x16xf32>,
        %get3A_212 = vector.shape_cast %get3A_211 : vector<1x16xf32> to vector<16xf32>
        %add3A_213 = arith.addf %get3A_208, %get3A_212 : vector<16xf32>
        %mul3A_214 = arith.constant 3.200000e+01 : f32
        %mul3A_215 = vector.broadcast %mul3A_214 : f32 to vector<16xf32>
        %mul3A_216 = arith.mulf %add3A_213, %mul3A_215 : vector<16xf32>
        %swap3A_217 = arith.index_cast %scan3A_104 : i32 to index
        %swap3A_218 = arith.constant 96 : index
        %swap3A_219 = tpu.vector_load %arg14[%swap3A_217, %swap3A_218] {strides = array<i32>} : memref<16x1024xf32, #tpu.memory_space<vmem>>, vector<1x16xf32>,
        %swap3A_220 = vector.shape_cast %swap3A_219 : vector<1x16xf32> to vector<16xf32>
        %swap3A_221 = vector.shape_cast %mul3A_216 : vector<16xf32> to vector<1x16xf32>
        tpu.vector_store %arg14[%swap3A_217, %swap3A_218], %swap3A_221 {strides = array<i32>} : memref<16x1024xf32, #tpu.memory_space<vmem>>, vector<1x16xf32>,
        %get3A_222 = arith.index_cast %scan3A_104 : i32 to index
        %get3A_223 = arith.constant 112 : index
        %get3A_224 = tpu.vector_load %arg12[%get3A_222, %get3A_223] {strides = array<i32>} : memref<16x1024xf32, #tpu.memory_space<vmem>>, vector<1x16xf32>,
        %get3A_225 = vector.shape_cast %get3A_224 : vector<1x16xf32> to vector<16xf32>
        %get3A_226 = arith.index_cast %scan3A_104 : i32 to index
        %get3A_227 = arith.constant 112 : index
        %get3A_228 = tpu.vector_load %arg13[%get3A_226, %get3A_227] {strides = array<i32>} : memref<16x1024xf32, #tpu.memory_space<vmem>>, vector<1x16xf32>,
        %get3A_229 = vector.shape_cast %get3A_228 : vector<1x16xf32> to vector<16xf32>
        %add3A_230 = arith.addf %get3A_225, %get3A_229 : vector<16xf32>
        %mul3A_231 = arith.constant 3.200000e+01 : f32
        %mul3A_232 = vector.broadcast %mul3A_231 : f32 to vector<16xf32>
        %mul3A_233 = arith.mulf %add3A_230, %mul3A_232 : vector<16xf32>
        %swap3A_234 = arith.index_cast %scan3A_104 : i32 to index
        %swap3A_235 = arith.constant 112 : index
        %swap3A_236 = tpu.vector_load %arg14[%swap3A_234, %swap3A_235] {strides = array<i32>} : memref<16x1024xf32, #tpu.memory_space<vmem>>, vector<1x16xf32>,
        %swap3A_237 = vector.shape_cast %swap3A_236 : vector<1x16xf32> to vector<16xf32>
        %swap3A_238 = vector.shape_cast %mul3A_233 : vector<16xf32> to vector<1x16xf32>
        tpu.vector_store %arg14[%swap3A_234, %swap3A_235], %swap3A_238 {strides = array<i32>} : memref<16x1024xf32, #tpu.memory_space<vmem>>, vector<1x16xf32>,
        %get3A_239 = arith.index_cast %scan3A_104 : i32 to index
        %get3A_240 = arith.constant 128 : index
        %get3A_241 = tpu.vector_load %arg12[%get3A_239, %get3A_240] {strides = array<i32>} : memref<16x1024xf32, #tpu.memory_space<vmem>>, vector<1x16xf32>,
        %get3A_242 = vector.shape_cast %get3A_241 : vector<1x16xf32> to vector<16xf32>
        %get3A_243 = arith.index_cast %scan3A_104 : i32 to index
        %get3A_244 = arith.constant 128 : index
        %get3A_245 = tpu.vector_load %arg13[%get3A_243, %get3A_244] {strides = array<i32>} : memref<16x1024xf32, #tpu.memory_space<vmem>>, vector<1x16xf32>,
        %get3A_246 = vector.shape_cast %get3A_245 : vector<1x16xf32> to vector<16xf32>
        %add3A_247 = arith.addf %get3A_242, %get3A_246 : vector<16xf32>
        %mul3A_248 = arith.constant 3.200000e+01 : f32
        %mul3A_249 = vector.broadcast %mul3A_248 : f32 to vector<16xf32>
        %mul3A_250 = arith.mulf %add3A_247, %mul3A_249 : vector<16xf32>
        %swap3A_251 = arith.index_cast %scan3A_104 : i32 to index
        %swap3A_252 = arith.constant 128 : index
        %swap3A_253 = tpu.vector_load %arg14[%swap3A_251, %swap3A_252] {strides = array<i32>} : memref<16x1024xf32, #tpu.memory_space<vmem>>, vector<1x16xf32>,
        %swap3A_254 = vector.shape_cast %swap3A_253 : vector<1x16xf32> to vector<16xf32>
        %swap3A_255 = vector.shape_cast %mul3A_250 : vector<16xf32> to vector<1x16xf32>
        tpu.vector_store %arg14[%swap3A_251, %swap3A_252], %swap3A_255 {strides = array<i32>} : memref<16x1024xf32, #tpu.memory_space<vmem>>, vector<1x16xf32>,
        %get3A_256 = arith.index_cast %scan3A_104 : i32 to index
        %get3A_257 = arith.constant 144 : index
        %get3A_258 = tpu.vector_load %arg12[%get3A_256, %get3A_257] {strides = array<i32>} : memref<16x1024xf32, #tpu.memory_space<vmem>>, vector<1x16xf32>,
        %get3A_259 = vector.shape_cast %get3A_258 : vector<1x16xf32> to vector<16xf32>
        %get3A_260 = arith.index_cast %scan3A_104 : i32 to index
        %get3A_261 = arith.constant 144 : index
        %get3A_262 = tpu.vector_load %arg13[%get3A_260, %get3A_261] {strides = array<i32>} : memref<16x1024xf32, #tpu.memory_space<vmem>>, vector<1x16xf32>,
        %get3A_263 = vector.shape_cast %get3A_262 : vector<1x16xf32> to vector<16xf32>
        %add3A_264 = arith.addf %get3A_259, %get3A_263 : vector<16xf32>
        %mul3A_265 = arith.constant 3.200000e+01 : f32
        %mul3A_266 = vector.broadcast %mul3A_265 : f32 to vector<16xf32>
        %mul3A_267 = arith.mulf %add3A_264, %mul3A_266 : vector<16xf32>
        %swap3A_268 = arith.index_cast %scan3A_104 : i32 to index
        %swap3A_269 = arith.constant 144 : index
        %swap3A_270 = tpu.vector_load %arg14[%swap3A_268, %swap3A_269] {strides = array<i32>} : memref<16x1024xf32, #tpu.memory_space<vmem>>, vector<1x16xf32>,
        %swap3A_271 = vector.shape_cast %swap3A_270 : vector<1x16xf32> to vector<16xf32>
        %swap3A_272 = vector.shape_cast %mul3A_267 : vector<16xf32> to vector<1x16xf32>
        tpu.vector_store %arg14[%swap3A_268, %swap3A_269], %swap3A_272 {strides = array<i32>} : memref<16x1024xf32, #tpu.memory_space<vmem>>, vector<1x16xf32>,
        %get3A_273 = arith.index_cast %scan3A_104 : i32 to index
        %get3A_274 = arith.constant 160 : index
        %get3A_275 = tpu.vector_load %arg12[%get3A_273, %get3A_274] {strides = array<i32>} : memref<16x1024xf32, #tpu.memory_space<vmem>>, vector<1x16xf32>,
        %get3A_276 = vector.shape_cast %get3A_275 : vector<1x16xf32> to vector<16xf32>
        %get3A_277 = arith.index_cast %scan3A_104 : i32 to index
        %get3A_278 = arith.constant 160 : index
        %get3A_279 = tpu.vector_load %arg13[%get3A_277, %get3A_278] {strides = array<i32>} : memref<16x1024xf32, #tpu.memory_space<vmem>>, vector<1x16xf32>,
        %get3A_280 = vector.shape_cast %get3A_279 : vector<1x16xf32> to vector<16xf32>
        %add3A_281 = arith.addf %get3A_276, %get3A_280 : vector<16xf32>
        %mul3A_282 = arith.constant 3.200000e+01 : f32
        %mul3A_283 = vector.broadcast %mul3A_282 : f32 to vector<16xf32>
        %mul3A_284 = arith.mulf %add3A_281, %mul3A_283 : vector<16xf32>
        %swap3A_285 = arith.index_cast %scan3A_104 : i32 to index
        %swap3A_286 = arith.constant 160 : index
        %swap3A_287 = tpu.vector_load %arg14[%swap3A_285, %swap3A_286] {strides = array<i32>} : memref<16x1024xf32, #tpu.memory_space<vmem>>, vector<1x16xf32>,
        %swap3A_288 = vector.shape_cast %swap3A_287 : vector<1x16xf32> to vector<16xf32>
        %swap3A_289 = vector.shape_cast %mul3A_284 : vector<16xf32> to vector<1x16xf32>
        tpu.vector_store %arg14[%swap3A_285, %swap3A_286], %swap3A_289 {strides = array<i32>} : memref<16x1024xf32, #tpu.memory_space<vmem>>, vector<1x16xf32>,
        %get3A_290 = arith.index_cast %scan3A_104 : i32 to index
        %get3A_291 = arith.constant 176 : index
        %get3A_292 = tpu.vector_load %arg12[%get3A_290, %get3A_291] {strides = array<i32>} : memref<16x1024xf32, #tpu.memory_space<vmem>>, vector<1x16xf32>,
        %get3A_293 = vector.shape_cast %get3A_292 : vector<1x16xf32> to vector<16xf32>
        %get3A_294 = arith.index_cast %scan3A_104 : i32 to index
        %get3A_295 = arith.constant 176 : index
        %get3A_296 = tpu.vector_load %arg13[%get3A_294, %get3A_295] {strides = array<i32>} : memref<16x1024xf32, #tpu.memory_space<vmem>>, vector<1x16xf32>,
        %get3A_297 = vector.shape_cast %get3A_296 : vector<1x16xf32> to vector<16xf32>
        %add3A_298 = arith.addf %get3A_293, %get3A_297 : vector<16xf32>
        %mul3A_299 = arith.constant 3.200000e+01 : f32
        %mul3A_300 = vector.broadcast %mul3A_299 : f32 to vector<16xf32>
        %mul3A_301 = arith.mulf %add3A_298, %mul3A_300 : vector<16xf32>
        %swap3A_302 = arith.index_cast %scan3A_104 : i32 to index
        %swap3A_303 = arith.constant 176 : index
        %swap3A_304 = tpu.vector_load %arg14[%swap3A_302, %swap3A_303] {strides = array<i32>} : memref<16x1024xf32, #tpu.memory_space<vmem>>, vector<1x16xf32>,
        %swap3A_305 = vector.shape_cast %swap3A_304 : vector<1x16xf32> to vector<16xf32>
        %swap3A_306 = vector.shape_cast %mul3A_301 : vector<16xf32> to vector<1x16xf32>
        tpu.vector_store %arg14[%swap3A_302, %swap3A_303], %swap3A_306 {strides = array<i32>} : memref<16x1024xf32, #tpu.memory_space<vmem>>, vector<1x16xf32>,
        %get3A_307 = arith.index_cast %scan3A_104 : i32 to index
        %get3A_308 = arith.constant 192 : index
        %get3A_309 = tpu.vector_load %arg12[%get3A_307, %get3A_308] {strides = array<i32>} : memref<16x1024xf32, #tpu.memory_space<vmem>>, vector<1x16xf32>,
        %get3A_310 = vector.shape_cast %get3A_309 : vector<1x16xf32> to vector<16xf32>
        %get3A_311 = arith.index_cast %scan3A_104 : i32 to index
        %get3A_312 = arith.constant 192 : index
        %get3A_313 = tpu.vector_load %arg13[%get3A_311, %get3A_312] {strides = array<i32>} : memref<16x1024xf32, #tpu.memory_space<vmem>>, vector<1x16xf32>,
        %get3A_314 = vector.shape_cast %get3A_313 : vector<1x16xf32> to vector<16xf32>
        %add3A_315 = arith.addf %get3A_310, %get3A_314 : vector<16xf32>
        %mul3A_316 = arith.constant 3.200000e+01 : f32
        %mul3A_317 = vector.broadcast %mul3A_316 : f32 to vector<16xf32>
        %mul3A_318 = arith.mulf %add3A_315, %mul3A_317 : vector<16xf32>
        %swap3A_319 = arith.index_cast %scan3A_104 : i32 to index
        %swap3A_320 = arith.constant 192 : index
        %swap3A_321 = tpu.vector_load %arg14[%swap3A_319, %swap3A_320] {strides = array<i32>} : memref<16x1024xf32, #tpu.memory_space<vmem>>, vector<1x16xf32>,
        %swap3A_322 = vector.shape_cast %swap3A_321 : vector<1x16xf32> to vector<16xf32>
        %swap3A_323 = vector.shape_cast %mul3A_318 : vector<16xf32> to vector<1x16xf32>
        tpu.vector_store %arg14[%swap3A_319, %swap3A_320], %swap3A_323 {strides = array<i32>} : memref<16x1024xf32, #tpu.memory_space<vmem>>, vector<1x16xf32>,
        %get3A_324 = arith.index_cast %scan3A_104 : i32 to index
        %get3A_325 = arith.constant 208 : index
        %get3A_326 = tpu.vector_load %arg12[%get3A_324, %get3A_325] {strides = array<i32>} : memref<16x1024xf32, #tpu.memory_space<vmem>>, vector<1x16xf32>,
        %get3A_327 = vector.shape_cast %get3A_326 : vector<1x16xf32> to vector<16xf32>
        %get3A_328 = arith.index_cast %scan3A_104 : i32 to index
        %get3A_329 = arith.constant 208 : index
        %get3A_330 = tpu.vector_load %arg13[%get3A_328, %get3A_329] {strides = array<i32>} : memref<16x1024xf32, #tpu.memory_space<vmem>>, vector<1x16xf32>,
        %get3A_331 = vector.shape_cast %get3A_330 : vector<1x16xf32> to vector<16xf32>
        %add3A_332 = arith.addf %get3A_327, %get3A_331 : vector<16xf32>
        %mul3A_333 = arith.constant 3.200000e+01 : f32
        %mul3A_334 = vector.broadcast %mul3A_333 : f32 to vector<16xf32>
        %mul3A_335 = arith.mulf %add3A_332, %mul3A_334 : vector<16xf32>
        %swap3A_336 = arith.index_cast %scan3A_104 : i32 to index
        %swap3A_337 = arith.constant 208 : index
        %swap3A_338 = tpu.vector_load %arg14[%swap3A_336, %swap3A_337] {strides = array<i32>} : memref<16x1024xf32, #tpu.memory_space<vmem>>, vector<1x16xf32>,
        %swap3A_339 = vector.shape_cast %swap3A_338 : vector<1x16xf32> to vector<16xf32>
        %swap3A_340 = vector.shape_cast %mul3A_335 : vector<16xf32> to vector<1x16xf32>
        tpu.vector_store %arg14[%swap3A_336, %swap3A_337], %swap3A_340 {strides = array<i32>} : memref<16x1024xf32, #tpu.memory_space<vmem>>, vector<1x16xf32>,
        %get3A_341 = arith.index_cast %scan3A_104 : i32 to index
        %get3A_342 = arith.constant 224 : index
        %get3A_343 = tpu.vector_load %arg12[%get3A_341, %get3A_342] {strides = array<i32>} : memref<16x1024xf32, #tpu.memory_space<vmem>>, vector<1x16xf32>,
        %get3A_344 = vector.shape_cast %get3A_343 : vector<1x16xf32> to vector<16xf32>
        %get3A_345 = arith.index_cast %scan3A_104 : i32 to index
        %get3A_346 = arith.constant 224 : index
        %get3A_347 = tpu.vector_load %arg13[%get3A_345, %get3A_346] {strides = array<i32>} : memref<16x1024xf32, #tpu.memory_space<vmem>>, vector<1x16xf32>,
        %get3A_348 = vector.shape_cast %get3A_347 : vector<1x16xf32> to vector<16xf32>
        %add3A_349 = arith.addf %get3A_344, %get3A_348 : vector<16xf32>
        %mul3A_350 = arith.constant 3.200000e+01 : f32
        %mul3A_351 = vector.broadcast %mul3A_350 : f32 to vector<16xf32>
        %mul3A_352 = arith.mulf %add3A_349, %mul3A_351 : vector<16xf32>
        %swap3A_353 = arith.index_cast %scan3A_104 : i32 to index
        %swap3A_354 = arith.constant 224 : index
        %swap3A_355 = tpu.vector_load %arg14[%swap3A_353, %swap3A_354] {strides = array<i32>} : memref<16x1024xf32, #tpu.memory_space<vmem>>, vector<1x16xf32>,
        %swap3A_356 = vector.shape_cast %swap3A_355 : vector<1x16xf32> to vector<16xf32>
        %swap3A_357 = vector.shape_cast %mul3A_352 : vector<16xf32> to vector<1x16xf32>
        tpu.vector_store %arg14[%swap3A_353, %swap3A_354], %swap3A_357 {strides = array<i32>} : memref<16x1024xf32, #tpu.memory_space<vmem>>, vector<1x16xf32>,
        %get3A_358 = arith.index_cast %scan3A_104 : i32 to index
        %get3A_359 = arith.constant 240 : index
        %get3A_360 = tpu.vector_load %arg12[%get3A_358, %get3A_359] {strides = array<i32>} : memref<16x1024xf32, #tpu.memory_space<vmem>>, vector<1x16xf32>,
        %get3A_361 = vector.shape_cast %get3A_360 : vector<1x16xf32> to vector<16xf32>
        %get3A_362 = arith.index_cast %scan3A_104 : i32 to index
        %get3A_363 = arith.constant 240 : index
        %get3A_364 = tpu.vector_load %arg13[%get3A_362, %get3A_363] {strides = array<i32>} : memref<16x1024xf32, #tpu.memory_space<vmem>>, vector<1x16xf32>,
        %get3A_365 = vector.shape_cast %get3A_364 : vector<1x16xf32> to vector<16xf32>
        %add3A_366 = arith.addf %get3A_361, %get3A_365 : vector<16xf32>
        %mul3A_367 = arith.constant 3.200000e+01 : f32
        %mul3A_368 = vector.broadcast %mul3A_367 : f32 to vector<16xf32>
        %mul3A_369 = arith.mulf %add3A_366, %mul3A_368 : vector<16xf32>
        %swap3A_370 = arith.index_cast %scan3A_104 : i32 to index
        %swap3A_371 = arith.constant 240 : index
        %swap3A_372 = tpu.vector_load %arg14[%swap3A_370, %swap3A_371] {strides = array<i32>} : memref<16x1024xf32, #tpu.memory_space<vmem>>, vector<1x16xf32>,
        %swap3A_373 = vector.shape_cast %swap3A_372 : vector<1x16xf32> to vector<16xf32>
        %swap3A_374 = vector.shape_cast %mul3A_369 : vector<16xf32> to vector<1x16xf32>
        tpu.vector_store %arg14[%swap3A_370, %swap3A_371], %swap3A_374 {strides = array<i32>} : memref<16x1024xf32, #tpu.memory_space<vmem>>, vector<1x16xf32>,
        %get3A_375 = arith.index_cast %scan3A_104 : i32 to index
        %get3A_376 = arith.constant 256 : index
        %get3A_377 = tpu.vector_load %arg12[%get3A_375, %get3A_376] {strides = array<i32>} : memref<16x1024xf32, #tpu.memory_space<vmem>>, vector<1x16xf32>,
        %get3A_378 = vector.shape_cast %get3A_377 : vector<1x16xf32> to vector<16xf32>
        %get3A_379 = arith.index_cast %scan3A_104 : i32 to index
        %get3A_380 = arith.constant 256 : index
        %get3A_381 = tpu.vector_load %arg13[%get3A_379, %get3A_380] {strides = array<i32>} : memref<16x1024xf32, #tpu.memory_space<vmem>>, vector<1x16xf32>,
        %get3A_382 = vector.shape_cast %get3A_381 : vector<1x16xf32> to vector<16xf32>
        %add3A_383 = arith.addf %get3A_378, %get3A_382 : vector<16xf32>
        %mul3A_384 = arith.constant 3.200000e+01 : f32
        %mul3A_385 = vector.broadcast %mul3A_384 : f32 to vector<16xf32>
        %mul3A_386 = arith.mulf %add3A_383, %mul3A_385 : vector<16xf32>
        %swap3A_387 = arith.index_cast %scan3A_104 : i32 to index
        %swap3A_388 = arith.constant 256 : index
        %swap3A_389 = tpu.vector_load %arg14[%swap3A_387, %swap3A_388] {strides = array<i32>} : memref<16x1024xf32, #tpu.memory_space<vmem>>, vector<1x16xf32>,
        %swap3A_390 = vector.shape_cast %swap3A_389 : vector<1x16xf32> to vector<16xf32>
        %swap3A_391 = vector.shape_cast %mul3A_386 : vector<16xf32> to vector<1x16xf32>
        tpu.vector_store %arg14[%swap3A_387, %swap3A_388], %swap3A_391 {strides = array<i32>} : memref<16x1024xf32, #tpu.memory_space<vmem>>, vector<1x16xf32>,
        %get3A_392 = arith.index_cast %scan3A_104 : i32 to index
        %get3A_393 = arith.constant 272 : index
        %get3A_394 = tpu.vector_load %arg12[%get3A_392, %get3A_393] {strides = array<i32>} : memref<16x1024xf32, #tpu.memory_space<vmem>>, vector<1x16xf32>,
        %get3A_395 = vector.shape_cast %get3A_394 : vector<1x16xf32> to vector<16xf32>
        %get3A_396 = arith.index_cast %scan3A_104 : i32 to index
        %get3A_397 = arith.constant 272 : index
        %get3A_398 = tpu.vector_load %arg13[%get3A_396, %get3A_397] {strides = array<i32>} : memref<16x1024xf32, #tpu.memory_space<vmem>>, vector<1x16xf32>,
        %get3A_399 = vector.shape_cast %get3A_398 : vector<1x16xf32> to vector<16xf32>
        %add3A_400 = arith.addf %get3A_395, %get3A_399 : vector<16xf32>
        %mul3A_401 = arith.constant 3.200000e+01 : f32
        %mul3A_402 = vector.broadcast %mul3A_401 : f32 to vector<16xf32>
        %mul3A_403 = arith.mulf %add3A_400, %mul3A_402 : vector<16xf32>
        %swap3A_404 = arith.index_cast %scan3A_104 : i32 to index
        %swap3A_405 = arith.constant 272 : index
        %swap3A_406 = tpu.vector_load %arg14[%swap3A_404, %swap3A_405] {strides = array<i32>} : memref<16x1024xf32, #tpu.memory_space<vmem>>, vector<1x16xf32>,
        %swap3A_407 = vector.shape_cast %swap3A_406 : vector<1x16xf32> to vector<16xf32>
        %swap3A_408 = vector.shape_cast %mul3A_403 : vector<16xf32> to vector<1x16xf32>
        tpu.vector_store %arg14[%swap3A_404, %swap3A_405], %swap3A_408 {strides = array<i32>} : memref<16x1024xf32, #tpu.memory_space<vmem>>, vector<1x16xf32>,
        %get3A_409 = arith.index_cast %scan3A_104 : i32 to index
        %get3A_410 = arith.constant 288 : index
        %get3A_411 = tpu.vector_load %arg12[%get3A_409, %get3A_410] {strides = array<i32>} : memref<16x1024xf32, #tpu.memory_space<vmem>>, vector<1x16xf32>,
        %get3A_412 = vector.shape_cast %get3A_411 : vector<1x16xf32> to vector<16xf32>
        %get3A_413 = arith.index_cast %scan3A_104 : i32 to index
        %get3A_414 = arith.constant 288 : index
        %get3A_415 = tpu.vector_load %arg13[%get3A_413, %get3A_414] {strides = array<i32>} : memref<16x1024xf32, #tpu.memory_space<vmem>>, vector<1x16xf32>,
        %get3A_416 = vector.shape_cast %get3A_415 : vector<1x16xf32> to vector<16xf32>
        %add3A_417 = arith.addf %get3A_412, %get3A_416 : vector<16xf32>
        %mul3A_418 = arith.constant 3.200000e+01 : f32
        %mul3A_419 = vector.broadcast %mul3A_418 : f32 to vector<16xf32>
        %mul3A_420 = arith.mulf %add3A_417, %mul3A_419 : vector<16xf32>
        %swap3A_421 = arith.index_cast %scan3A_104 : i32 to index
        %swap3A_422 = arith.constant 288 : index
        %swap3A_423 = tpu.vector_load %arg14[%swap3A_421, %swap3A_422] {strides = array<i32>} : memref<16x1024xf32, #tpu.memory_space<vmem>>, vector<1x16xf32>,
        %swap3A_424 = vector.shape_cast %swap3A_423 : vector<1x16xf32> to vector<16xf32>
        %swap3A_425 = vector.shape_cast %mul3A_420 : vector<16xf32> to vector<1x16xf32>
        tpu.vector_store %arg14[%swap3A_421, %swap3A_422], %swap3A_425 {strides = array<i32>} : memref<16x1024xf32, #tpu.memory_space<vmem>>, vector<1x16xf32>,
        %get3A_426 = arith.index_cast %scan3A_104 : i32 to index
        %get3A_427 = arith.constant 304 : index
        %get3A_428 = tpu.vector_load %arg12[%get3A_426, %get3A_427] {strides = array<i32>} : memref<16x1024xf32, #tpu.memory_space<vmem>>, vector<1x16xf32>,
        %get3A_429 = vector.shape_cast %get3A_428 : vector<1x16xf32> to vector<16xf32>
        %get3A_430 = arith.index_cast %scan3A_104 : i32 to index
        %get3A_431 = arith.constant 304 : index
        %get3A_432 = tpu.vector_load %arg13[%get3A_430, %get3A_431] {strides = array<i32>} : memref<16x1024xf32, #tpu.memory_space<vmem>>, vector<1x16xf32>,
        %get3A_433 = vector.shape_cast %get3A_432 : vector<1x16xf32> to vector<16xf32>
        %add3A_434 = arith.addf %get3A_429, %get3A_433 : vector<16xf32>
        %mul3A_435 = arith.constant 3.200000e+01 : f32
        %mul3A_436 = vector.broadcast %mul3A_435 : f32 to vector<16xf32>
        %mul3A_437 = arith.mulf %add3A_434, %mul3A_436 : vector<16xf32>
        %swap3A_438 = arith.index_cast %scan3A_104 : i32 to index
        %swap3A_439 = arith.constant 304 : index
        %swap3A_440 = tpu.vector_load %arg14[%swap3A_438, %swap3A_439] {strides = array<i32>} : memref<16x1024xf32, #tpu.memory_space<vmem>>, vector<1x16xf32>,
        %swap3A_441 = vector.shape_cast %swap3A_440 : vector<1x16xf32> to vector<16xf32>
        %swap3A_442 = vector.shape_cast %mul3A_437 : vector<16xf32> to vector<1x16xf32>
        tpu.vector_store %arg14[%swap3A_438, %swap3A_439], %swap3A_442 {strides = array<i32>} : memref<16x1024xf32, #tpu.memory_space<vmem>>, vector<1x16xf32>,
        %get3A_443 = arith.index_cast %scan3A_104 : i32 to index
        %get3A_444 = arith.constant 320 : index
        %get3A_445 = tpu.vector_load %arg12[%get3A_443, %get3A_444] {strides = array<i32>} : memref<16x1024xf32, #tpu.memory_space<vmem>>, vector<1x16xf32>,
        %get3A_446 = vector.shape_cast %get3A_445 : vector<1x16xf32> to vector<16xf32>
        %get3A_447 = arith.index_cast %scan3A_104 : i32 to index
        %get3A_448 = arith.constant 320 : index
        %get3A_449 = tpu.vector_load %arg13[%get3A_447, %get3A_448] {strides = array<i32>} : memref<16x1024xf32, #tpu.memory_space<vmem>>, vector<1x16xf32>,
        %get3A_450 = vector.shape_cast %get3A_449 : vector<1x16xf32> to vector<16xf32>
        %add3A_451 = arith.addf %get3A_446, %get3A_450 : vector<16xf32>
        %mul3A_452 = arith.constant 3.200000e+01 : f32
        %mul3A_453 = vector.broadcast %mul3A_452 : f32 to vector<16xf32>
        %mul3A_454 = arith.mulf %add3A_451, %mul3A_453 : vector<16xf32>
        %swap3A_455 = arith.index_cast %scan3A_104 : i32 to index
        %swap3A_456 = arith.constant 320 : index
        %swap3A_457 = tpu.vector_load %arg14[%swap3A_455, %swap3A_456] {strides = array<i32>} : memref<16x1024xf32, #tpu.memory_space<vmem>>, vector<1x16xf32>,
        %swap3A_458 = vector.shape_cast %swap3A_457 : vector<1x16xf32> to vector<16xf32>
        %swap3A_459 = vector.shape_cast %mul3A_454 : vector<16xf32> to vector<1x16xf32>
        tpu.vector_store %arg14[%swap3A_455, %swap3A_456], %swap3A_459 {strides = array<i32>} : memref<16x1024xf32, #tpu.memory_space<vmem>>, vector<1x16xf32>,
        %get3A_460 = arith.index_cast %scan3A_104 : i32 to index
        %get3A_461 = arith.constant 336 : index
        %get3A_462 = tpu.vector_load %arg12[%get3A_460, %get3A_461] {strides = array<i32>} : memref<16x1024xf32, #tpu.memory_space<vmem>>, vector<1x16xf32>,
        %get3A_463 = vector.shape_cast %get3A_462 : vector<1x16xf32> to vector<16xf32>
        %get3A_464 = arith.index_cast %scan3A_104 : i32 to index
        %get3A_465 = arith.constant 336 : index
        %get3A_466 = tpu.vector_load %arg13[%get3A_464, %get3A_465] {strides = array<i32>} : memref<16x1024xf32, #tpu.memory_space<vmem>>, vector<1x16xf32>,
        %get3A_467 = vector.shape_cast %get3A_466 : vector<1x16xf32> to vector<16xf32>
        %add3A_468 = arith.addf %get3A_463, %get3A_467 : vector<16xf32>
        %mul3A_469 = arith.constant 3.200000e+01 : f32
        %mul3A_470 = vector.broadcast %mul3A_469 : f32 to vector<16xf32>
        %mul3A_471 = arith.mulf %add3A_468, %mul3A_470 : vector<16xf32>
        %swap3A_472 = arith.index_cast %scan3A_104 : i32 to index
        %swap3A_473 = arith.constant 336 : index
        %swap3A_474 = tpu.vector_load %arg14[%swap3A_472, %swap3A_473] {strides = array<i32>} : memref<16x1024xf32, #tpu.memory_space<vmem>>, vector<1x16xf32>,
        %swap3A_475 = vector.shape_cast %swap3A_474 : vector<1x16xf32> to vector<16xf32>
        %swap3A_476 = vector.shape_cast %mul3A_471 : vector<16xf32> to vector<1x16xf32>
        tpu.vector_store %arg14[%swap3A_472, %swap3A_473], %swap3A_476 {strides = array<i32>} : memref<16x1024xf32, #tpu.memory_space<vmem>>, vector<1x16xf32>,
        %get3A_477 = arith.index_cast %scan3A_104 : i32 to index
        %get3A_478 = arith.constant 352 : index
        %get3A_479 = tpu.vector_load %arg12[%get3A_477, %get3A_478] {strides = array<i32>} : memref<16x1024xf32, #tpu.memory_space<vmem>>, vector<1x16xf32>,
        %get3A_480 = vector.shape_cast %get3A_479 : vector<1x16xf32> to vector<16xf32>
        %get3A_481 = arith.index_cast %scan3A_104 : i32 to index
        %get3A_482 = arith.constant 352 : index
        %get3A_483 = tpu.vector_load %arg13[%get3A_481, %get3A_482] {strides = array<i32>} : memref<16x1024xf32, #tpu.memory_space<vmem>>, vector<1x16xf32>,
        %get3A_484 = vector.shape_cast %get3A_483 : vector<1x16xf32> to vector<16xf32>
        %add3A_485 = arith.addf %get3A_480, %get3A_484 : vector<16xf32>
        %mul3A_486 = arith.constant 3.200000e+01 : f32
        %mul3A_487 = vector.broadcast %mul3A_486 : f32 to vector<16xf32>
        %mul3A_488 = arith.mulf %add3A_485, %mul3A_487 : vector<16xf32>
        %swap3A_489 = arith.index_cast %scan3A_104 : i32 to index
        %swap3A_490 = arith.constant 352 : index
        %swap3A_491 = tpu.vector_load %arg14[%swap3A_489, %swap3A_490] {strides = array<i32>} : memref<16x1024xf32, #tpu.memory_space<vmem>>, vector<1x16xf32>,
        %swap3A_492 = vector.shape_cast %swap3A_491 : vector<1x16xf32> to vector<16xf32>
        %swap3A_493 = vector.shape_cast %mul3A_488 : vector<16xf32> to vector<1x16xf32>
        tpu.vector_store %arg14[%swap3A_489, %swap3A_490], %swap3A_493 {strides = array<i32>} : memref<16x1024xf32, #tpu.memory_space<vmem>>, vector<1x16xf32>,
        %get3A_494 = arith.index_cast %scan3A_104 : i32 to index
        %get3A_495 = arith.constant 368 : index
        %get3A_496 = tpu.vector_load %arg12[%get3A_494, %get3A_495] {strides = array<i32>} : memref<16x1024xf32, #tpu.memory_space<vmem>>, vector<1x16xf32>,
        %get3A_497 = vector.shape_cast %get3A_496 : vector<1x16xf32> to vector<16xf32>
        %get3A_498 = arith.index_cast %scan3A_104 : i32 to index
        %get3A_499 = arith.constant 368 : index
        %get3A_500 = tpu.vector_load %arg13[%get3A_498, %get3A_499] {strides = array<i32>} : memref<16x1024xf32, #tpu.memory_space<vmem>>, vector<1x16xf32>,
        %get3A_501 = vector.shape_cast %get3A_500 : vector<1x16xf32> to vector<16xf32>
        %add3A_502 = arith.addf %get3A_497, %get3A_501 : vector<16xf32>
        %mul3A_503 = arith.constant 3.200000e+01 : f32
        %mul3A_504 = vector.broadcast %mul3A_503 : f32 to vector<16xf32>
        %mul3A_505 = arith.mulf %add3A_502, %mul3A_504 : vector<16xf32>
        %swap3A_506 = arith.index_cast %scan3A_104 : i32 to index
        %swap3A_507 = arith.constant 368 : index
        %swap3A_508 = tpu.vector_load %arg14[%swap3A_506, %swap3A_507] {strides = array<i32>} : memref<16x1024xf32, #tpu.memory_space<vmem>>, vector<1x16xf32>,
        %swap3A_509 = vector.shape_cast %swap3A_508 : vector<1x16xf32> to vector<16xf32>
        %swap3A_510 = vector.shape_cast %mul3A_505 : vector<16xf32> to vector<1x16xf32>
        tpu.vector_store %arg14[%swap3A_506, %swap3A_507], %swap3A_510 {strides = array<i32>} : memref<16x1024xf32, #tpu.memory_space<vmem>>, vector<1x16xf32>,
        %get3A_511 = arith.index_cast %scan3A_104 : i32 to index
        %get3A_512 = arith.constant 384 : index
        %get3A_513 = tpu.vector_load %arg12[%get3A_511, %get3A_512] {strides = array<i32>} : memref<16x1024xf32, #tpu.memory_space<vmem>>, vector<1x16xf32>,
        %get3A_514 = vector.shape_cast %get3A_513 : vector<1x16xf32> to vector<16xf32>
        %get3A_515 = arith.index_cast %scan3A_104 : i32 to index
        %get3A_516 = arith.constant 384 : index
        %get3A_517 = tpu.vector_load %arg13[%get3A_515, %get3A_516] {strides = array<i32>} : memref<16x1024xf32, #tpu.memory_space<vmem>>, vector<1x16xf32>,
        %get3A_518 = vector.shape_cast %get3A_517 : vector<1x16xf32> to vector<16xf32>
        %add3A_519 = arith.addf %get3A_514, %get3A_518 : vector<16xf32>
        %mul3A_520 = arith.constant 3.200000e+01 : f32
        %mul3A_521 = vector.broadcast %mul3A_520 : f32 to vector<16xf32>
        %mul3A_522 = arith.mulf %add3A_519, %mul3A_521 : vector<16xf32>
        %swap3A_523 = arith.index_cast %scan3A_104 : i32 to index
        %swap3A_524 = arith.constant 384 : index
        %swap3A_525 = tpu.vector_load %arg14[%swap3A_523, %swap3A_524] {strides = array<i32>} : memref<16x1024xf32, #tpu.memory_space<vmem>>, vector<1x16xf32>,
        %swap3A_526 = vector.shape_cast %swap3A_525 : vector<1x16xf32> to vector<16xf32>
        %swap3A_527 = vector.shape_cast %mul3A_522 : vector<16xf32> to vector<1x16xf32>
        tpu.vector_store %arg14[%swap3A_523, %swap3A_524], %swap3A_527 {strides = array<i32>} : memref<16x1024xf32, #tpu.memory_space<vmem>>, vector<1x16xf32>,
        %get3A_528 = arith.index_cast %scan3A_104 : i32 to index
        %get3A_529 = arith.constant 400 : index
        %get3A_530 = tpu.vector_load %arg12[%get3A_528, %get3A_529] {strides = array<i32>} : memref<16x1024xf32, #tpu.memory_space<vmem>>, vector<1x16xf32>,
        %get3A_531 = vector.shape_cast %get3A_530 : vector<1x16xf32> to vector<16xf32>
        %get3A_532 = arith.index_cast %scan3A_104 : i32 to index
        %get3A_533 = arith.constant 400 : index
        %get3A_534 = tpu.vector_load %arg13[%get3A_532, %get3A_533] {strides = array<i32>} : memref<16x1024xf32, #tpu.memory_space<vmem>>, vector<1x16xf32>,
        %get3A_535 = vector.shape_cast %get3A_534 : vector<1x16xf32> to vector<16xf32>
        %add3A_536 = arith.addf %get3A_531, %get3A_535 : vector<16xf32>
        %mul3A_537 = arith.constant 3.200000e+01 : f32
        %mul3A_538 = vector.broadcast %mul3A_537 : f32 to vector<16xf32>
        %mul3A_539 = arith.mulf %add3A_536, %mul3A_538 : vector<16xf32>
        %swap3A_540 = arith.index_cast %scan3A_104 : i32 to index
        %swap3A_541 = arith.constant 400 : index
        %swap3A_542 = tpu.vector_load %arg14[%swap3A_540, %swap3A_541] {strides = array<i32>} : memref<16x1024xf32, #tpu.memory_space<vmem>>, vector<1x16xf32>,
        %swap3A_543 = vector.shape_cast %swap3A_542 : vector<1x16xf32> to vector<16xf32>
        %swap3A_544 = vector.shape_cast %mul3A_539 : vector<16xf32> to vector<1x16xf32>
        tpu.vector_store %arg14[%swap3A_540, %swap3A_541], %swap3A_544 {strides = array<i32>} : memref<16x1024xf32, #tpu.memory_space<vmem>>, vector<1x16xf32>,
        %get3A_545 = arith.index_cast %scan3A_104 : i32 to index
        %get3A_546 = arith.constant 416 : index
        %get3A_547 = tpu.vector_load %arg12[%get3A_545, %get3A_546] {strides = array<i32>} : memref<16x1024xf32, #tpu.memory_space<vmem>>, vector<1x16xf32>,
        %get3A_548 = vector.shape_cast %get3A_547 : vector<1x16xf32> to vector<16xf32>
        %get3A_549 = arith.index_cast %scan3A_104 : i32 to index
        %get3A_550 = arith.constant 416 : index
        %get3A_551 = tpu.vector_load %arg13[%get3A_549, %get3A_550] {strides = array<i32>} : memref<16x1024xf32, #tpu.memory_space<vmem>>, vector<1x16xf32>,
        %get3A_552 = vector.shape_cast %get3A_551 : vector<1x16xf32> to vector<16xf32>
        %add3A_553 = arith.addf %get3A_548, %get3A_552 : vector<16xf32>
        %mul3A_554 = arith.constant 3.200000e+01 : f32
        %mul3A_555 = vector.broadcast %mul3A_554 : f32 to vector<16xf32>
        %mul3A_556 = arith.mulf %add3A_553, %mul3A_555 : vector<16xf32>
        %swap3A_557 = arith.index_cast %scan3A_104 : i32 to index
        %swap3A_558 = arith.constant 416 : index
        %swap3A_559 = tpu.vector_load %arg14[%swap3A_557, %swap3A_558] {strides = array<i32>} : memref<16x1024xf32, #tpu.memory_space<vmem>>, vector<1x16xf32>,
        %swap3A_560 = vector.shape_cast %swap3A_559 : vector<1x16xf32> to vector<16xf32>
        %swap3A_561 = vector.shape_cast %mul3A_556 : vector<16xf32> to vector<1x16xf32>
        tpu.vector_store %arg14[%swap3A_557, %swap3A_558], %swap3A_561 {strides = array<i32>} : memref<16x1024xf32, #tpu.memory_space<vmem>>, vector<1x16xf32>,
        %get3A_562 = arith.index_cast %scan3A_104 : i32 to index
        %get3A_563 = arith.constant 432 : index
        %get3A_564 = tpu.vector_load %arg12[%get3A_562, %get3A_563] {strides = array<i32>} : memref<16x1024xf32, #tpu.memory_space<vmem>>, vector<1x16xf32>,
        %get3A_565 = vector.shape_cast %get3A_564 : vector<1x16xf32> to vector<16xf32>
        %get3A_566 = arith.index_cast %scan3A_104 : i32 to index
        %get3A_567 = arith.constant 432 : index
        %get3A_568 = tpu.vector_load %arg13[%get3A_566, %get3A_567] {strides = array<i32>} : memref<16x1024xf32, #tpu.memory_space<vmem>>, vector<1x16xf32>,
        %get3A_569 = vector.shape_cast %get3A_568 : vector<1x16xf32> to vector<16xf32>
        %add3A_570 = arith.addf %get3A_565, %get3A_569 : vector<16xf32>
        %mul3A_571 = arith.constant 3.200000e+01 : f32
        %mul3A_572 = vector.broadcast %mul3A_571 : f32 to vector<16xf32>
        %mul3A_573 = arith.mulf %add3A_570, %mul3A_572 : vector<16xf32>
        %swap3A_574 = arith.index_cast %scan3A_104 : i32 to index
        %swap3A_575 = arith.constant 432 : index
        %swap3A_576 = tpu.vector_load %arg14[%swap3A_574, %swap3A_575] {strides = array<i32>} : memref<16x1024xf32, #tpu.memory_space<vmem>>, vector<1x16xf32>,
        %swap3A_577 = vector.shape_cast %swap3A_576 : vector<1x16xf32> to vector<16xf32>
        %swap3A_578 = vector.shape_cast %mul3A_573 : vector<16xf32> to vector<1x16xf32>
        tpu.vector_store %arg14[%swap3A_574, %swap3A_575], %swap3A_578 {strides = array<i32>} : memref<16x1024xf32, #tpu.memory_space<vmem>>, vector<1x16xf32>,
        %get3A_579 = arith.index_cast %scan3A_104 : i32 to index
        %get3A_580 = arith.constant 448 : index
        %get3A_581 = tpu.vector_load %arg12[%get3A_579, %get3A_580] {strides = array<i32>} : memref<16x1024xf32, #tpu.memory_space<vmem>>, vector<1x16xf32>,
        %get3A_582 = vector.shape_cast %get3A_581 : vector<1x16xf32> to vector<16xf32>
        %get3A_583 = arith.index_cast %scan3A_104 : i32 to index
        %get3A_584 = arith.constant 448 : index
        %get3A_585 = tpu.vector_load %arg13[%get3A_583, %get3A_584] {strides = array<i32>} : memref<16x1024xf32, #tpu.memory_space<vmem>>, vector<1x16xf32>,
        %get3A_586 = vector.shape_cast %get3A_585 : vector<1x16xf32> to vector<16xf32>
        %add3A_587 = arith.addf %get3A_582, %get3A_586 : vector<16xf32>
        %mul3A_588 = arith.constant 3.200000e+01 : f32
        %mul3A_589 = vector.broadcast %mul3A_588 : f32 to vector<16xf32>
        %mul3A_590 = arith.mulf %add3A_587, %mul3A_589 : vector<16xf32>
        %swap3A_591 = arith.index_cast %scan3A_104 : i32 to index
        %swap3A_592 = arith.constant 448 : index
        %swap3A_593 = tpu.vector_load %arg14[%swap3A_591, %swap3A_592] {strides = array<i32>} : memref<16x1024xf32, #tpu.memory_space<vmem>>, vector<1x16xf32>,
        %swap3A_594 = vector.shape_cast %swap3A_593 : vector<1x16xf32> to vector<16xf32>
        %swap3A_595 = vector.shape_cast %mul3A_590 : vector<16xf32> to vector<1x16xf32>
        tpu.vector_store %arg14[%swap3A_591, %swap3A_592], %swap3A_595 {strides = array<i32>} : memref<16x1024xf32, #tpu.memory_space<vmem>>, vector<1x16xf32>,
        %get3A_596 = arith.index_cast %scan3A_104 : i32 to index
        %get3A_597 = arith.constant 464 : index
        %get3A_598 = tpu.vector_load %arg12[%get3A_596, %get3A_597] {strides = array<i32>} : memref<16x1024xf32, #tpu.memory_space<vmem>>, vector<1x16xf32>,
        %get3A_599 = vector.shape_cast %get3A_598 : vector<1x16xf32> to vector<16xf32>
        %get3A_600 = arith.index_cast %scan3A_104 : i32 to index
        %get3A_601 = arith.constant 464 : index
        %get3A_602 = tpu.vector_load %arg13[%get3A_600, %get3A_601] {strides = array<i32>} : memref<16x1024xf32, #tpu.memory_space<vmem>>, vector<1x16xf32>,
        %get3A_603 = vector.shape_cast %get3A_602 : vector<1x16xf32> to vector<16xf32>
        %add3A_604 = arith.addf %get3A_599, %get3A_603 : vector<16xf32>
        %mul3A_605 = arith.constant 3.200000e+01 : f32
        %mul3A_606 = vector.broadcast %mul3A_605 : f32 to vector<16xf32>
        %mul3A_607 = arith.mulf %add3A_604, %mul3A_606 : vector<16xf32>
        %swap3A_608 = arith.index_cast %scan3A_104 : i32 to index
        %swap3A_609 = arith.constant 464 : index
        %swap3A_610 = tpu.vector_load %arg14[%swap3A_608, %swap3A_609] {strides = array<i32>} : memref<16x1024xf32, #tpu.memory_space<vmem>>, vector<1x16xf32>,
        %swap3A_611 = vector.shape_cast %swap3A_610 : vector<1x16xf32> to vector<16xf32>
        %swap3A_612 = vector.shape_cast %mul3A_607 : vector<16xf32> to vector<1x16xf32>
        tpu.vector_store %arg14[%swap3A_608, %swap3A_609], %swap3A_612 {strides = array<i32>} : memref<16x1024xf32, #tpu.memory_space<vmem>>, vector<1x16xf32>,
        %get3A_613 = arith.index_cast %scan3A_104 : i32 to index
        %get3A_614 = arith.constant 480 : index
        %get3A_615 = tpu.vector_load %arg12[%get3A_613, %get3A_614] {strides = array<i32>} : memref<16x1024xf32, #tpu.memory_space<vmem>>, vector<1x16xf32>,
        %get3A_616 = vector.shape_cast %get3A_615 : vector<1x16xf32> to vector<16xf32>
        %get3A_617 = arith.index_cast %scan3A_104 : i32 to index
        %get3A_618 = arith.constant 480 : index
        %get3A_619 = tpu.vector_load %arg13[%get3A_617, %get3A_618] {strides = array<i32>} : memref<16x1024xf32, #tpu.memory_space<vmem>>, vector<1x16xf32>,
        %get3A_620 = vector.shape_cast %get3A_619 : vector<1x16xf32> to vector<16xf32>
        %add3A_621 = arith.addf %get3A_616, %get3A_620 : vector<16xf32>
        %mul3A_622 = arith.constant 3.200000e+01 : f32
        %mul3A_623 = vector.broadcast %mul3A_622 : f32 to vector<16xf32>
        %mul3A_624 = arith.mulf %add3A_621, %mul3A_623 : vector<16xf32>
        %swap3A_625 = arith.index_cast %scan3A_104 : i32 to index
        %swap3A_626 = arith.constant 480 : index
        %swap3A_627 = tpu.vector_load %arg14[%swap3A_625, %swap3A_626] {strides = array<i32>} : memref<16x1024xf32, #tpu.memory_space<vmem>>, vector<1x16xf32>,
        %swap3A_628 = vector.shape_cast %swap3A_627 : vector<1x16xf32> to vector<16xf32>
        %swap3A_629 = vector.shape_cast %mul3A_624 : vector<16xf32> to vector<1x16xf32>
        tpu.vector_store %arg14[%swap3A_625, %swap3A_626], %swap3A_629 {strides = array<i32>} : memref<16x1024xf32, #tpu.memory_space<vmem>>, vector<1x16xf32>,
        %get3A_630 = arith.index_cast %scan3A_104 : i32 to index
        %get3A_631 = arith.constant 496 : index
        %get3A_632 = tpu.vector_load %arg12[%get3A_630, %get3A_631] {strides = array<i32>} : memref<16x1024xf32, #tpu.memory_space<vmem>>, vector<1x16xf32>,
        %get3A_633 = vector.shape_cast %get3A_632 : vector<1x16xf32> to vector<16xf32>
        %get3A_634 = arith.index_cast %scan3A_104 : i32 to index
        %get3A_635 = arith.constant 496 : index
        %get3A_636 = tpu.vector_load %arg13[%get3A_634, %get3A_635] {strides = array<i32>} : memref<16x1024xf32, #tpu.memory_space<vmem>>, vector<1x16xf32>,
        %get3A_637 = vector.shape_cast %get3A_636 : vector<1x16xf32> to vector<16xf32>
        %add3A_638 = arith.addf %get3A_633, %get3A_637 : vector<16xf32>
        %mul3A_639 = arith.constant 3.200000e+01 : f32
        %mul3A_640 = vector.broadcast %mul3A_639 : f32 to vector<16xf32>
        %mul3A_641 = arith.mulf %add3A_638, %mul3A_640 : vector<16xf32>
        %swap3A_642 = arith.index_cast %scan3A_104 : i32 to index
        %swap3A_643 = arith.constant 496 : index
        %swap3A_644 = tpu.vector_load %arg14[%swap3A_642, %swap3A_643] {strides = array<i32>} : memref<16x1024xf32, #tpu.memory_space<vmem>>, vector<1x16xf32>,
        %swap3A_645 = vector.shape_cast %swap3A_644 : vector<1x16xf32> to vector<16xf32>
        %swap3A_646 = vector.shape_cast %mul3A_641 : vector<16xf32> to vector<1x16xf32>
        tpu.vector_store %arg14[%swap3A_642, %swap3A_643], %swap3A_646 {strides = array<i32>} : memref<16x1024xf32, #tpu.memory_space<vmem>>, vector<1x16xf32>,
        %get3A_647 = arith.index_cast %scan3A_104 : i32 to index
        %get3A_648 = arith.constant 512 : index
        %get3A_649 = tpu.vector_load %arg12[%get3A_647, %get3A_648] {strides = array<i32>} : memref<16x1024xf32, #tpu.memory_space<vmem>>, vector<1x16xf32>,
        %get3A_650 = vector.shape_cast %get3A_649 : vector<1x16xf32> to vector<16xf32>
        %get3A_651 = arith.index_cast %scan3A_104 : i32 to index
        %get3A_652 = arith.constant 512 : index
        %get3A_653 = tpu.vector_load %arg13[%get3A_651, %get3A_652] {strides = array<i32>} : memref<16x1024xf32, #tpu.memory_space<vmem>>, vector<1x16xf32>,
        %get3A_654 = vector.shape_cast %get3A_653 : vector<1x16xf32> to vector<16xf32>
        %add3A_655 = arith.addf %get3A_650, %get3A_654 : vector<16xf32>
        %mul3A_656 = arith.constant 3.200000e+01 : f32
        %mul3A_657 = vector.broadcast %mul3A_656 : f32 to vector<16xf32>
        %mul3A_658 = arith.mulf %add3A_655, %mul3A_657 : vector<16xf32>
        %swap3A_659 = arith.index_cast %scan3A_104 : i32 to index
        %swap3A_660 = arith.constant 512 : index
        %swap3A_661 = tpu.vector_load %arg14[%swap3A_659, %swap3A_660] {strides = array<i32>} : memref<16x1024xf32, #tpu.memory_space<vmem>>, vector<1x16xf32>,
        %swap3A_662 = vector.shape_cast %swap3A_661 : vector<1x16xf32> to vector<16xf32>
        %swap3A_663 = vector.shape_cast %mul3A_658 : vector<16xf32> to vector<1x16xf32>
        tpu.vector_store %arg14[%swap3A_659, %swap3A_660], %swap3A_663 {strides = array<i32>} : memref<16x1024xf32, #tpu.memory_space<vmem>>, vector<1x16xf32>,
        %get3A_664 = arith.index_cast %scan3A_104 : i32 to index
        %get3A_665 = arith.constant 528 : index
        %get3A_666 = tpu.vector_load %arg12[%get3A_664, %get3A_665] {strides = array<i32>} : memref<16x1024xf32, #tpu.memory_space<vmem>>, vector<1x16xf32>,
        %get3A_667 = vector.shape_cast %get3A_666 : vector<1x16xf32> to vector<16xf32>
        %get3A_668 = arith.index_cast %scan3A_104 : i32 to index
        %get3A_669 = arith.constant 528 : index
        %get3A_670 = tpu.vector_load %arg13[%get3A_668, %get3A_669] {strides = array<i32>} : memref<16x1024xf32, #tpu.memory_space<vmem>>, vector<1x16xf32>,
        %get3A_671 = vector.shape_cast %get3A_670 : vector<1x16xf32> to vector<16xf32>
        %add3A_672 = arith.addf %get3A_667, %get3A_671 : vector<16xf32>
        %mul3A_673 = arith.constant 3.200000e+01 : f32
        %mul3A_674 = vector.broadcast %mul3A_673 : f32 to vector<16xf32>
        %mul3A_675 = arith.mulf %add3A_672, %mul3A_674 : vector<16xf32>
        %swap3A_676 = arith.index_cast %scan3A_104 : i32 to index
        %swap3A_677 = arith.constant 528 : index
        %swap3A_678 = tpu.vector_load %arg14[%swap3A_676, %swap3A_677] {strides = array<i32>} : memref<16x1024xf32, #tpu.memory_space<vmem>>, vector<1x16xf32>,
        %swap3A_679 = vector.shape_cast %swap3A_678 : vector<1x16xf32> to vector<16xf32>
        %swap3A_680 = vector.shape_cast %mul3A_675 : vector<16xf32> to vector<1x16xf32>
        tpu.vector_store %arg14[%swap3A_676, %swap3A_677], %swap3A_680 {strides = array<i32>} : memref<16x1024xf32, #tpu.memory_space<vmem>>, vector<1x16xf32>,
        %get3A_681 = arith.index_cast %scan3A_104 : i32 to index
        %get3A_682 = arith.constant 544 : index
        %get3A_683 = tpu.vector_load %arg12[%get3A_681, %get3A_682] {strides = array<i32>} : memref<16x1024xf32, #tpu.memory_space<vmem>>, vector<1x16xf32>,
        %get3A_684 = vector.shape_cast %get3A_683 : vector<1x16xf32> to vector<16xf32>
        %get3A_685 = arith.index_cast %scan3A_104 : i32 to index
        %get3A_686 = arith.constant 544 : index
        %get3A_687 = tpu.vector_load %arg13[%get3A_685, %get3A_686] {strides = array<i32>} : memref<16x1024xf32, #tpu.memory_space<vmem>>, vector<1x16xf32>,
        %get3A_688 = vector.shape_cast %get3A_687 : vector<1x16xf32> to vector<16xf32>
        %add3A_689 = arith.addf %get3A_684, %get3A_688 : vector<16xf32>
        %mul3A_690 = arith.constant 3.200000e+01 : f32
        %mul3A_691 = vector.broadcast %mul3A_690 : f32 to vector<16xf32>
        %mul3A_692 = arith.mulf %add3A_689, %mul3A_691 : vector<16xf32>
        %swap3A_693 = arith.index_cast %scan3A_104 : i32 to index
        %swap3A_694 = arith.constant 544 : index
        %swap3A_695 = tpu.vector_load %arg14[%swap3A_693, %swap3A_694] {strides = array<i32>} : memref<16x1024xf32, #tpu.memory_space<vmem>>, vector<1x16xf32>,
        %swap3A_696 = vector.shape_cast %swap3A_695 : vector<1x16xf32> to vector<16xf32>
        %swap3A_697 = vector.shape_cast %mul3A_692 : vector<16xf32> to vector<1x16xf32>
        tpu.vector_store %arg14[%swap3A_693, %swap3A_694], %swap3A_697 {strides = array<i32>} : memref<16x1024xf32, #tpu.memory_space<vmem>>, vector<1x16xf32>,
        %get3A_698 = arith.index_cast %scan3A_104 : i32 to index
        %get3A_699 = arith.constant 560 : index
        %get3A_700 = tpu.vector_load %arg12[%get3A_698, %get3A_699] {strides = array<i32>} : memref<16x1024xf32, #tpu.memory_space<vmem>>, vector<1x16xf32>,
        %get3A_701 = vector.shape_cast %get3A_700 : vector<1x16xf32> to vector<16xf32>
        %get3A_702 = arith.index_cast %scan3A_104 : i32 to index
        %get3A_703 = arith.constant 560 : index
        %get3A_704 = tpu.vector_load %arg13[%get3A_702, %get3A_703] {strides = array<i32>} : memref<16x1024xf32, #tpu.memory_space<vmem>>, vector<1x16xf32>,
        %get3A_705 = vector.shape_cast %get3A_704 : vector<1x16xf32> to vector<16xf32>
        %add3A_706 = arith.addf %get3A_701, %get3A_705 : vector<16xf32>
        %mul3A_707 = arith.constant 3.200000e+01 : f32
        %mul3A_708 = vector.broadcast %mul3A_707 : f32 to vector<16xf32>
        %mul3A_709 = arith.mulf %add3A_706, %mul3A_708 : vector<16xf32>
        %swap3A_710 = arith.index_cast %scan3A_104 : i32 to index
        %swap3A_711 = arith.constant 560 : index
        %swap3A_712 = tpu.vector_load %arg14[%swap3A_710, %swap3A_711] {strides = array<i32>} : memref<16x1024xf32, #tpu.memory_space<vmem>>, vector<1x16xf32>,
        %swap3A_713 = vector.shape_cast %swap3A_712 : vector<1x16xf32> to vector<16xf32>
        %swap3A_714 = vector.shape_cast %mul3A_709 : vector<16xf32> to vector<1x16xf32>
        tpu.vector_store %arg14[%swap3A_710, %swap3A_711], %swap3A_714 {strides = array<i32>} : memref<16x1024xf32, #tpu.memory_space<vmem>>, vector<1x16xf32>,
        %get3A_715 = arith.index_cast %scan3A_104 : i32 to index
        %get3A_716 = arith.constant 576 : index
        %get3A_717 = tpu.vector_load %arg12[%get3A_715, %get3A_716] {strides = array<i32>} : memref<16x1024xf32, #tpu.memory_space<vmem>>, vector<1x16xf32>,
        %get3A_718 = vector.shape_cast %get3A_717 : vector<1x16xf32> to vector<16xf32>
        %get3A_719 = arith.index_cast %scan3A_104 : i32 to index
        %get3A_720 = arith.constant 576 : index
        %get3A_721 = tpu.vector_load %arg13[%get3A_719, %get3A_720] {strides = array<i32>} : memref<16x1024xf32, #tpu.memory_space<vmem>>, vector<1x16xf32>,
        %get3A_722 = vector.shape_cast %get3A_721 : vector<1x16xf32> to vector<16xf32>
        %add3A_723 = arith.addf %get3A_718, %get3A_722 : vector<16xf32>
        %mul3A_724 = arith.constant 3.200000e+01 : f32
        %mul3A_725 = vector.broadcast %mul3A_724 : f32 to vector<16xf32>
        %mul3A_726 = arith.mulf %add3A_723, %mul3A_725 : vector<16xf32>
        %swap3A_727 = arith.index_cast %scan3A_104 : i32 to index
        %swap3A_728 = arith.constant 576 : index
        %swap3A_729 = tpu.vector_load %arg14[%swap3A_727, %swap3A_728] {strides = array<i32>} : memref<16x1024xf32, #tpu.memory_space<vmem>>, vector<1x16xf32>,
        %swap3A_730 = vector.shape_cast %swap3A_729 : vector<1x16xf32> to vector<16xf32>
        %swap3A_731 = vector.shape_cast %mul3A_726 : vector<16xf32> to vector<1x16xf32>
        tpu.vector_store %arg14[%swap3A_727, %swap3A_728], %swap3A_731 {strides = array<i32>} : memref<16x1024xf32, #tpu.memory_space<vmem>>, vector<1x16xf32>,
        %get3A_732 = arith.index_cast %scan3A_104 : i32 to index
        %get3A_733 = arith.constant 592 : index
        %get3A_734 = tpu.vector_load %arg12[%get3A_732, %get3A_733] {strides = array<i32>} : memref<16x1024xf32, #tpu.memory_space<vmem>>, vector<1x16xf32>,
        %get3A_735 = vector.shape_cast %get3A_734 : vector<1x16xf32> to vector<16xf32>
        %get3A_736 = arith.index_cast %scan3A_104 : i32 to index
        %get3A_737 = arith.constant 592 : index
        %get3A_738 = tpu.vector_load %arg13[%get3A_736, %get3A_737] {strides = array<i32>} : memref<16x1024xf32, #tpu.memory_space<vmem>>, vector<1x16xf32>,
        %get3A_739 = vector.shape_cast %get3A_738 : vector<1x16xf32> to vector<16xf32>
        %add3A_740 = arith.addf %get3A_735, %get3A_739 : vector<16xf32>
        %mul3A_741 = arith.constant 3.200000e+01 : f32
        %mul3A_742 = vector.broadcast %mul3A_741 : f32 to vector<16xf32>
        %mul3A_743 = arith.mulf %add3A_740, %mul3A_742 : vector<16xf32>
        %swap3A_744 = arith.index_cast %scan3A_104 : i32 to index
        %swap3A_745 = arith.constant 592 : index
        %swap3A_746 = tpu.vector_load %arg14[%swap3A_744, %swap3A_745] {strides = array<i32>} : memref<16x1024xf32, #tpu.memory_space<vmem>>, vector<1x16xf32>,
        %swap3A_747 = vector.shape_cast %swap3A_746 : vector<1x16xf32> to vector<16xf32>
        %swap3A_748 = vector.shape_cast %mul3A_743 : vector<16xf32> to vector<1x16xf32>
        tpu.vector_store %arg14[%swap3A_744, %swap3A_745], %swap3A_748 {strides = array<i32>} : memref<16x1024xf32, #tpu.memory_space<vmem>>, vector<1x16xf32>,
        %get3A_749 = arith.index_cast %scan3A_104 : i32 to index
        %get3A_750 = arith.constant 608 : index
        %get3A_751 = tpu.vector_load %arg12[%get3A_749, %get3A_750] {strides = array<i32>} : memref<16x1024xf32, #tpu.memory_space<vmem>>, vector<1x16xf32>,
        %get3A_752 = vector.shape_cast %get3A_751 : vector<1x16xf32> to vector<16xf32>
        %get3A_753 = arith.index_cast %scan3A_104 : i32 to index
        %get3A_754 = arith.constant 608 : index
        %get3A_755 = tpu.vector_load %arg13[%get3A_753, %get3A_754] {strides = array<i32>} : memref<16x1024xf32, #tpu.memory_space<vmem>>, vector<1x16xf32>,
        %get3A_756 = vector.shape_cast %get3A_755 : vector<1x16xf32> to vector<16xf32>
        %add3A_757 = arith.addf %get3A_752, %get3A_756 : vector<16xf32>
        %mul3A_758 = arith.constant 3.200000e+01 : f32
        %mul3A_759 = vector.broadcast %mul3A_758 : f32 to vector<16xf32>
        %mul3A_760 = arith.mulf %add3A_757, %mul3A_759 : vector<16xf32>
        %swap3A_761 = arith.index_cast %scan3A_104 : i32 to index
        %swap3A_762 = arith.constant 608 : index
        %swap3A_763 = tpu.vector_load %arg14[%swap3A_761, %swap3A_762] {strides = array<i32>} : memref<16x1024xf32, #tpu.memory_space<vmem>>, vector<1x16xf32>,
        %swap3A_764 = vector.shape_cast %swap3A_763 : vector<1x16xf32> to vector<16xf32>
        %swap3A_765 = vector.shape_cast %mul3A_760 : vector<16xf32> to vector<1x16xf32>
        tpu.vector_store %arg14[%swap3A_761, %swap3A_762], %swap3A_765 {strides = array<i32>} : memref<16x1024xf32, #tpu.memory_space<vmem>>, vector<1x16xf32>,
        %get3A_766 = arith.index_cast %scan3A_104 : i32 to index
        %get3A_767 = arith.constant 624 : index
        %get3A_768 = tpu.vector_load %arg12[%get3A_766, %get3A_767] {strides = array<i32>} : memref<16x1024xf32, #tpu.memory_space<vmem>>, vector<1x16xf32>,
        %get3A_769 = vector.shape_cast %get3A_768 : vector<1x16xf32> to vector<16xf32>
        %get3A_770 = arith.index_cast %scan3A_104 : i32 to index
        %get3A_771 = arith.constant 624 : index
        %get3A_772 = tpu.vector_load %arg13[%get3A_770, %get3A_771] {strides = array<i32>} : memref<16x1024xf32, #tpu.memory_space<vmem>>, vector<1x16xf32>,
        %get3A_773 = vector.shape_cast %get3A_772 : vector<1x16xf32> to vector<16xf32>
        %add3A_774 = arith.addf %get3A_769, %get3A_773 : vector<16xf32>
        %mul3A_775 = arith.constant 3.200000e+01 : f32
        %mul3A_776 = vector.broadcast %mul3A_775 : f32 to vector<16xf32>
        %mul3A_777 = arith.mulf %add3A_774, %mul3A_776 : vector<16xf32>
        %swap3A_778 = arith.index_cast %scan3A_104 : i32 to index
        %swap3A_779 = arith.constant 624 : index
        %swap3A_780 = tpu.vector_load %arg14[%swap3A_778, %swap3A_779] {strides = array<i32>} : memref<16x1024xf32, #tpu.memory_space<vmem>>, vector<1x16xf32>,
        %swap3A_781 = vector.shape_cast %swap3A_780 : vector<1x16xf32> to vector<16xf32>
        %swap3A_782 = vector.shape_cast %mul3A_777 : vector<16xf32> to vector<1x16xf32>
        tpu.vector_store %arg14[%swap3A_778, %swap3A_779], %swap3A_782 {strides = array<i32>} : memref<16x1024xf32, #tpu.memory_space<vmem>>, vector<1x16xf32>,
        %get3A_783 = arith.index_cast %scan3A_104 : i32 to index
        %get3A_784 = arith.constant 640 : index
        %get3A_785 = tpu.vector_load %arg12[%get3A_783, %get3A_784] {strides = array<i32>} : memref<16x1024xf32, #tpu.memory_space<vmem>>, vector<1x16xf32>,
        %get3A_786 = vector.shape_cast %get3A_785 : vector<1x16xf32> to vector<16xf32>
        %get3A_787 = arith.index_cast %scan3A_104 : i32 to index
        %get3A_788 = arith.constant 640 : index
        %get3A_789 = tpu.vector_load %arg13[%get3A_787, %get3A_788] {strides = array<i32>} : memref<16x1024xf32, #tpu.memory_space<vmem>>, vector<1x16xf32>,
        %get3A_790 = vector.shape_cast %get3A_789 : vector<1x16xf32> to vector<16xf32>
        %add3A_791 = arith.addf %get3A_786, %get3A_790 : vector<16xf32>
        %mul3A_792 = arith.constant 3.200000e+01 : f32
        %mul3A_793 = vector.broadcast %mul3A_792 : f32 to vector<16xf32>
        %mul3A_794 = arith.mulf %add3A_791, %mul3A_793 : vector<16xf32>
        %swap3A_795 = arith.index_cast %scan3A_104 : i32 to index
        %swap3A_796 = arith.constant 640 : index
        %swap3A_797 = tpu.vector_load %arg14[%swap3A_795, %swap3A_796] {strides = array<i32>} : memref<16x1024xf32, #tpu.memory_space<vmem>>, vector<1x16xf32>,
        %swap3A_798 = vector.shape_cast %swap3A_797 : vector<1x16xf32> to vector<16xf32>
        %swap3A_799 = vector.shape_cast %mul3A_794 : vector<16xf32> to vector<1x16xf32>
        tpu.vector_store %arg14[%swap3A_795, %swap3A_796], %swap3A_799 {strides = array<i32>} : memref<16x1024xf32, #tpu.memory_space<vmem>>, vector<1x16xf32>,
        %get3A_800 = arith.index_cast %scan3A_104 : i32 to index
        %get3A_801 = arith.constant 656 : index
        %get3A_802 = tpu.vector_load %arg12[%get3A_800, %get3A_801] {strides = array<i32>} : memref<16x1024xf32, #tpu.memory_space<vmem>>, vector<1x16xf32>,
        %get3A_803 = vector.shape_cast %get3A_802 : vector<1x16xf32> to vector<16xf32>
        %get3A_804 = arith.index_cast %scan3A_104 : i32 to index
        %get3A_805 = arith.constant 656 : index
        %get3A_806 = tpu.vector_load %arg13[%get3A_804, %get3A_805] {strides = array<i32>} : memref<16x1024xf32, #tpu.memory_space<vmem>>, vector<1x16xf32>,
        %get3A_807 = vector.shape_cast %get3A_806 : vector<1x16xf32> to vector<16xf32>
        %add3A_808 = arith.addf %get3A_803, %get3A_807 : vector<16xf32>
        %mul3A_809 = arith.constant 3.200000e+01 : f32
        %mul3A_810 = vector.broadcast %mul3A_809 : f32 to vector<16xf32>
        %mul3A_811 = arith.mulf %add3A_808, %mul3A_810 : vector<16xf32>
        %swap3A_812 = arith.index_cast %scan3A_104 : i32 to index
        %swap3A_813 = arith.constant 656 : index
        %swap3A_814 = tpu.vector_load %arg14[%swap3A_812, %swap3A_813] {strides = array<i32>} : memref<16x1024xf32, #tpu.memory_space<vmem>>, vector<1x16xf32>,
        %swap3A_815 = vector.shape_cast %swap3A_814 : vector<1x16xf32> to vector<16xf32>
        %swap3A_816 = vector.shape_cast %mul3A_811 : vector<16xf32> to vector<1x16xf32>
        tpu.vector_store %arg14[%swap3A_812, %swap3A_813], %swap3A_816 {strides = array<i32>} : memref<16x1024xf32, #tpu.memory_space<vmem>>, vector<1x16xf32>,
        %get3A_817 = arith.index_cast %scan3A_104 : i32 to index
        %get3A_818 = arith.constant 672 : index
        %get3A_819 = tpu.vector_load %arg12[%get3A_817, %get3A_818] {strides = array<i32>} : memref<16x1024xf32, #tpu.memory_space<vmem>>, vector<1x16xf32>,
        %get3A_820 = vector.shape_cast %get3A_819 : vector<1x16xf32> to vector<16xf32>
        %get3A_821 = arith.index_cast %scan3A_104 : i32 to index
        %get3A_822 = arith.constant 672 : index
        %get3A_823 = tpu.vector_load %arg13[%get3A_821, %get3A_822] {strides = array<i32>} : memref<16x1024xf32, #tpu.memory_space<vmem>>, vector<1x16xf32>,
        %get3A_824 = vector.shape_cast %get3A_823 : vector<1x16xf32> to vector<16xf32>
        %add3A_825 = arith.addf %get3A_820, %get3A_824 : vector<16xf32>
        %mul3A_826 = arith.constant 3.200000e+01 : f32
        %mul3A_827 = vector.broadcast %mul3A_826 : f32 to vector<16xf32>
        %mul3A_828 = arith.mulf %add3A_825, %mul3A_827 : vector<16xf32>
        %swap3A_829 = arith.index_cast %scan3A_104 : i32 to index
        %swap3A_830 = arith.constant 672 : index
        %swap3A_831 = tpu.vector_load %arg14[%swap3A_829, %swap3A_830] {strides = array<i32>} : memref<16x1024xf32, #tpu.memory_space<vmem>>, vector<1x16xf32>,
        %swap3A_832 = vector.shape_cast %swap3A_831 : vector<1x16xf32> to vector<16xf32>
        %swap3A_833 = vector.shape_cast %mul3A_828 : vector<16xf32> to vector<1x16xf32>
        tpu.vector_store %arg14[%swap3A_829, %swap3A_830], %swap3A_833 {strides = array<i32>} : memref<16x1024xf32, #tpu.memory_space<vmem>>, vector<1x16xf32>,
        %get3A_834 = arith.index_cast %scan3A_104 : i32 to index
        %get3A_835 = arith.constant 688 : index
        %get3A_836 = tpu.vector_load %arg12[%get3A_834, %get3A_835] {strides = array<i32>} : memref<16x1024xf32, #tpu.memory_space<vmem>>, vector<1x16xf32>,
        %get3A_837 = vector.shape_cast %get3A_836 : vector<1x16xf32> to vector<16xf32>
        %get3A_838 = arith.index_cast %scan3A_104 : i32 to index
        %get3A_839 = arith.constant 688 : index
        %get3A_840 = tpu.vector_load %arg13[%get3A_838, %get3A_839] {strides = array<i32>} : memref<16x1024xf32, #tpu.memory_space<vmem>>, vector<1x16xf32>,
        %get3A_841 = vector.shape_cast %get3A_840 : vector<1x16xf32> to vector<16xf32>
        %add3A_842 = arith.addf %get3A_837, %get3A_841 : vector<16xf32>
        %mul3A_843 = arith.constant 3.200000e+01 : f32
        %mul3A_844 = vector.broadcast %mul3A_843 : f32 to vector<16xf32>
        %mul3A_845 = arith.mulf %add3A_842, %mul3A_844 : vector<16xf32>
        %swap3A_846 = arith.index_cast %scan3A_104 : i32 to index
        %swap3A_847 = arith.constant 688 : index
        %swap3A_848 = tpu.vector_load %arg14[%swap3A_846, %swap3A_847] {strides = array<i32>} : memref<16x1024xf32, #tpu.memory_space<vmem>>, vector<1x16xf32>,
        %swap3A_849 = vector.shape_cast %swap3A_848 : vector<1x16xf32> to vector<16xf32>
        %swap3A_850 = vector.shape_cast %mul3A_845 : vector<16xf32> to vector<1x16xf32>
        tpu.vector_store %arg14[%swap3A_846, %swap3A_847], %swap3A_850 {strides = array<i32>} : memref<16x1024xf32, #tpu.memory_space<vmem>>, vector<1x16xf32>,
        %get3A_851 = arith.index_cast %scan3A_104 : i32 to index
        %get3A_852 = arith.constant 704 : index
        %get3A_853 = tpu.vector_load %arg12[%get3A_851, %get3A_852] {strides = array<i32>} : memref<16x1024xf32, #tpu.memory_space<vmem>>, vector<1x16xf32>,
        %get3A_854 = vector.shape_cast %get3A_853 : vector<1x16xf32> to vector<16xf32>
        %get3A_855 = arith.index_cast %scan3A_104 : i32 to index
        %get3A_856 = arith.constant 704 : index
        %get3A_857 = tpu.vector_load %arg13[%get3A_855, %get3A_856] {strides = array<i32>} : memref<16x1024xf32, #tpu.memory_space<vmem>>, vector<1x16xf32>,
        %get3A_858 = vector.shape_cast %get3A_857 : vector<1x16xf32> to vector<16xf32>
        %add3A_859 = arith.addf %get3A_854, %get3A_858 : vector<16xf32>
        %mul3A_860 = arith.constant 3.200000e+01 : f32
        %mul3A_861 = vector.broadcast %mul3A_860 : f32 to vector<16xf32>
        %mul3A_862 = arith.mulf %add3A_859, %mul3A_861 : vector<16xf32>
        %swap3A_863 = arith.index_cast %scan3A_104 : i32 to index
        %swap3A_864 = arith.constant 704 : index
        %swap3A_865 = tpu.vector_load %arg14[%swap3A_863, %swap3A_864] {strides = array<i32>} : memref<16x1024xf32, #tpu.memory_space<vmem>>, vector<1x16xf32>,
        %swap3A_866 = vector.shape_cast %swap3A_865 : vector<1x16xf32> to vector<16xf32>
        %swap3A_867 = vector.shape_cast %mul3A_862 : vector<16xf32> to vector<1x16xf32>
        tpu.vector_store %arg14[%swap3A_863, %swap3A_864], %swap3A_867 {strides = array<i32>} : memref<16x1024xf32, #tpu.memory_space<vmem>>, vector<1x16xf32>,
        %get3A_868 = arith.index_cast %scan3A_104 : i32 to index
        %get3A_869 = arith.constant 720 : index
        %get3A_870 = tpu.vector_load %arg12[%get3A_868, %get3A_869] {strides = array<i32>} : memref<16x1024xf32, #tpu.memory_space<vmem>>, vector<1x16xf32>,
        %get3A_871 = vector.shape_cast %get3A_870 : vector<1x16xf32> to vector<16xf32>
        %get3A_872 = arith.index_cast %scan3A_104 : i32 to index
        %get3A_873 = arith.constant 720 : index
        %get3A_874 = tpu.vector_load %arg13[%get3A_872, %get3A_873] {strides = array<i32>} : memref<16x1024xf32, #tpu.memory_space<vmem>>, vector<1x16xf32>,
        %get3A_875 = vector.shape_cast %get3A_874 : vector<1x16xf32> to vector<16xf32>
        %add3A_876 = arith.addf %get3A_871, %get3A_875 : vector<16xf32>
        %mul3A_877 = arith.constant 3.200000e+01 : f32
        %mul3A_878 = vector.broadcast %mul3A_877 : f32 to vector<16xf32>
        %mul3A_879 = arith.mulf %add3A_876, %mul3A_878 : vector<16xf32>
        %swap3A_880 = arith.index_cast %scan3A_104 : i32 to index
        %swap3A_881 = arith.constant 720 : index
        %swap3A_882 = tpu.vector_load %arg14[%swap3A_880, %swap3A_881] {strides = array<i32>} : memref<16x1024xf32, #tpu.memory_space<vmem>>, vector<1x16xf32>,
        %swap3A_883 = vector.shape_cast %swap3A_882 : vector<1x16xf32> to vector<16xf32>
        %swap3A_884 = vector.shape_cast %mul3A_879 : vector<16xf32> to vector<1x16xf32>
        tpu.vector_store %arg14[%swap3A_880, %swap3A_881], %swap3A_884 {strides = array<i32>} : memref<16x1024xf32, #tpu.memory_space<vmem>>, vector<1x16xf32>,
        %get3A_885 = arith.index_cast %scan3A_104 : i32 to index
        %get3A_886 = arith.constant 736 : index
        %get3A_887 = tpu.vector_load %arg12[%get3A_885, %get3A_886] {strides = array<i32>} : memref<16x1024xf32, #tpu.memory_space<vmem>>, vector<1x16xf32>,
        %get3A_888 = vector.shape_cast %get3A_887 : vector<1x16xf32> to vector<16xf32>
        %get3A_889 = arith.index_cast %scan3A_104 : i32 to index
        %get3A_890 = arith.constant 736 : index
        %get3A_891 = tpu.vector_load %arg13[%get3A_889, %get3A_890] {strides = array<i32>} : memref<16x1024xf32, #tpu.memory_space<vmem>>, vector<1x16xf32>,
        %get3A_892 = vector.shape_cast %get3A_891 : vector<1x16xf32> to vector<16xf32>
        %add3A_893 = arith.addf %get3A_888, %get3A_892 : vector<16xf32>
        %mul3A_894 = arith.constant 3.200000e+01 : f32
        %mul3A_895 = vector.broadcast %mul3A_894 : f32 to vector<16xf32>
        %mul3A_896 = arith.mulf %add3A_893, %mul3A_895 : vector<16xf32>
        %swap3A_897 = arith.index_cast %scan3A_104 : i32 to index
        %swap3A_898 = arith.constant 736 : index
        %swap3A_899 = tpu.vector_load %arg14[%swap3A_897, %swap3A_898] {strides = array<i32>} : memref<16x1024xf32, #tpu.memory_space<vmem>>, vector<1x16xf32>,
        %swap3A_900 = vector.shape_cast %swap3A_899 : vector<1x16xf32> to vector<16xf32>
        %swap3A_901 = vector.shape_cast %mul3A_896 : vector<16xf32> to vector<1x16xf32>
        tpu.vector_store %arg14[%swap3A_897, %swap3A_898], %swap3A_901 {strides = array<i32>} : memref<16x1024xf32, #tpu.memory_space<vmem>>, vector<1x16xf32>,
        %get3A_902 = arith.index_cast %scan3A_104 : i32 to index
        %get3A_903 = arith.constant 752 : index
        %get3A_904 = tpu.vector_load %arg12[%get3A_902, %get3A_903] {strides = array<i32>} : memref<16x1024xf32, #tpu.memory_space<vmem>>, vector<1x16xf32>,
        %get3A_905 = vector.shape_cast %get3A_904 : vector<1x16xf32> to vector<16xf32>
        %get3A_906 = arith.index_cast %scan3A_104 : i32 to index
        %get3A_907 = arith.constant 752 : index
        %get3A_908 = tpu.vector_load %arg13[%get3A_906, %get3A_907] {strides = array<i32>} : memref<16x1024xf32, #tpu.memory_space<vmem>>, vector<1x16xf32>,
        %get3A_909 = vector.shape_cast %get3A_908 : vector<1x16xf32> to vector<16xf32>
        %add3A_910 = arith.addf %get3A_905, %get3A_909 : vector<16xf32>
        %mul3A_911 = arith.constant 3.200000e+01 : f32
        %mul3A_912 = vector.broadcast %mul3A_911 : f32 to vector<16xf32>
        %mul3A_913 = arith.mulf %add3A_910, %mul3A_912 : vector<16xf32>
        %swap3A_914 = arith.index_cast %scan3A_104 : i32 to index
        %swap3A_915 = arith.constant 752 : index
        %swap3A_916 = tpu.vector_load %arg14[%swap3A_914, %swap3A_915] {strides = array<i32>} : memref<16x1024xf32, #tpu.memory_space<vmem>>, vector<1x16xf32>,
        %swap3A_917 = vector.shape_cast %swap3A_916 : vector<1x16xf32> to vector<16xf32>
        %swap3A_918 = vector.shape_cast %mul3A_913 : vector<16xf32> to vector<1x16xf32>
        tpu.vector_store %arg14[%swap3A_914, %swap3A_915], %swap3A_918 {strides = array<i32>} : memref<16x1024xf32, #tpu.memory_space<vmem>>, vector<1x16xf32>,
        %get3A_919 = arith.index_cast %scan3A_104 : i32 to index
        %get3A_920 = arith.constant 768 : index
        %get3A_921 = tpu.vector_load %arg12[%get3A_919, %get3A_920] {strides = array<i32>} : memref<16x1024xf32, #tpu.memory_space<vmem>>, vector<1x16xf32>,
        %get3A_922 = vector.shape_cast %get3A_921 : vector<1x16xf32> to vector<16xf32>
        %get3A_923 = arith.index_cast %scan3A_104 : i32 to index
        %get3A_924 = arith.constant 768 : index
        %get3A_925 = tpu.vector_load %arg13[%get3A_923, %get3A_924] {strides = array<i32>} : memref<16x1024xf32, #tpu.memory_space<vmem>>, vector<1x16xf32>,
        %get3A_926 = vector.shape_cast %get3A_925 : vector<1x16xf32> to vector<16xf32>
        %add3A_927 = arith.addf %get3A_922, %get3A_926 : vector<16xf32>
        %mul3A_928 = arith.constant 3.200000e+01 : f32
        %mul3A_929 = vector.broadcast %mul3A_928 : f32 to vector<16xf32>
        %mul3A_930 = arith.mulf %add3A_927, %mul3A_929 : vector<16xf32>
        %swap3A_931 = arith.index_cast %scan3A_104 : i32 to index
        %swap3A_932 = arith.constant 768 : index
        %swap3A_933 = tpu.vector_load %arg14[%swap3A_931, %swap3A_932] {strides = array<i32>} : memref<16x1024xf32, #tpu.memory_space<vmem>>, vector<1x16xf32>,
        %swap3A_934 = vector.shape_cast %swap3A_933 : vector<1x16xf32> to vector<16xf32>
        %swap3A_935 = vector.shape_cast %mul3A_930 : vector<16xf32> to vector<1x16xf32>
        tpu.vector_store %arg14[%swap3A_931, %swap3A_932], %swap3A_935 {strides = array<i32>} : memref<16x1024xf32, #tpu.memory_space<vmem>>, vector<1x16xf32>,
        %get3A_936 = arith.index_cast %scan3A_104 : i32 to index
        %get3A_937 = arith.constant 784 : index
        %get3A_938 = tpu.vector_load %arg12[%get3A_936, %get3A_937] {strides = array<i32>} : memref<16x1024xf32, #tpu.memory_space<vmem>>, vector<1x16xf32>,
        %get3A_939 = vector.shape_cast %get3A_938 : vector<1x16xf32> to vector<16xf32>
        %get3A_940 = arith.index_cast %scan3A_104 : i32 to index
        %get3A_941 = arith.constant 784 : index
        %get3A_942 = tpu.vector_load %arg13[%get3A_940, %get3A_941] {strides = array<i32>} : memref<16x1024xf32, #tpu.memory_space<vmem>>, vector<1x16xf32>,
        %get3A_943 = vector.shape_cast %get3A_942 : vector<1x16xf32> to vector<16xf32>
        %add3A_944 = arith.addf %get3A_939, %get3A_943 : vector<16xf32>
        %mul3A_945 = arith.constant 3.200000e+01 : f32
        %mul3A_946 = vector.broadcast %mul3A_945 : f32 to vector<16xf32>
        %mul3A_947 = arith.mulf %add3A_944, %mul3A_946 : vector<16xf32>
        %swap3A_948 = arith.index_cast %scan3A_104 : i32 to index
        %swap3A_949 = arith.constant 784 : index
        %swap3A_950 = tpu.vector_load %arg14[%swap3A_948, %swap3A_949] {strides = array<i32>} : memref<16x1024xf32, #tpu.memory_space<vmem>>, vector<1x16xf32>,
        %swap3A_951 = vector.shape_cast %swap3A_950 : vector<1x16xf32> to vector<16xf32>
        %swap3A_952 = vector.shape_cast %mul3A_947 : vector<16xf32> to vector<1x16xf32>
        tpu.vector_store %arg14[%swap3A_948, %swap3A_949], %swap3A_952 {strides = array<i32>} : memref<16x1024xf32, #tpu.memory_space<vmem>>, vector<1x16xf32>,
        %get3A_953 = arith.index_cast %scan3A_104 : i32 to index
        %get3A_954 = arith.constant 800 : index
        %get3A_955 = tpu.vector_load %arg12[%get3A_953, %get3A_954] {strides = array<i32>} : memref<16x1024xf32, #tpu.memory_space<vmem>>, vector<1x16xf32>,
        %get3A_956 = vector.shape_cast %get3A_955 : vector<1x16xf32> to vector<16xf32>
        %get3A_957 = arith.index_cast %scan3A_104 : i32 to index
        %get3A_958 = arith.constant 800 : index
        %get3A_959 = tpu.vector_load %arg13[%get3A_957, %get3A_958] {strides = array<i32>} : memref<16x1024xf32, #tpu.memory_space<vmem>>, vector<1x16xf32>,
        %get3A_960 = vector.shape_cast %get3A_959 : vector<1x16xf32> to vector<16xf32>
        %add3A_961 = arith.addf %get3A_956, %get3A_960 : vector<16xf32>
        %mul3A_962 = arith.constant 3.200000e+01 : f32
        %mul3A_963 = vector.broadcast %mul3A_962 : f32 to vector<16xf32>
        %mul3A_964 = arith.mulf %add3A_961, %mul3A_963 : vector<16xf32>
        %swap3A_965 = arith.index_cast %scan3A_104 : i32 to index
        %swap3A_966 = arith.constant 800 : index
        %swap3A_967 = tpu.vector_load %arg14[%swap3A_965, %swap3A_966] {strides = array<i32>} : memref<16x1024xf32, #tpu.memory_space<vmem>>, vector<1x16xf32>,
        %swap3A_968 = vector.shape_cast %swap3A_967 : vector<1x16xf32> to vector<16xf32>
        %swap3A_969 = vector.shape_cast %mul3A_964 : vector<16xf32> to vector<1x16xf32>
        tpu.vector_store %arg14[%swap3A_965, %swap3A_966], %swap3A_969 {strides = array<i32>} : memref<16x1024xf32, #tpu.memory_space<vmem>>, vector<1x16xf32>,
        %get3A_970 = arith.index_cast %scan3A_104 : i32 to index
        %get3A_971 = arith.constant 816 : index
        %get3A_972 = tpu.vector_load %arg12[%get3A_970, %get3A_971] {strides = array<i32>} : memref<16x1024xf32, #tpu.memory_space<vmem>>, vector<1x16xf32>,
        %get3A_973 = vector.shape_cast %get3A_972 : vector<1x16xf32> to vector<16xf32>
        %get3A_974 = arith.index_cast %scan3A_104 : i32 to index
        %get3A_975 = arith.constant 816 : index
        %get3A_976 = tpu.vector_load %arg13[%get3A_974, %get3A_975] {strides = array<i32>} : memref<16x1024xf32, #tpu.memory_space<vmem>>, vector<1x16xf32>,
        %get3A_977 = vector.shape_cast %get3A_976 : vector<1x16xf32> to vector<16xf32>
        %add3A_978 = arith.addf %get3A_973, %get3A_977 : vector<16xf32>
        %mul3A_979 = arith.constant 3.200000e+01 : f32
        %mul3A_980 = vector.broadcast %mul3A_979 : f32 to vector<16xf32>
        %mul3A_981 = arith.mulf %add3A_978, %mul3A_980 : vector<16xf32>
        %swap3A_982 = arith.index_cast %scan3A_104 : i32 to index
        %swap3A_983 = arith.constant 816 : index
        %swap3A_984 = tpu.vector_load %arg14[%swap3A_982, %swap3A_983] {strides = array<i32>} : memref<16x1024xf32, #tpu.memory_space<vmem>>, vector<1x16xf32>,
        %swap3A_985 = vector.shape_cast %swap3A_984 : vector<1x16xf32> to vector<16xf32>
        %swap3A_986 = vector.shape_cast %mul3A_981 : vector<16xf32> to vector<1x16xf32>
        tpu.vector_store %arg14[%swap3A_982, %swap3A_983], %swap3A_986 {strides = array<i32>} : memref<16x1024xf32, #tpu.memory_space<vmem>>, vector<1x16xf32>,
        %get3A_987 = arith.index_cast %scan3A_104 : i32 to index
        %get3A_988 = arith.constant 832 : index
        %get3A_989 = tpu.vector_load %arg12[%get3A_987, %get3A_988] {strides = array<i32>} : memref<16x1024xf32, #tpu.memory_space<vmem>>, vector<1x16xf32>,
        %get3A_990 = vector.shape_cast %get3A_989 : vector<1x16xf32> to vector<16xf32>
        %get3A_991 = arith.index_cast %scan3A_104 : i32 to index
        %get3A_992 = arith.constant 832 : index
        %get3A_993 = tpu.vector_load %arg13[%get3A_991, %get3A_992] {strides = array<i32>} : memref<16x1024xf32, #tpu.memory_space<vmem>>, vector<1x16xf32>,
        %get3A_994 = vector.shape_cast %get3A_993 : vector<1x16xf32> to vector<16xf32>
        %add3A_995 = arith.addf %get3A_990, %get3A_994 : vector<16xf32>
        %mul3A_996 = arith.constant 3.200000e+01 : f32
        %mul3A_997 = vector.broadcast %mul3A_996 : f32 to vector<16xf32>
        %mul3A_998 = arith.mulf %add3A_995, %mul3A_997 : vector<16xf32>
        %swap3A_999 = arith.index_cast %scan3A_104 : i32 to index
        %swap3A_1000 = arith.constant 832 : index
        %swap3A_1001 = tpu.vector_load %arg14[%swap3A_999, %swap3A_1000] {strides = array<i32>} : memref<16x1024xf32, #tpu.memory_space<vmem>>, vector<1x16xf32>,
        %swap3A_1002 = vector.shape_cast %swap3A_1001 : vector<1x16xf32> to vector<16xf32>
        %swap3A_1003 = vector.shape_cast %mul3A_998 : vector<16xf32> to vector<1x16xf32>
        tpu.vector_store %arg14[%swap3A_999, %swap3A_1000], %swap3A_1003 {strides = array<i32>} : memref<16x1024xf32, #tpu.memory_space<vmem>>, vector<1x16xf32>,
        %get3A_1004 = arith.index_cast %scan3A_104 : i32 to index
        %get3A_1005 = arith.constant 848 : index
        %get3A_1006 = tpu.vector_load %arg12[%get3A_1004, %get3A_1005] {strides = array<i32>} : memref<16x1024xf32, #tpu.memory_space<vmem>>, vector<1x16xf32>,
        %get3A_1007 = vector.shape_cast %get3A_1006 : vector<1x16xf32> to vector<16xf32>
        %get3A_1008 = arith.index_cast %scan3A_104 : i32 to index
        %get3A_1009 = arith.constant 848 : index
        %get3A_1010 = tpu.vector_load %arg13[%get3A_1008, %get3A_1009] {strides = array<i32>} : memref<16x1024xf32, #tpu.memory_space<vmem>>, vector<1x16xf32>,
        %get3A_1011 = vector.shape_cast %get3A_1010 : vector<1x16xf32> to vector<16xf32>
        %add3A_1012 = arith.addf %get3A_1007, %get3A_1011 : vector<16xf32>
        %mul3A_1013 = arith.constant 3.200000e+01 : f32
        %mul3A_1014 = vector.broadcast %mul3A_1013 : f32 to vector<16xf32>
        %mul3A_1015 = arith.mulf %add3A_1012, %mul3A_1014 : vector<16xf32>
        %swap3A_1016 = arith.index_cast %scan3A_104 : i32 to index
        %swap3A_1017 = arith.constant 848 : index
        %swap3A_1018 = tpu.vector_load %arg14[%swap3A_1016, %swap3A_1017] {strides = array<i32>} : memref<16x1024xf32, #tpu.memory_space<vmem>>, vector<1x16xf32>,
        %swap3A_1019 = vector.shape_cast %swap3A_1018 : vector<1x16xf32> to vector<16xf32>
        %swap3A_1020 = vector.shape_cast %mul3A_1015 : vector<16xf32> to vector<1x16xf32>
        tpu.vector_store %arg14[%swap3A_1016, %swap3A_1017], %swap3A_1020 {strides = array<i32>} : memref<16x1024xf32, #tpu.memory_space<vmem>>, vector<1x16xf32>,
        %get3A_1021 = arith.index_cast %scan3A_104 : i32 to index
        %get3A_1022 = arith.constant 864 : index
        %get3A_1023 = tpu.vector_load %arg12[%get3A_1021, %get3A_1022] {strides = array<i32>} : memref<16x1024xf32, #tpu.memory_space<vmem>>, vector<1x16xf32>,
        %get3A_1024 = vector.shape_cast %get3A_1023 : vector<1x16xf32> to vector<16xf32>
        %get3A_1025 = arith.index_cast %scan3A_104 : i32 to index
        %get3A_1026 = arith.constant 864 : index
        %get3A_1027 = tpu.vector_load %arg13[%get3A_1025, %get3A_1026] {strides = array<i32>} : memref<16x1024xf32, #tpu.memory_space<vmem>>, vector<1x16xf32>,
        %get3A_1028 = vector.shape_cast %get3A_1027 : vector<1x16xf32> to vector<16xf32>
        %add3A_1029 = arith.addf %get3A_1024, %get3A_1028 : vector<16xf32>
        %mul3A_1030 = arith.constant 3.200000e+01 : f32
        %mul3A_1031 = vector.broadcast %mul3A_1030 : f32 to vector<16xf32>
        %mul3A_1032 = arith.mulf %add3A_1029, %mul3A_1031 : vector<16xf32>
        %swap3A_1033 = arith.index_cast %scan3A_104 : i32 to index
        %swap3A_1034 = arith.constant 864 : index
        %swap3A_1035 = tpu.vector_load %arg14[%swap3A_1033, %swap3A_1034] {strides = array<i32>} : memref<16x1024xf32, #tpu.memory_space<vmem>>, vector<1x16xf32>,
        %swap3A_1036 = vector.shape_cast %swap3A_1035 : vector<1x16xf32> to vector<16xf32>
        %swap3A_1037 = vector.shape_cast %mul3A_1032 : vector<16xf32> to vector<1x16xf32>
        tpu.vector_store %arg14[%swap3A_1033, %swap3A_1034], %swap3A_1037 {strides = array<i32>} : memref<16x1024xf32, #tpu.memory_space<vmem>>, vector<1x16xf32>,
        %get3A_1038 = arith.index_cast %scan3A_104 : i32 to index
        %get3A_1039 = arith.constant 880 : index
        %get3A_1040 = tpu.vector_load %arg12[%get3A_1038, %get3A_1039] {strides = array<i32>} : memref<16x1024xf32, #tpu.memory_space<vmem>>, vector<1x16xf32>,
        %get3A_1041 = vector.shape_cast %get3A_1040 : vector<1x16xf32> to vector<16xf32>
        %get3A_1042 = arith.index_cast %scan3A_104 : i32 to index
        %get3A_1043 = arith.constant 880 : index
        %get3A_1044 = tpu.vector_load %arg13[%get3A_1042, %get3A_1043] {strides = array<i32>} : memref<16x1024xf32, #tpu.memory_space<vmem>>, vector<1x16xf32>,
        %get3A_1045 = vector.shape_cast %get3A_1044 : vector<1x16xf32> to vector<16xf32>
        %add3A_1046 = arith.addf %get3A_1041, %get3A_1045 : vector<16xf32>
        %mul3A_1047 = arith.constant 3.200000e+01 : f32
        %mul3A_1048 = vector.broadcast %mul3A_1047 : f32 to vector<16xf32>
        %mul3A_1049 = arith.mulf %add3A_1046, %mul3A_1048 : vector<16xf32>
        %swap3A_1050 = arith.index_cast %scan3A_104 : i32 to index
        %swap3A_1051 = arith.constant 880 : index
        %swap3A_1052 = tpu.vector_load %arg14[%swap3A_1050, %swap3A_1051] {strides = array<i32>} : memref<16x1024xf32, #tpu.memory_space<vmem>>, vector<1x16xf32>,
        %swap3A_1053 = vector.shape_cast %swap3A_1052 : vector<1x16xf32> to vector<16xf32>
        %swap3A_1054 = vector.shape_cast %mul3A_1049 : vector<16xf32> to vector<1x16xf32>
        tpu.vector_store %arg14[%swap3A_1050, %swap3A_1051], %swap3A_1054 {strides = array<i32>} : memref<16x1024xf32, #tpu.memory_space<vmem>>, vector<1x16xf32>,
        %get3A_1055 = arith.index_cast %scan3A_104 : i32 to index
        %get3A_1056 = arith.constant 896 : index
        %get3A_1057 = tpu.vector_load %arg12[%get3A_1055, %get3A_1056] {strides = array<i32>} : memref<16x1024xf32, #tpu.memory_space<vmem>>, vector<1x16xf32>,
        %get3A_1058 = vector.shape_cast %get3A_1057 : vector<1x16xf32> to vector<16xf32>
        %get3A_1059 = arith.index_cast %scan3A_104 : i32 to index
        %get3A_1060 = arith.constant 896 : index
        %get3A_1061 = tpu.vector_load %arg13[%get3A_1059, %get3A_1060] {strides = array<i32>} : memref<16x1024xf32, #tpu.memory_space<vmem>>, vector<1x16xf32>,
        %get3A_1062 = vector.shape_cast %get3A_1061 : vector<1x16xf32> to vector<16xf32>
        %add3A_1063 = arith.addf %get3A_1058, %get3A_1062 : vector<16xf32>
        %mul3A_1064 = arith.constant 3.200000e+01 : f32
        %mul3A_1065 = vector.broadcast %mul3A_1064 : f32 to vector<16xf32>
        %mul3A_1066 = arith.mulf %add3A_1063, %mul3A_1065 : vector<16xf32>
        %swap3A_1067 = arith.index_cast %scan3A_104 : i32 to index
        %swap3A_1068 = arith.constant 896 : index
        %swap3A_1069 = tpu.vector_load %arg14[%swap3A_1067, %swap3A_1068] {strides = array<i32>} : memref<16x1024xf32, #tpu.memory_space<vmem>>, vector<1x16xf32>,
        %swap3A_1070 = vector.shape_cast %swap3A_1069 : vector<1x16xf32> to vector<16xf32>
        %swap3A_1071 = vector.shape_cast %mul3A_1066 : vector<16xf32> to vector<1x16xf32>
        tpu.vector_store %arg14[%swap3A_1067, %swap3A_1068], %swap3A_1071 {strides = array<i32>} : memref<16x1024xf32, #tpu.memory_space<vmem>>, vector<1x16xf32>,
        %get3A_1072 = arith.index_cast %scan3A_104 : i32 to index
        %get3A_1073 = arith.constant 912 : index
        %get3A_1074 = tpu.vector_load %arg12[%get3A_1072, %get3A_1073] {strides = array<i32>} : memref<16x1024xf32, #tpu.memory_space<vmem>>, vector<1x16xf32>,
        %get3A_1075 = vector.shape_cast %get3A_1074 : vector<1x16xf32> to vector<16xf32>
        %get3A_1076 = arith.index_cast %scan3A_104 : i32 to index
        %get3A_1077 = arith.constant 912 : index
        %get3A_1078 = tpu.vector_load %arg13[%get3A_1076, %get3A_1077] {strides = array<i32>} : memref<16x1024xf32, #tpu.memory_space<vmem>>, vector<1x16xf32>,
        %get3A_1079 = vector.shape_cast %get3A_1078 : vector<1x16xf32> to vector<16xf32>
        %add3A_1080 = arith.addf %get3A_1075, %get3A_1079 : vector<16xf32>
        %mul3A_1081 = arith.constant 3.200000e+01 : f32
        %mul3A_1082 = vector.broadcast %mul3A_1081 : f32 to vector<16xf32>
        %mul3A_1083 = arith.mulf %add3A_1080, %mul3A_1082 : vector<16xf32>
        %swap3A_1084 = arith.index_cast %scan3A_104 : i32 to index
        %swap3A_1085 = arith.constant 912 : index
        %swap3A_1086 = tpu.vector_load %arg14[%swap3A_1084, %swap3A_1085] {strides = array<i32>} : memref<16x1024xf32, #tpu.memory_space<vmem>>, vector<1x16xf32>,
        %swap3A_1087 = vector.shape_cast %swap3A_1086 : vector<1x16xf32> to vector<16xf32>
        %swap3A_1088 = vector.shape_cast %mul3A_1083 : vector<16xf32> to vector<1x16xf32>
        tpu.vector_store %arg14[%swap3A_1084, %swap3A_1085], %swap3A_1088 {strides = array<i32>} : memref<16x1024xf32, #tpu.memory_space<vmem>>, vector<1x16xf32>,
        %get3A_1089 = arith.index_cast %scan3A_104 : i32 to index
        %get3A_1090 = arith.constant 928 : index
        %get3A_1091 = tpu.vector_load %arg12[%get3A_1089, %get3A_1090] {strides = array<i32>} : memref<16x1024xf32, #tpu.memory_space<vmem>>, vector<1x16xf32>,
        %get3A_1092 = vector.shape_cast %get3A_1091 : vector<1x16xf32> to vector<16xf32>
        %get3A_1093 = arith.index_cast %scan3A_104 : i32 to index
        %get3A_1094 = arith.constant 928 : index
        %get3A_1095 = tpu.vector_load %arg13[%get3A_1093, %get3A_1094] {strides = array<i32>} : memref<16x1024xf32, #tpu.memory_space<vmem>>, vector<1x16xf32>,
        %get3A_1096 = vector.shape_cast %get3A_1095 : vector<1x16xf32> to vector<16xf32>
        %add3A_1097 = arith.addf %get3A_1092, %get3A_1096 : vector<16xf32>
        %mul3A_1098 = arith.constant 3.200000e+01 : f32
        %mul3A_1099 = vector.broadcast %mul3A_1098 : f32 to vector<16xf32>
        %mul3A_1100 = arith.mulf %add3A_1097, %mul3A_1099 : vector<16xf32>
        %swap3A_1101 = arith.index_cast %scan3A_104 : i32 to index
        %swap3A_1102 = arith.constant 928 : index
        %swap3A_1103 = tpu.vector_load %arg14[%swap3A_1101, %swap3A_1102] {strides = array<i32>} : memref<16x1024xf32, #tpu.memory_space<vmem>>, vector<1x16xf32>,
        %swap3A_1104 = vector.shape_cast %swap3A_1103 : vector<1x16xf32> to vector<16xf32>
        %swap3A_1105 = vector.shape_cast %mul3A_1100 : vector<16xf32> to vector<1x16xf32>
        tpu.vector_store %arg14[%swap3A_1101, %swap3A_1102], %swap3A_1105 {strides = array<i32>} : memref<16x1024xf32, #tpu.memory_space<vmem>>, vector<1x16xf32>,
        %get3A_1106 = arith.index_cast %scan3A_104 : i32 to index
        %get3A_1107 = arith.constant 944 : index
        %get3A_1108 = tpu.vector_load %arg12[%get3A_1106, %get3A_1107] {strides = array<i32>} : memref<16x1024xf32, #tpu.memory_space<vmem>>, vector<1x16xf32>,
        %get3A_1109 = vector.shape_cast %get3A_1108 : vector<1x16xf32> to vector<16xf32>
        %get3A_1110 = arith.index_cast %scan3A_104 : i32 to index
        %get3A_1111 = arith.constant 944 : index
        %get3A_1112 = tpu.vector_load %arg13[%get3A_1110, %get3A_1111] {strides = array<i32>} : memref<16x1024xf32, #tpu.memory_space<vmem>>, vector<1x16xf32>,
        %get3A_1113 = vector.shape_cast %get3A_1112 : vector<1x16xf32> to vector<16xf32>
        %add3A_1114 = arith.addf %get3A_1109, %get3A_1113 : vector<16xf32>
        %mul3A_1115 = arith.constant 3.200000e+01 : f32
        %mul3A_1116 = vector.broadcast %mul3A_1115 : f32 to vector<16xf32>
        %mul3A_1117 = arith.mulf %add3A_1114, %mul3A_1116 : vector<16xf32>
        %swap3A_1118 = arith.index_cast %scan3A_104 : i32 to index
        %swap3A_1119 = arith.constant 944 : index
        %swap3A_1120 = tpu.vector_load %arg14[%swap3A_1118, %swap3A_1119] {strides = array<i32>} : memref<16x1024xf32, #tpu.memory_space<vmem>>, vector<1x16xf32>,
        %swap3A_1121 = vector.shape_cast %swap3A_1120 : vector<1x16xf32> to vector<16xf32>
        %swap3A_1122 = vector.shape_cast %mul3A_1117 : vector<16xf32> to vector<1x16xf32>
        tpu.vector_store %arg14[%swap3A_1118, %swap3A_1119], %swap3A_1122 {strides = array<i32>} : memref<16x1024xf32, #tpu.memory_space<vmem>>, vector<1x16xf32>,
        %get3A_1123 = arith.index_cast %scan3A_104 : i32 to index
        %get3A_1124 = arith.constant 960 : index
        %get3A_1125 = tpu.vector_load %arg12[%get3A_1123, %get3A_1124] {strides = array<i32>} : memref<16x1024xf32, #tpu.memory_space<vmem>>, vector<1x16xf32>,
        %get3A_1126 = vector.shape_cast %get3A_1125 : vector<1x16xf32> to vector<16xf32>
        %get3A_1127 = arith.index_cast %scan3A_104 : i32 to index
        %get3A_1128 = arith.constant 960 : index
        %get3A_1129 = tpu.vector_load %arg13[%get3A_1127, %get3A_1128] {strides = array<i32>} : memref<16x1024xf32, #tpu.memory_space<vmem>>, vector<1x16xf32>,
        %get3A_1130 = vector.shape_cast %get3A_1129 : vector<1x16xf32> to vector<16xf32>
        %add3A_1131 = arith.addf %get3A_1126, %get3A_1130 : vector<16xf32>
        %mul3A_1132 = arith.constant 3.200000e+01 : f32
        %mul3A_1133 = vector.broadcast %mul3A_1132 : f32 to vector<16xf32>
        %mul3A_1134 = arith.mulf %add3A_1131, %mul3A_1133 : vector<16xf32>
        %swap3A_1135 = arith.index_cast %scan3A_104 : i32 to index
        %swap3A_1136 = arith.constant 960 : index
        %swap3A_1137 = tpu.vector_load %arg14[%swap3A_1135, %swap3A_1136] {strides = array<i32>} : memref<16x1024xf32, #tpu.memory_space<vmem>>, vector<1x16xf32>,
        %swap3A_1138 = vector.shape_cast %swap3A_1137 : vector<1x16xf32> to vector<16xf32>
        %swap3A_1139 = vector.shape_cast %mul3A_1134 : vector<16xf32> to vector<1x16xf32>
        tpu.vector_store %arg14[%swap3A_1135, %swap3A_1136], %swap3A_1139 {strides = array<i32>} : memref<16x1024xf32, #tpu.memory_space<vmem>>, vector<1x16xf32>,
        %get3A_1140 = arith.index_cast %scan3A_104 : i32 to index
        %get3A_1141 = arith.constant 976 : index
        %get3A_1142 = tpu.vector_load %arg12[%get3A_1140, %get3A_1141] {strides = array<i32>} : memref<16x1024xf32, #tpu.memory_space<vmem>>, vector<1x16xf32>,
        %get3A_1143 = vector.shape_cast %get3A_1142 : vector<1x16xf32> to vector<16xf32>
        %get3A_1144 = arith.index_cast %scan3A_104 : i32 to index
        %get3A_1145 = arith.constant 976 : index
        %get3A_1146 = tpu.vector_load %arg13[%get3A_1144, %get3A_1145] {strides = array<i32>} : memref<16x1024xf32, #tpu.memory_space<vmem>>, vector<1x16xf32>,
        %get3A_1147 = vector.shape_cast %get3A_1146 : vector<1x16xf32> to vector<16xf32>
        %add3A_1148 = arith.addf %get3A_1143, %get3A_1147 : vector<16xf32>
        %mul3A_1149 = arith.constant 3.200000e+01 : f32
        %mul3A_1150 = vector.broadcast %mul3A_1149 : f32 to vector<16xf32>
        %mul3A_1151 = arith.mulf %add3A_1148, %mul3A_1150 : vector<16xf32>
        %swap3A_1152 = arith.index_cast %scan3A_104 : i32 to index
        %swap3A_1153 = arith.constant 976 : index
        %swap3A_1154 = tpu.vector_load %arg14[%swap3A_1152, %swap3A_1153] {strides = array<i32>} : memref<16x1024xf32, #tpu.memory_space<vmem>>, vector<1x16xf32>,
        %swap3A_1155 = vector.shape_cast %swap3A_1154 : vector<1x16xf32> to vector<16xf32>
        %swap3A_1156 = vector.shape_cast %mul3A_1151 : vector<16xf32> to vector<1x16xf32>
        tpu.vector_store %arg14[%swap3A_1152, %swap3A_1153], %swap3A_1156 {strides = array<i32>} : memref<16x1024xf32, #tpu.memory_space<vmem>>, vector<1x16xf32>,
        %get3A_1157 = arith.index_cast %scan3A_104 : i32 to index
        %get3A_1158 = arith.constant 992 : index
        %get3A_1159 = tpu.vector_load %arg12[%get3A_1157, %get3A_1158] {strides = array<i32>} : memref<16x1024xf32, #tpu.memory_space<vmem>>, vector<1x16xf32>,
        %get3A_1160 = vector.shape_cast %get3A_1159 : vector<1x16xf32> to vector<16xf32>
        %get3A_1161 = arith.index_cast %scan3A_104 : i32 to index
        %get3A_1162 = arith.constant 992 : index
        %get3A_1163 = tpu.vector_load %arg13[%get3A_1161, %get3A_1162] {strides = array<i32>} : memref<16x1024xf32, #tpu.memory_space<vmem>>, vector<1x16xf32>,
        %get3A_1164 = vector.shape_cast %get3A_1163 : vector<1x16xf32> to vector<16xf32>
        %add3A_1165 = arith.addf %get3A_1160, %get3A_1164 : vector<16xf32>
        %mul3A_1166 = arith.constant 3.200000e+01 : f32
        %mul3A_1167 = vector.broadcast %mul3A_1166 : f32 to vector<16xf32>
        %mul3A_1168 = arith.mulf %add3A_1165, %mul3A_1167 : vector<16xf32>
        %swap3A_1169 = arith.index_cast %scan3A_104 : i32 to index
        %swap3A_1170 = arith.constant 992 : index
        %swap3A_1171 = tpu.vector_load %arg14[%swap3A_1169, %swap3A_1170] {strides = array<i32>} : memref<16x1024xf32, #tpu.memory_space<vmem>>, vector<1x16xf32>,
        %swap3A_1172 = vector.shape_cast %swap3A_1171 : vector<1x16xf32> to vector<16xf32>
        %swap3A_1173 = vector.shape_cast %mul3A_1168 : vector<16xf32> to vector<1x16xf32>
        tpu.vector_store %arg14[%swap3A_1169, %swap3A_1170], %swap3A_1173 {strides = array<i32>} : memref<16x1024xf32, #tpu.memory_space<vmem>>, vector<1x16xf32>,
        %get3A_1174 = arith.index_cast %scan3A_104 : i32 to index
        %get3A_1175 = arith.constant 1008 : index
        %get3A_1176 = tpu.vector_load %arg12[%get3A_1174, %get3A_1175] {strides = array<i32>} : memref<16x1024xf32, #tpu.memory_space<vmem>>, vector<1x16xf32>,
        %get3A_1177 = vector.shape_cast %get3A_1176 : vector<1x16xf32> to vector<16xf32>
        %get3A_1178 = arith.index_cast %scan3A_104 : i32 to index
        %get3A_1179 = arith.constant 1008 : index
        %get3A_1180 = tpu.vector_load %arg13[%get3A_1178, %get3A_1179] {strides = array<i32>} : memref<16x1024xf32, #tpu.memory_space<vmem>>, vector<1x16xf32>,
        %get3A_1181 = vector.shape_cast %get3A_1180 : vector<1x16xf32> to vector<16xf32>
        %add3A_1182 = arith.addf %get3A_1177, %get3A_1181 : vector<16xf32>
        %mul3A_1183 = arith.constant 3.200000e+01 : f32
        %mul3A_1184 = vector.broadcast %mul3A_1183 : f32 to vector<16xf32>
        %mul3A_1185 = arith.mulf %add3A_1182, %mul3A_1184 : vector<16xf32>
        %swap3A_1186 = arith.index_cast %scan3A_104 : i32 to index
        %swap3A_1187 = arith.constant 1008 : index
        %swap3A_1188 = tpu.vector_load %arg14[%swap3A_1186, %swap3A_1187] {strides = array<i32>} : memref<16x1024xf32, #tpu.memory_space<vmem>>, vector<1x16xf32>,
        %swap3A_1189 = vector.shape_cast %swap3A_1188 : vector<1x16xf32> to vector<16xf32>
        %swap3A_1190 = vector.shape_cast %mul3A_1185 : vector<16xf32> to vector<1x16xf32>
        tpu.vector_store %arg14[%swap3A_1186, %swap3A_1187], %swap3A_1190 {strides = array<i32>} : memref<16x1024xf32, #tpu.memory_space<vmem>>, vector<1x16xf32>,
      }
      %scan3A_91 = arith.constant 16 : i32
      %add3A_92 = arith.addi %mul3A_2, %mul3A_72 : i32
      %dma_start3A_93 = arith.constant 0 : i32
      %dma_start3A_94 = tpu.memref_slice %arg6[%add3A_92, %dma_start3A_93] : memref<8192x1024xf32, #tpu.memory_space<hbm>> -> memref<16x1024xf32, #tpu.memory_space<hbm>>
      %dma_start3A_95 = arith.constant 0 : i32
      %dma_start3A_96 = tpu.memref_slice %arg6[%add3A_92, %dma_start3A_95] : memref<8192x1024xf32, #tpu.memory_space<hbm>> -> memref<16x1024xf32, #tpu.memory_space<hbm>>
      tpu.enqueue_dma source(%arg14 : memref<16x1024xf32, #tpu.memory_space<vmem>>) target(%dma_start3A_96 : memref<16x1024xf32, #tpu.memory_space<hbm>>) target_semaphore(%arg18 : memref<!tpu.dma_semaphore, #tpu.memory_space<semaphore_mem>>)
      %add3A_97 = arith.constant 2 : i32
      %add3A_98 = arith.addi %add3A_70, %add3A_97 : i32
      %lt3A_99 = arith.constant 16 : i32
      %lt3A_100 = arith.cmpi slt, %add3A_98, %lt3A_99 : i32
      %convert_element_type3A_101 = arith.extui %lt3A_100 : i1 to i32
      %cond3A_102 = arith.constant 0 : i32
      %cond3A_103 = arith.cmpi ne, %convert_element_type3A_101, %cond3A_102 : i32
      scf.if %cond3A_103 {
        %add3A_104 = arith.constant 2 : i32
        %add3A_105 = arith.addi %add3A_70, %add3A_104 : i32
        %mul3A_106 = arith.constant 16 : i32
        %mul3A_107 = arith.muli %add3A_105, %mul3A_106 : i32
        %dma_start3A_108 = tpu.memref_slice %arg7[%mul3A_107] : memref<256xi32, #tpu.memory_space<vmem>> -> memref<16xi32, #tpu.memory_space<vmem>>
        %dma_start3A_109 = arith.constant 0 : i32
        %dma_start3A_110 = arith.constant 0 : i32
        %dma_start3A_111 = tpu.memref_slice %arg4[%dma_start3A_109, %dma_start3A_110] : memref<100000x1024xf32, #tpu.memory_space<hbm>> -> memref<100000x1024xf32, #tpu.memory_space<hbm>>
        tpu.enqueue_indirect_dma source(%dma_start3A_111 : memref<100000x1024xf32, #tpu.memory_space<hbm>>) target(%arg12 : memref<16x1024xf32, #tpu.memory_space<vmem>>) offsets(%dma_start3A_108 : memref<16xi32, #tpu.memory_space<vmem>>) semaphore(%arg16 : memref<!tpu.dma_semaphore, #tpu.memory_space<semaphore_mem>>)
        %dma_start3A_112 = tpu.memref_slice %arg8[%mul3A_107] : memref<256xi32, #tpu.memory_space<vmem>> -> memref<16xi32, #tpu.memory_space<vmem>>
        %dma_start3A_113 = arith.constant 0 : i32
        %dma_start3A_114 = arith.constant 0 : i32
        %dma_start3A_115 = tpu.memref_slice %arg5[%dma_start3A_113, %dma_start3A_114] : memref<4096x1024xf32, #tpu.memory_space<hbm>> -> memref<4096x1024xf32, #tpu.memory_space<hbm>>
        tpu.enqueue_indirect_dma source(%dma_start3A_115 : memref<4096x1024xf32, #tpu.memory_space<hbm>>) target(%arg13 : memref<16x1024xf32, #tpu.memory_space<vmem>>) offsets(%dma_start3A_112 : memref<16xi32, #tpu.memory_space<vmem>>) semaphore(%arg16 : memref<!tpu.dma_semaphore, #tpu.memory_space<semaphore_mem>>)
      } else {
      }
    }
    %scan3A_25 = arith.constant 8 : i32
    %dma_wait3A = arith.constant 0 : i32
    %dma_wait3A_26 = tpu.memref_slice %arg6[%mul3A_2, %dma_wait3A] : memref<8192x1024xf32, #tpu.memory_space<hbm>> -> memref<16x1024xf32, #tpu.memory_space<hbm>>
    %dma_wait3A_27 = arith.constant 0 : i32
    %dma_wait3A_28 = tpu.memref_slice %arg6[%mul3A_2, %dma_wait3A_27] : memref<8192x1024xf32, #tpu.memory_space<hbm>> -> memref<16x1024xf32, #tpu.memory_space<hbm>>
    tpu.wait_dma2 semaphore(%arg17 : memref<!tpu.dma_semaphore, #tpu.memory_space<semaphore_mem>>) src(%arg11 : memref<16x1024xf32, #tpu.memory_space<vmem>>) dst(%dma_wait3A_28 : memref<16x1024xf32, #tpu.memory_space<hbm>>)
    %dma_wait3A_29 = arith.constant 0 : i32
    %dma_wait3A_30 = tpu.memref_slice %arg6[%mul3A_2, %dma_wait3A_29] : memref<8192x1024xf32, #tpu.memory_space<hbm>> -> memref<16x1024xf32, #tpu.memory_space<hbm>>
    %dma_wait3A_31 = arith.constant 0 : i32
    %dma_wait3A_32 = tpu.memref_slice %arg6[%mul3A_2, %dma_wait3A_31] : memref<8192x1024xf32, #tpu.memory_space<hbm>> -> memref<16x1024xf32, #tpu.memory_space<hbm>>
    tpu.wait_dma2 semaphore(%arg18 : memref<!tpu.dma_semaphore, #tpu.memory_space<semaphore_mem>>) src(%arg14 : memref<16x1024xf32, #tpu.memory_space<vmem>>) dst(%dma_wait3A_32 : memref<16x1024xf32, #tpu.memory_space<hbm>>)
    return
  }
}

module attributes {stable_mosaic.version = 14 : i64} {
  func.func @_comb_body(%arg0: i32, %arg1: i32, %arg2: memref<1024x1024xf32, #tpu.memory_space<vmem>>, %arg3: memref<2x1024xf32, #tpu.memory_space<vmem>>, %arg4: memref<1024x1024xf32, #tpu.memory_space<vmem>>) attributes {dimension_semantics = [#tpu.dimension_semantics<arbitrary>, #tpu.dimension_semantics<arbitrary>], iteration_bounds = array<i64: 2, 2>, scalar_prefetch = 0 : i64, scratch_operands = 0 : i64, tpu.core_type = #tpu.core_type<tc>, window_params = [{transform_indices = @transform_0, window_bounds = array<i64: 1024, 1024>}, {pipeline_mode = #tpu.pipeline_mode<synchronous>, transform_indices = @transform_1, window_bounds = array<i64: 2, 1024>}, {transform_indices = @transform_2, window_bounds = array<i64: 1024, 1024>}]} {
    %get3A = arith.constant 0 : index
    %get3A_0 = arith.constant 0 : index
    %get3A_1 = vector.load %arg2[%get3A, %get3A_0] : memref<1024x1024xf32, #tpu.memory_space<vmem>>, vector<1024x1024xf32>
    %get3A_2 = arith.index_cast %arg0 : i32 to index
    %get3A_3 = arith.constant 0 : index
    %get3A_4 = vector.load %arg3[%get3A_2, %get3A_3] : memref<2x1024xf32, #tpu.memory_space<vmem>>, vector<1x1024xf32>
    %add3A = vector.broadcast %get3A_4 : vector<1x1024xf32> to vector<1024x1024xf32>
    %add3A_5 = arith.addf %get3A_1, %add3A : vector<1024x1024xf32>
    %swap3A = arith.constant 0 : index
    %swap3A_6 = arith.constant 0 : index
    %swap3A_7 = vector.load %arg4[%swap3A, %swap3A_6] : memref<1024x1024xf32, #tpu.memory_space<vmem>>, vector<1024x1024xf32>
    tpu.vector_store %arg4[%swap3A, %swap3A_6], %add3A_5 {strides = array<i32>} : memref<1024x1024xf32, #tpu.memory_space<vmem>>, vector<1024x1024xf32>,
    return
  }
  func.func @transform_0(%arg0: i32, %arg1: i32) -> (i32, i32) {
    %c0_i32 = arith.constant 0 : i32
    %c0_i32_0 = arith.constant 0 : i32
    return %arg1, %c0_i32 : i32, i32
  }
  func.func @transform_1(%arg0: i32, %arg1: i32) -> (i32, i32) {
    %c0_i32 = arith.constant 0 : i32
    %c0_i32_0 = arith.constant 0 : i32
    %c0_i32_1 = arith.constant 0 : i32
    return %c0_i32, %c0_i32_0 : i32, i32
  }
  func.func @transform_2(%arg0: i32, %arg1: i32) -> (i32, i32) {
    %mul3A = arith.constant 2 : i32
    %mul3A_0 = arith.muli %arg0, %mul3A : i32
    %add3A = arith.addi %mul3A_0, %arg1 : i32
    %c0_i32 = arith.constant 0 : i32
    %c0_i32_1 = arith.constant 0 : i32
    return %add3A, %c0_i32 : i32, i32
  }
}

</mosaic_0001>

<sc_bundles>
// kernel: kernel.4.cloned.1.call-start
scs
__scs_entry_jumppad:
0x0: {  	(pc) =	sbr.rel $0x88, $3  }
0x1: {  	(tag) =	ssettag $0x0;
	lr =	simm.s32 $0x1  }
0x2: {  	[smem:$0x3F9B] =	sst lr;
	_ =	strace $0xD0000000  }
0x3: {  	_ = 	snop  }
0x4: {  	_ = 	snop  }
0x5: {  	_ = 	snop  }
0x6: {  	_ = 	snop  }
0x7: {  	_ = 	snop  }
__scs_overlays_trampoline_lowered:
0x8: {  	[smem:$0x3FAA] =	sst s0  }
0x9: {  	[smem:$0x3FAB] =	sst s1  }
0xa: {  	[smem:$0x3FAC] =	sst s2  }
0xb: {  	[smem:$0x3FAD] =	sst s3  }
0xc: {  	[smem:$0x3FAE] =	sst s4  }
0xd: {  	[smem:$0x3FAF] =	sst s5  }
0xe: {  	[smem:$0x3FB0] =	sst s6  }
0xf: {  	[smem:$0x3FB1] =	sst s7  }
0x10: {  	[smem:$0x3FB2] =	sst s8  }
0x11: {  	[smem:$0x3FB3] =	sst s9;
	s0 =	simm.s32 @!p0 $0x0  }
0x12: {  	s1 =	sld [smem:$0x3F99];
	s0 =	simm.s32 @p0 $0x1  }
0x13: {  	[smem:$0x3FB4] =	sst s0;
	s0 =	simm.s32 @!p1 $0x0  }
0x14: {  	s2 =	sld [smem:$0x3F98];
	s0 =	simm.s32 @p1 $0x1  }
0x15: {  	[smem:$0x3FB5] =	sst s0;
	s0 =	simm.s32 @!p2 $0x0  }
0x16: {  	s3 =	sld [smem:$0x3FDB];
	s0 =	simm.s32 @p2 $0x1  }
0x17: {  	s4 =	simm.s32 $0x1BF5;
	[smem:$0x3FB7] =	sst s0  }
0x18: {  	s0 =	sld [smem:$0x3F9A];
	_ =	swait.ge [sflag:s4], $0x0  }
0x19: {  	s7 =	sld [smem:$0x3F9B]  }
0x1a: {  	s8 =	sadd.s32 $0xFFFFE003, lr  }
0x1b: {  	s9 =	sadd.s32 $0xFFFFFEF7, lr;
	s5 =	simm.s32 $0xFFFFFFFF;
	p2 =	slt.u32 s8, $0xFFFFF086  }
0x1c: {  	p1 =	slt.u32 s9, $0xF7A;
	s5 =	simm.s32 @!p2 $0x0  }
0x1d: {  	s5 =	simm.s32 @p1 $0x1;
	p0 =	seq.s32 s7, s2  }
0x1e: {  	s7 =	smul.u32 @!p0 $0xF7A, s2;
	p2 =	seq.s32 @!p0 s5, $0x0  }
0x1f: {  	s9 =	smul.u32 $0xF7A, s1;
	s8 =	simm.s32 @!p0 $0x1BF5;
	p2 =	por !p2, p0  }
0x20: {  	[sflag:s8] =	ssyncset.s32 @!p0 $0xFFFFF086;
	s6 =	sadd.s32 @!p0 s3, s7;
	s7 =	simm.s32 @!p0 $0x108  }
0x21: {  	s3 =	sadd.s32 s3, s9;
	s6 =	sadd.s32 @!p0 $0x88, s6;
	s7 =	simm.s32 @p2 $0x1082  }
0x22: {  	[simem:s7], [sflag:s8] =	dma.local @!p0 [hbm:s6], $0xF7A  }
0x23: {  	s9 =	sor.u32 $0xD0000000, s2;
	s6 =	simm.s32 $0x108;
	_ =	swait.ge @!p0 [sflag:s8], $0x0  }
0x24: {  	s3 =	sadd.s32 $0x88, s3;
	s6 =	simm.s32 @!p1 $0x1082;
	[sflag:s4] =	ssyncset.s32 $0xFFFFF086  }
0x25: {  	[simem:s6], [sflag:s4] =	dma.local [hbm:s3], $0xF7A  }
0x26: {  	[smem:$0x3F9B] =	sst s1;
	(tag) =	ssettag s2;
	_ =	strace s9  }
0x27: {  	s1 =	sld [smem:$0x3FAB]  }
0x28: {  	s2 =	sld [smem:$0x3FAC]  }
0x29: {  	s4 =	sld [smem:$0x3FAE]  }
0x2a: {  	p0 =	seq.s32 s5, $0x0;
	s5 =	sld [smem:$0x3FAF]  }
0x2b: {  	s6 =	sld [smem:$0x3FB0]  }
0x2c: {  	s7 =	sld [smem:$0x3FB1]  }
0x2d: {  	s3 =	simm.s32 $0x108;
	s8 =	sld [smem:$0x3FB2]  }
0x2e: {  	s3 =	simm.s32 @!p0 $0x1082;
	s9 =	sld [smem:$0x3FB3]  }
0x2f: {  	lr =	sadd.s32 s0, s3;
	s0 =	sld [smem:$0x3FAA]  }
0x30: {  	s3 =	sld [smem:$0x3FAD]  }
0x31: {  	[smem:$0x3FB6] =	sst s10  }
0x32: {  	s10 =	sld [smem:$0x3FB4];
	_ =	sdelay $0x3  }
0x33: {  	p0 =	seq.s32 s10, $0x1;
	s10 =	sld [smem:$0x3FB6];
	_ =	sdelay $0x3  }
0x34: {  	[smem:$0x3FB6] =	sst s10  }
0x35: {  	s10 =	sld [smem:$0x3FB5];
	_ =	sdelay $0x3  }
0x36: {  	p1 =	seq.s32 s10, $0x1;
	s10 =	sld [smem:$0x3FB6];
	_ =	sdelay $0x3  }
0x37: {  	[smem:$0x3FB6] =	sst s10  }
0x38: {  	s10 =	sld [smem:$0x3FB7]  }
0x39: {  	_ = 	snop;
	(pc) =	sbr.ind lr, $3  }
0x3a: {  	_ = 	snop  }
0x3b: {  	_ = 	snop  }
0x3c: {  	p2 =	seq.s32 s10, $0x1;
	s10 =	sld [smem:$0x3FB6]  }
0x3d: {  	_ =	shalt  }
0x3e: {  	_ =	shalt  }
0x3f: {  	_ =	shalt  }
0x40: {  	_ =	shalt  }
0x41: {  	_ =	shalt  }
0x42: {  	_ =	shalt  }
0x43: {  	_ =	shalt  }
0x44: {  	_ =	shalt  }
0x45: {  	_ =	shalt  }
0x46: {  	_ =	shalt  }
0x47: {  	_ =	shalt  }
0x48: {  	_ =	shalt  }
0x49: {  	_ =	shalt  }
0x4a: {  	_ =	shalt  }
0x4b: {  	_ =	shalt  }
0x4c: {  	_ =	shalt  }
0x4d: {  	_ =	shalt  }
0x4e: {  	_ =	shalt  }
0x4f: {  	_ =	shalt  }
0x50: {  	_ =	shalt  }
0x51: {  	_ =	shalt  }
0x52: {  	_ =	shalt  }
0x53: {  	_ =	shalt  }
0x54: {  	_ =	shalt  }
0x55: {  	_ =	shalt  }
0x56: {  	_ =	shalt  }
0x57: {  	_ =	shalt  }
0x58: {  	_ =	shalt  }
0x59: {  	_ =	shalt  }
0x5a: {  	_ =	shalt  }
0x5b: {  	_ =	shalt  }
0x5c: {  	_ =	shalt  }
0x5d: {  	_ =	shalt  }
0x5e: {  	_ =	shalt  }
0x5f: {  	_ =	shalt  }
0x60: {  	_ =	shalt  }
0x61: {  	_ =	shalt  }
0x62: {  	_ =	shalt  }
0x63: {  	_ =	shalt  }
0x64: {  	_ =	shalt  }
0x65: {  	_ =	shalt  }
0x66: {  	_ =	shalt  }
0x67: {  	_ =	shalt  }
0x68: {  	_ =	shalt  }
0x69: {  	_ =	shalt  }
0x6a: {  	_ =	shalt  }
0x6b: {  	_ =	shalt  }
0x6c: {  	_ =	shalt  }
0x6d: {  	_ =	shalt  }
0x6e: {  	_ =	shalt  }
0x6f: {  	_ =	shalt  }
0x70: {  	_ =	shalt  }
0x71: {  	_ =	shalt  }
0x72: {  	_ =	shalt  }
0x73: {  	_ =	shalt  }
0x74: {  	_ =	shalt  }
0x75: {  	_ =	shalt  }
0x76: {  	_ =	shalt  }
0x77: {  	_ =	shalt  }
0x78: {  	_ =	shalt  }
0x79: {  	_ =	shalt  }
0x7a: {  	_ =	shalt  }
0x7b: {  	_ =	shalt  }
0x7c: {  	_ =	shalt  }
0x7d: {  	_ =	shalt  }
0x7e: {  	_ =	shalt  }
0x7f: {  	_ =	shalt  }
0x80: {  	_ =	shalt  }
0x81: {  	_ =	shalt  }
0x82: {  	_ =	shalt  }
0x83: {  	_ =	shalt  }
0x84: {  	_ =	shalt  }
0x85: {  	_ =	shalt  }
0x86: {  	_ =	shalt  }
0x87: {  	_ =	shalt  }
.Lfunc_end0:
.L_simem_size_0:
called_computation_lowered:
.L_overlay_start_0:
0x88: {  	s2 =	sld [smem:$0x3FD9]  }
0x89: {  	s3 =	sld [smem:$0x3FFE];
	_ =	sdelay $0x1  }
0x8a: {  	s1 =	srdreg.scid  }
0x8b: {  	s0 =	sand.u32 $0x1, s1  }
0x8c: {  	s17 =	sshll.u32 s0, $0xA;
	s2 =	sadd.s32 s3, s2  }
0x8d: {  	s2 =	sadd.s32 s2, s17  }
0x8e: {  	[smem:$0x3FC2] =	sst s2  }
0x8f: {  	_ = 	snop  }
0x90: {  	s2 =	sld [smem:$0x3FC6]  }
0x91: {  	s18 =	sld [smem:$0x3FD0];
	(tm) =	ssettm $0x1  }
0x92: {  	s4 =	sld [smem:$0x3FFB];
	_ =	sdelay $0x3  }
0x93: {  	_ =	strace s4  }
0x94: {  	s4 =	sld [smem:$0x3FFC];
	_ =	sdelay $0x3  }
0x95: {  	_ =	strace s4  }
0x96: {  	s4 =	sld [smem:$0x3FFD];
	_ =	sdelay $0x3  }
0x97: {  	_ =	strace s4  }
0x98: {  	_ =	strace $0x8FFFFFFF  }
0x99: {  	s19 =	sld [smem:$0x3FDB];
	_ =	sdelay $0x1  }
0x9a: {  	s5 =	simm.s32 $_scs_section_size  }
0x9b: {  	s6 =	simm.s32 $_size__tile_overlayer_lowered;
	s7 =	simm.s32 $_tile_overlayer_lowered  }
0x9c: {  	s22 =	simm.s32 $0x1BFF;
	s21 =	sshll.u32 s7, $0x1;
	s4 =	sadd.s32 s5, s19  }
0x9d: {  	s8 =	simm.s32 $0x0;
	s20 =	sshll.u32 s6, $0x1;
	s6 =	sadd.s32 s21, s4  }
0x9e: {  	[timem:s8], [sflag:s22] =	dma.local [hbm:s6], s20  }
0x9f: {  	_ =	swait.ge [sflag:s22], s20  }
0xa0: {  	s5 =	ssub.s32 $0x0, s20;
	[sflag:s22] =	ssyncset.done $0x0  }
0xa1: {  	[sflag:s22] =	ssyncadd.s32 s5;
	_ =	sdelay $0x1  }
0xa2: {  	s23 =	simm.s32 $0x1B8B  }
0xa3: {  	_ =	swait.ge [sflag:s23], $0x1  }
0xa4: {  	[sflag:s23] =	ssyncset.done $0x0  }
0xa5: {  	s25 =	simm.s32 $0x1B8E;
	s24 =	sld [smem:$0x3FFE];
	[sflag:s23] =	ssyncadd.s32 $0xFFFFFFFF  }
0xa6: {  	s26 =	simm.s32 $execute0_lowered;
	[smem:$0x3FD2] =	sst s25  }
0xa7: {  	s6 =	sshll.u32 s26, $0x1;
	_ =	strace $0x80000046;
	[dreg:$0x1] =	wrdreg $0xFFFFFFFF  }
0xa8: {  	s28 =	simm.s32 $_size_execute0_lowered;
	s4 =	sadd.s32 s4, s6;
	[dreg:$0x0] =	wrdreg $0x0  }
0xa9: {  	s6 =	sshll.u32 s28, $0x1;
	[dreg:$0x2] =	wrdreg s4  }
0xaa: {  	[dreg:$0x3] =	wrdreg s6  }
0xab: {  	[dreg:$0x4] =	wrdreg $0xC0  }
0xac: {  	_ =	task [dreg:s8], $0x5FFFF  }
0xad: {  	[dreg:$0x1] =	wrdreg $0xFFFFFFFF  }
0xae: {  	[dreg:$0x0] =	wrdreg $0x60  }
0xaf: {  	[dreg:$0x2] =	wrdreg s24  }
0xb0: {  	[dreg:$0x3] =	wrdreg s2  }
0xb1: {  	[dreg:$0x4] =	wrdreg s18  }
0xb2: {  	[dreg:$0x5] =	wrdreg $0x9  }
0xb3: {  	_ =	task.clear_ibuf [dreg:s8], $0x6FFFF;
	_ =	strace $0x90000046  }
0xb4: {  	s29 =	simm.s32 $0x9;
	_ =	strace $0x80000048  }
0xb5: {  	_ =	swait.ge [sflag:s29], $0x1  }
0xb6: {  	[sflag:s29] =	ssyncadd.s32 $0xFFFFFFFF  }
0xb7: {  	_ =	strace $0x90000048  }
0xb8: {  	_ =	sfence  }
0xb9: {  	s30 =	sld [smem:$0x0];
	_ =	sdelay $0x2  }
0xba: {  	s31 =	sshll.u32 s1, $0xD;
	s1 =	sshrl.u32 s1, $0x2  }
0xbb: {  	s3 =	sand.u32 $0x4000, s31;
	s1 =	sadd.s32 s1, s30  }
0xbc: {  	s0 =	sor.u32 s3, s0;
	s1 =	sshll.u32 s1, $0x11  }
0xbd: {  	s0 =	sor.u32 s1, s0  }
0xbe: {  	s0 =	sadd.s32 $0x8F2B, s0  }
0xbf: {  	[sflag:s0] =	ssyncadd.remote.s32 $0x1  }
0xc0: {  	_ =	sfence.sel $0xFFFF  }
0xc1: {  	[dreg:$0x0] =	wrdreg $0xFFFFFFFF;
	(pc) =	sbr.abs _section_cstart, $3  }
0xc2: {  	[dreg:$0x1] =	wrdreg $0xFFFFFFFF  }
0xc3: {  	_ =	task.clear_ibuf [dreg:s8], $0x2FFFF;
	_ =	strace $0x9FFFFFFF  }
0xc4: {  	(tm) =	ssettm $0x7FFFFFFF  }
0xc5: {  	_ =	shalt  }
tec
execute0_lowered:
.L_overlay_start_1:
0x0: {  	(tag) =	ssettag $0x1  }
0x1: {  	s0 =	rddreg [dreg:$0x0]  }
0x2: {  	s1 =	srdreg.scid;
	s2 =	rddreg [dreg:$0x1]  }
0x3: {  	s3 =	stileid.u32;
	s8 =	rddreg [dreg:$0x2];
	s4 =	simm.s32 $0x0  }
0x4: {  	s30 =	simm.s32 $0x10A00;
	s31 =	simm.s32 $0x11200;
	s18 =	simm.s32 $0x12A00  }
0x5: {  	s19 =	simm.s32 $0x13200;
	s16 =	simm.s32 $0x8200;
	s17 =	simm.s32 $0x2  }
0x6: {  	s22 =	simm.s32 $0x0;
	s1 =	sand.u32 $0x1, s1;
	s3 =	sshll.u32 s3, $0x9  }
0x7: {  	[smem:$0x7FF] =	sst s4;
	s6 =	sadd.s32 $0x1000, s0;
	s9 =	sadd.s32 $0x100, s2  }
0x8: {  	s10 =	sadd.s32 $0x200, s2;
	s11 =	sadd.s32 $0x300, s2;
	s12 =	sadd.s32 $0x1100, s0  }
0x9: {  	s13 =	sadd.s32 $0x1200, s0;
	s5 =	sshll.u32 s1, $0x8;
	s1 =	ssub.s32 $0x2, s1  }
0xa: {  	s14 =	sadd.s32 $0x1300, s0;
	s5 =	sor.u32 s5, s3;
	s7 =	sshrl.u32 s1, $0x1  }
0xb: {  	_ =	strace $0x80000047;
	s3 =	sshrl.u32 s5, $0x3;
	s1 =	ssub.s32 s1, s7  }
.Ltmp0:
0xc: {  	s28 =	sshll.u32 s5, $0x7;
	s7 =	simm.s32 $0x13A00;
	(pc) =	sbr.rel .LBB2_1-.Ltmp0, $4  }
0xd: {  	s3 =	sadd.s32 s3, s0;
	s15 =	sadd.s32 s8, s28;
	s29 =	smax.u32 s1, $0x1  }
0xe: {  	v2 =	vlaneseq.u32;
	s1 =	simm.s32 $0x11A00;
	s26 =	sadd.s32 $0x800, s3;
	[dreg:$0x6] =	wrdreg s29  }
0xf: {  	vm0 =	vmmov $0xffff;
	v1 =	vshrl.u32 v2, $0x3;
	s0 =	simm.s32 $0x12200;
	s3 =	sadd.s32 $0xC00, s3;
	[dreg:$0x4] =	wrdreg s26  }
0x10: {  	v0 =	vand.u32 $0x7, v2;
	v2 =	vor.u32 $0x8, v2;
	v1 =	vmul.u32 $0x8, v1;
	s8 =	simm.s32 $0x1;
	[dreg:$0x5] =	wrdreg s3;
	s3 =	simm.s32 $0x14200  }
.LBB2_8:
0x11: {  	s20 =	simm.s32 $0x3  }
0x12: {  	_ =	swait.ge [sflag:s20], $0x4000  }
0x13: {  	[sflag:s20] =	ssyncset.done $0x0  }
0x14: {  	s21 =	simm.s32 $0x4;
	[sflag:s20] =	ssyncadd.s32 $0xFFFFC000  }
0x15: {  	_ =	swait.ge [sflag:s21], $0x4000  }
0x16: {  	s22 =	rddreg [dreg:$0x7]  }
0x17: {  	s29 =	rddreg [dreg:$0x6];
	s22 =	sadd.s32 $0x1, s22  }
0x18: {  	p0 =	sne.s32 s22, s29  }
.Ltmp1:
0x19: {  	_ = 	snop;
	(pc) =	sbr.rel @!p0 .LBB2_9-.Ltmp1, $3  }
0x1a: {  	_ =	sdelay $0x1  }
0x1b: {  	[sflag:s21] =	ssyncset.done $0x0  }
0x1c: {  	[sflag:s21] =	ssyncadd.s32 $0xFFFFC000  }
.LBB2_1:
0x1d: {  	[dreg:$0x7] =	wrdreg s22  }
0x1e: {  	s20 =	rddreg [dreg:$0x4];
	s21 =	simm.s32 $0x5  }
0x1f: {  	[tilespmem:s4], [sflag:$0x5] =	stream.linear.gather [hbm4b:s20+s4], $0x100, $0x38;
	[tilespmem:$0x18200] =	vst v63  }
0x20: {  	_ =	swait.ge [sflag:s21], $0x100  }
0x21: {  	[sflag:s21] =	ssyncset.done $0x0  }
0x22: {  	s28 =	simm.s32 $0x100;
	s26 =	rddreg [dreg:$0x5];
	[sflag:s21] =	ssyncadd.s32 $0xFFFFFF00  }
0x23: {  	[tilespmem:s28], [sflag:$0x5] =	stream.linear.gather [hbm4b:s26+s4], $0x100, $0x38;
	[tilespmem:$0x18200] =	vst v63  }
0x24: {  	_ =	swait.ge [sflag:s21], $0x100  }
0x25: {  	[sflag:s21] =	ssyncset.done $0x0  }
0x26: {  	[sflag:s21] =	ssyncadd.s32 $0xFFFFFF00  }
0x27: {  	v3 =	vld [tilespmem:$0x0];
	_ =	sdelay $0x4  }
0x28: {  	v4 =	vshll.u32 v3, $0x3  }
0x29: {  	v3 =	vand.u32 $0x7, v3;
	v4 =	vand.u32 $0xFFFFFFC0, v4  }
0x2a: {  	v3 =	vor.u32 v3, v4  }
0x2b: {  	v4 =	vperm.xlane v3, v0;
	_ =	sdelay $0x1  }
0x2c: {  	v4 =	vadd.s32 v1, v4;
	_ =	sdelay $0x3  }
0x2d: {  	s29 =	simm.s32 $0x200  }
0x2e: {  	[tilespmem:s29], [sflag:$0x1] =	stream.indirect_vreg.gather [hbm4b:s2+s4], $0x80, v4, vm0, $0xb8;
	[tilespmem:$0x18200] =	vst v63  }
0x2f: {  	s21 =	simm.s32 $0xA00;
	v3 =	vperm.xlane v3, v2  }
0x30: {  	[tilespmem:s21], [sflag:$0x1] =	stream.indirect_vreg.gather [hbm4b:s9+s4], $0x80, v4, vm0, $0xb8;
	[tilespmem:$0x18200] =	vst v63  }
0x31: {  	s22 =	simm.s32 $0x1200;
	v3 =	vadd.s32 v1, v3  }
0x32: {  	[tilespmem:s22], [sflag:$0x1] =	stream.indirect_vreg.gather [hbm4b:s10+s4], $0x80, v4, vm0, $0xb8;
	[tilespmem:$0x18200] =	vst v63  }
0x33: {  	s23 =	simm.s32 $0x1A00  }
0x34: {  	[tilespmem:s23], [sflag:$0x1] =	stream.indirect_vreg.gather [hbm4b:s11+s4], $0x80, v4, vm0, $0xb8;
	[tilespmem:$0x18200] =	vst v63  }
0x35: {  	s24 =	simm.s32 $0x2200  }
0x36: {  	[tilespmem:s24], [sflag:$0x1] =	stream.indirect_vreg.gather [hbm4b:s2+s4], $0x80, v3, vm0, $0xb8;
	[tilespmem:$0x18200] =	vst v63  }
0x37: {  	s25 =	simm.s32 $0x2A00  }
0x38: {  	[tilespmem:s25], [sflag:$0x1] =	stream.indirect_vreg.gather [hbm4b:s9+s4], $0x80, v3, vm0, $0xb8;
	[tilespmem:$0x18200] =	vst v63  }
0x39: {  	s26 =	simm.s32 $0x3200  }
0x3a: {  	[tilespmem:s26], [sflag:$0x1] =	stream.indirect_vreg.gather [hbm4b:s10+s4], $0x80, v3, vm0, $0xb8;
	[tilespmem:$0x18200] =	vst v63  }
0x3b: {  	s28 =	simm.s32 $0x3A00  }
0x3c: {  	[tilespmem:s28], [sflag:$0x1] =	stream.indirect_vreg.gather [hbm4b:s11+s4], $0x80, v3, vm0, $0xb8;
	[tilespmem:$0x18200] =	vst v63  }
0x3d: {  	v3 =	vld [tilespmem:$0x100];
	_ =	sdelay $0x4  }
0x3e: {  	v61 =	vshll.u32 v3, $0x3  }
0x3f: {  	v3 =	vand.u32 $0x7, v3;
	v4 =	vand.u32 $0xFFFFFFC0, v61  }
0x40: {  	v3 =	vor.u32 v3, v4  }
0x41: {  	v4 =	vperm.xlane v3, v0;
	_ =	sdelay $0x1  }
0x42: {  	v4 =	vadd.s32 v1, v4;
	_ =	sdelay $0x3  }
0x43: {  	s29 =	simm.s32 $0x4200  }
0x44: {  	[tilespmem:s29], [sflag:$0x1] =	stream.indirect_vreg.gather [hbm4b:s6+s4], $0x80, v4, vm0, $0xb8;
	[tilespmem:$0x18200] =	vst v63  }
0x45: {  	s21 =	simm.s32 $0x4A00;
	v3 =	vperm.xlane v3, v2  }
0x46: {  	[tilespmem:s21], [sflag:$0x1] =	stream.indirect_vreg.gather [hbm4b:s12+s4], $0x80, v4, vm0, $0xb8;
	[tilespmem:$0x18200] =	vst v63  }
0x47: {  	s22 =	simm.s32 $0x5200;
	v3 =	vadd.s32 v1, v3  }
0x48: {  	[tilespmem:s22], [sflag:$0x1] =	stream.indirect_vreg.gather [hbm4b:s13+s4], $0x80, v4, vm0, $0xb8;
	[tilespmem:$0x18200] =	vst v63  }
0x49: {  	s23 =	simm.s32 $0x5A00  }
0x4a: {  	[tilespmem:s23], [sflag:$0x1] =	stream.indirect_vreg.gather [hbm4b:s14+s4], $0x80, v4, vm0, $0xb8;
	[tilespmem:$0x18200] =	vst v63  }
0x4b: {  	s24 =	simm.s32 $0x6200  }
0x4c: {  	[tilespmem:s24], [sflag:$0x1] =	stream.indirect_vreg.gather [hbm4b:s6+s4], $0x80, v3, vm0, $0xb8;
	[tilespmem:$0x18200] =	vst v63  }
0x4d: {  	s25 =	simm.s32 $0x6A00  }
0x4e: {  	[tilespmem:s25], [sflag:$0x1] =	stream.indirect_vreg.gather [hbm4b:s12+s4], $0x80, v3, vm0, $0xb8;
	[tilespmem:$0x18200] =	vst v63  }
0x4f: {  	s26 =	simm.s32 $0x7200  }
0x50: {  	[tilespmem:s26], [sflag:$0x1] =	stream.indirect_vreg.gather [hbm4b:s13+s4], $0x80, v3, vm0, $0xb8;
	[tilespmem:$0x18200] =	vst v63  }
0x51: {  	s28 =	simm.s32 $0x7A00  }
0x52: {  	[tilespmem:s28], [sflag:$0x1] =	stream.indirect_vreg.gather [hbm4b:s14+s4], $0x80, v3, vm0, $0xb8;
	[tilespmem:$0x18200] =	vst v63  }
0x53: {  	v3 =	vld [tilespmem:$0x10];
	_ =	sdelay $0x4  }
0x54: {  	v62 =	vshll.u32 v3, $0x3  }
0x55: {  	v3 =	vand.u32 $0x7, v3;
	v4 =	vand.u32 $0xFFFFFFC0, v62  }
0x56: {  	v3 =	vor.u32 v3, v4  }
0x57: {  	v4 =	vperm.xlane v3, v0;
	_ =	sdelay $0x1  }
0x58: {  	v4 =	vadd.s32 v1, v4;
	_ =	sdelay $0x3  }
0x59: {  	s29 =	simm.s32 $0xC200  }
0x5a: {  	[tilespmem:s29], [sflag:$0x2] =	stream.indirect_vreg.gather [hbm4b:s2+s4], $0x80, v4, vm0, $0xb8;
	[tilespmem:$0x18200] =	vst v63  }
0x5b: {  	s21 =	simm.s32 $0xCA00;
	v3 =	vperm.xlane v3, v2  }
0x5c: {  	[tilespmem:s21], [sflag:$0x2] =	stream.indirect_vreg.gather [hbm4b:s9+s4], $0x80, v4, vm0, $0xb8;
	[tilespmem:$0x18200] =	vst v63  }
0x5d: {  	s22 =	simm.s32 $0xD200;
	v3 =	vadd.s32 v1, v3  }
0x5e: {  	[tilespmem:s22], [sflag:$0x2] =	stream.indirect_vreg.gather [hbm4b:s10+s4], $0x80, v4, vm0, $0xb8;
	[tilespmem:$0x18200] =	vst v63  }
0x5f: {  	s23 =	simm.s32 $0xDA00  }
0x60: {  	[tilespmem:s23], [sflag:$0x2] =	stream.indirect_vreg.gather [hbm4b:s11+s4], $0x80, v4, vm0, $0xb8;
	[tilespmem:$0x18200] =	vst v63  }
0x61: {  	s24 =	simm.s32 $0xE200  }
0x62: {  	[tilespmem:s24], [sflag:$0x2] =	stream.indirect_vreg.gather [hbm4b:s2+s4], $0x80, v3, vm0, $0xb8;
	[tilespmem:$0x18200] =	vst v63  }
0x63: {  	s25 =	simm.s32 $0xEA00  }
0x64: {  	[tilespmem:s25], [sflag:$0x2] =	stream.indirect_vreg.gather [hbm4b:s9+s4], $0x80, v3, vm0, $0xb8;
	[tilespmem:$0x18200] =	vst v63  }
0x65: {  	s26 =	simm.s32 $0xF200  }
0x66: {  	[tilespmem:s26], [sflag:$0x2] =	stream.indirect_vreg.gather [hbm4b:s10+s4], $0x80, v3, vm0, $0xb8;
	[tilespmem:$0x18200] =	vst v63  }
0x67: {  	s28 =	simm.s32 $0xFA00  }
0x68: {  	[tilespmem:s28], [sflag:$0x2] =	stream.indirect_vreg.gather [hbm4b:s11+s4], $0x80, v3, vm0, $0xb8;
	[tilespmem:$0x18200] =	vst v63  }
0x69: {  	v3 =	vld [tilespmem:$0x110];
	_ =	sdelay $0x4  }
0x6a: {  	v63 =	vshll.u32 v3, $0x3  }
0x6b: {  	v3 =	vand.u32 $0x7, v3;
	v4 =	vand.u32 $0xFFFFFFC0, v63  }
0x6c: {  	v3 =	vor.u32 v3, v4  }
0x6d: {  	v4 =	vperm.xlane v3, v0;
	_ =	sdelay $0x1  }
0x6e: {  	v4 =	vadd.s32 v1, v4;
	_ =	sdelay $0x3  }
0x6f: {  	s29 =	simm.s32 $0x10200  }
0x70: {  	[tilespmem:s29], [sflag:$0x2] =	stream.indirect_vreg.gather [hbm4b:s6+s4], $0x80, v4, vm0, $0xb8;
	[tilespmem:$0x18200] =	vst v63  }
0x71: {  	v3 =	vperm.xlane v3, v2  }
0x72: {  	[tilespmem:s30], [sflag:$0x2] =	stream.indirect_vreg.gather [hbm4b:s12+s4], $0x80, v4, vm0, $0xb8;
	[tilespmem:$0x18200] =	vst v63  }
0x73: {  	v3 =	vadd.s32 v1, v3  }
0x74: {  	[tilespmem:s31], [sflag:$0x2] =	stream.indirect_vreg.gather [hbm4b:s13+s4], $0x80, v4, vm0, $0xb8;
	[tilespmem:$0x18200] =	vst v63  }
0x75: {  	_ = 	snop  }
0x76: {  	[tilespmem:s1], [sflag:$0x2] =	stream.indirect_vreg.gather [hbm4b:s14+s4], $0x80, v4, vm0, $0xb8;
	[tilespmem:$0x18200] =	vst v63  }
0x77: {  	_ = 	snop  }
0x78: {  	[tilespmem:s0], [sflag:$0x2] =	stream.indirect_vreg.gather [hbm4b:s6+s4], $0x80, v3, vm0, $0xb8;
	[tilespmem:$0x18200] =	vst v63  }
0x79: {  	_ = 	snop  }
0x7a: {  	[tilespmem:s18], [sflag:$0x2] =	stream.indirect_vreg.gather [hbm4b:s12+s4], $0x80, v3, vm0, $0xb8;
	[tilespmem:$0x18200] =	vst v63  }
0x7b: {  	_ = 	snop  }
0x7c: {  	[tilespmem:s19], [sflag:$0x2] =	stream.indirect_vreg.gather [hbm4b:s13+s4], $0x80, v3, vm0, $0xb8;
	[tilespmem:$0x18200] =	vst v63  }
0x7d: {  	s20 =	simm.s32 $0x0  }
0x7e: {  	[tilespmem:s7], [sflag:$0x2] =	stream.indirect_vreg.gather [hbm4b:s14+s4], $0x80, v3, vm0, $0xb8;
	[tilespmem:$0x18200] =	vst v63  }
.LBB2_2:
0x7f: {  	_ =	swait.ge [sflag:s8], $0x4000  }
0x80: {  	[sflag:s8] =	ssyncset.done $0x0  }
0x81: {  	[sflag:s8] =	ssyncadd.s32 $0xFFFFC000  }
0x82: {  	_ =	swait.ge [sflag:s8], $0x4000  }
0x83: {  	p0 =	seq.s32 s20, $0x0;
	[sflag:s8] =	ssyncset.done $0x0  }
0x84: {  	s22 =	simm.s32 @!p0 $0x3;
	[sflag:s8] =	ssyncadd.s32 $0xFFFFC000  }
0x85: {  	s21 =	sshll.u32 s20, $0x5;
	_ =	swait.ge @!p0 [sflag:s22], $0x4000  }
0x86: {  	s23 =	simm.s32 $0xFFFFC000;
	s24 =	simm.s32 $0x0;
	[sflag:s22] =	ssyncset.done @!p0 $0x0  }
0x87: {  	s25 =	simm.s32 $0x0;
	[sflag:s22] =	ssyncadd.s32 @!p0 $0xFFFFC000;
	s22 =	simm.s32 $0x0  }
.LBB2_3:
0x88: {  	s26 =	sadd.s32 $0x4000, s23  }
0x89: {  	s28 =	sand.u32 $0x380, s25;
	s26 =	sand.u32 $0x2000, s26  }
0x8a: {  	s26 =	sor.u32 s28, s26  }
0x8b: {  	v3 =	vld [tilespmem:s26+$0x200]  }
0x8c: {  	v4 =	vld [tilespmem:s26+$0x4200]  }
0x8d: {  	v5 =	vld [tilespmem:s26+$0x210]  }
0x8e: {  	v6 =	vld [tilespmem:s26+$0x4210]  }
0x8f: {  	v7 =	vld [tilespmem:s26+$0x220]  }
0x90: {  	v8 =	vld [tilespmem:s26+$0x4220]  }
0x91: {  	v9 =	vld [tilespmem:s26+$0x230]  }
0x92: {  	v10 =	vld [tilespmem:s26+$0x4230]  }
0x93: {  	v11 =	vld [tilespmem:s26+$0x240]  }
0x94: {  	v12 =	vld [tilespmem:s26+$0x4240]  }
0x95: {  	v13 =	vld [tilespmem:s26+$0x250]  }
0x96: {  	v14 =	vld [tilespmem:s26+$0x4250]  }
0x97: {  	v15 =	vld [tilespmem:s26+$0x260]  }
0x98: {  	v16 =	vld [tilespmem:s26+$0x4260]  }
0x99: {  	v17 =	vld [tilespmem:s26+$0x270]  }
0x9a: {  	v18 =	vld [tilespmem:s26+$0x4270]  }
0x9b: {  	v19 =	vld [tilespmem:s26+$0x600]  }
0x9c: {  	v20 =	vld [tilespmem:s26+$0x4600]  }
0x9d: {  	v21 =	vld [tilespmem:s26+$0x610]  }
0x9e: {  	v22 =	vld [tilespmem:s26+$0x4610]  }
0x9f: {  	v23 =	vld [tilespmem:s26+$0x620]  }
0xa0: {  	v24 =	vld [tilespmem:s26+$0x4620]  }
0xa1: {  	v25 =	vld [tilespmem:s26+$0x630]  }
0xa2: {  	v26 =	vld [tilespmem:s26+$0x4630]  }
0xa3: {  	v27 =	vld [tilespmem:s26+$0x640]  }
0xa4: {  	v28 =	vld [tilespmem:s26+$0x4640]  }
0xa5: {  	v29 =	vld [tilespmem:s26+$0x650]  }
0xa6: {  	v30 =	vld [tilespmem:s26+$0x4650]  }
0xa7: {  	v31 =	vld [tilespmem:s26+$0x660]  }
0xa8: {  	v32 =	vld [tilespmem:s26+$0x4660]  }
0xa9: {  	v33 =	vld [tilespmem:s26+$0x670]  }
0xaa: {  	v34 =	vld [tilespmem:s26+$0x4670]  }
0xab: {  	v35 =	vld [tilespmem:s26+$0xA00]  }
0xac: {  	v36 =	vld [tilespmem:s26+$0x4A00]  }
0xad: {  	v37 =	vld [tilespmem:s26+$0xA10]  }
0xae: {  	v38 =	vld [tilespmem:s26+$0x4A10]  }
0xaf: {  	v39 =	vld [tilespmem:s26+$0xA20]  }
0xb0: {  	v40 =	vld [tilespmem:s26+$0x4A20]  }
0xb1: {  	v41 =	vld [tilespmem:s26+$0xA30]  }
0xb2: {  	v42 =	vld [tilespmem:s26+$0x4A30]  }
0xb3: {  	v43 =	vld [tilespmem:s26+$0xA40]  }
0xb4: {  	v44 =	vld [tilespmem:s26+$0x4A40]  }
0xb5: {  	v45 =	vld [tilespmem:s26+$0xA50]  }
0xb6: {  	v46 =	vld [tilespmem:s26+$0x4A50]  }
0xb7: {  	v47 =	vld [tilespmem:s26+$0xA60]  }
0xb8: {  	v48 =	vld [tilespmem:s26+$0x4A60]  }
0xb9: {  	v49 =	vld [tilespmem:s26+$0xA70]  }
0xba: {  	v50 =	vld [tilespmem:s26+$0x4A70]  }
0xbb: {  	v51 =	vld [tilespmem:s26+$0xE00]  }
0xbc: {  	v52 =	vld [tilespmem:s26+$0x4E00]  }
0xbd: {  	v53 =	vld [tilespmem:s26+$0xE10]  }
0xbe: {  	v54 =	vld [tilespmem:s26+$0x4E10]  }
0xbf: {  	v55 =	vld [tilespmem:s26+$0xE20]  }
0xc0: {  	v56 =	vld [tilespmem:s26+$0x4E20]  }
0xc1: {  	v57 =	vld [tilespmem:s26+$0xE30]  }
0xc2: {  	v58 =	vld [tilespmem:s26+$0x4E30]  }
0xc3: {  	v59 =	vld [tilespmem:s26+$0xE40]  }
0xc4: {  	v60 =	vld [tilespmem:s26+$0x4E40]  }
0xc5: {  	v61 =	vld [tilespmem:s26+$0xE50]  }
0xc6: {  	v62 =	vld [tilespmem:s26+$0x4E50]  }
0xc7: {  	v63 =	vld [tilespmem:s26+$0xE60]  }
0xc8: {  	v3 =	vadd.f32 v4, v3;
	v4 =	vld [tilespmem:s26+$0x4E60]  }
0xc9: {  	v5 =	vadd.f32 v6, v5;
	v6 =	vld [tilespmem:s26+$0xE70]  }
0xca: {  	v7 =	vadd.f32 v8, v7;
	v8 =	vld [tilespmem:s26+$0x4E70];
	v22 =	vadd.f32 v22, v21;
	v3 =	vmul.f32 $3.200000000e+01, v3  }
0xcb: {  	v9 =	vadd.f32 v10, v9;
	v10 =	vld [tilespmem:s26+$0x1200];
	v16 =	vadd.f32 v16, v15;
	v5 =	vmul.f32 $3.200000000e+01, v5  }
0xcc: {  	v15 =	vld [tilespmem:s26+$0x5220];
	v23 =	vadd.f32 v24, v23;
	v26 =	vadd.f32 v26, v25;
	v24 =	vmul.f32 $3.200000000e+01, v22;
	[tilespmem:s26+$0x8200] =	vst v3  }
0xcd: {  	v18 =	vadd.f32 v18, v17;
	v17 =	vld [tilespmem:s26+$0x5230];
	v3 =	vmul.f32 $3.200000000e+01, v7;
	v7 =	vadd.f32 v12, v11;
	[tilespmem:s26+$0x8210] =	vst v5  }
0xce: {  	v27 =	vadd.f32 v28, v27;
	v30 =	vadd.f32 v30, v29;
	v21 =	vld [tilespmem:s26+$0x5250];
	v28 =	vmul.f32 $3.200000000e+01, v26;
	[tilespmem:s26+$0x8610] =	vst v24  }
0xcf: {  	v25 =	vld [tilespmem:s26+$0x5270];
	[tilespmem:s26+$0x8220] =	vst v3;
	v3 =	vmul.f32 $3.200000000e+01, v7  }
0xd0: {  	v31 =	vadd.f32 v32, v31;
	v34 =	vadd.f32 v34, v33;
	v29 =	vld [tilespmem:s26+$0x5610];
	v32 =	vmul.f32 $3.200000000e+01, v30;
	[tilespmem:s26+$0x8630] =	vst v28  }
0xd1: {  	v35 =	vadd.f32 v36, v35;
	v33 =	vld [tilespmem:s26+$0x5630];
	v7 =	vadd.f32 v20, v19;
	[tilespmem:s26+$0x8240] =	vst v3;
	v3 =	vmul.f32 $3.200000000e+01, v16  }
0xd2: {  	v38 =	vadd.f32 v38, v37;
	v42 =	vadd.f32 v42, v41;
	v41 =	vld [tilespmem:s26+$0x5650];
	v36 =	vmul.f32 $3.200000000e+01, v34;
	[tilespmem:s26+$0x8650] =	vst v32  }
0xd3: {  	v46 =	vadd.f32 v46, v45;
	v45 =	vld [tilespmem:s26+$0x5660];
	[tilespmem:s26+$0x8260] =	vst v3;
	v3 =	vmul.f32 $3.200000000e+01, v7  }
0xd4: {  	v39 =	vadd.f32 v40, v39;
	v54 =	vadd.f32 v54, v53;
	v53 =	vld [tilespmem:s26+$0x1A00];
	v40 =	vmul.f32 $3.200000000e+01, v38;
	[tilespmem:s26+$0x8670] =	vst v36  }
0xd5: {  	v22 =	vld [tilespmem:s26+$0x1260];
	[tilespmem:s26+$0x8600] =	vst v3;
	v3 =	vmul.f32 $3.200000000e+01, v23  }
0xd6: {  	v43 =	vadd.f32 v44, v43;
	v26 =	vld [tilespmem:s26+$0x1600];
	v44 =	vmul.f32 $3.200000000e+01, v42;
	[tilespmem:s26+$0x8A10] =	vst v40  }
0xd7: {  	v50 =	vadd.f32 v50, v49;
	v30 =	vld [tilespmem:s26+$0x1620];
	[tilespmem:s26+$0x8620] =	vst v3;
	v3 =	vmul.f32 $3.200000000e+01, v27  }
0xd8: {  	v47 =	vadd.f32 v48, v47;
	v58 =	vadd.f32 v58, v57;
	v48 =	vmul.f32 $3.200000000e+01, v46;
	v34 =	vld [tilespmem:s26+$0x1640];
	[tilespmem:s26+$0x8A30] =	vst v44  }
0xd9: {  	v51 =	vadd.f32 v52, v51;
	v52 =	vmul.f32 $3.200000000e+01, v50;
	v50 =	vld [tilespmem:s26+$0x5670];
	[tilespmem:s26+$0x8640] =	vst v3;
	v3 =	vmul.f32 $3.200000000e+01, v31  }
0xda: {  	v59 =	vadd.f32 v60, v59;
	v60 =	vmul.f32 $3.200000000e+01, v58;
	v58 =	vld [tilespmem:s26+$0x1A10];
	[tilespmem:s26+$0x8A50] =	vst v48  }
0xdb: {  	v11 =	vld [tilespmem:s26+$0x5200];
	[tilespmem:s26+$0x8660] =	vst v3;
	v3 =	vmul.f32 $3.200000000e+01, v35  }
0xdc: {  	v55 =	vadd.f32 v56, v55;
	v56 =	vmul.f32 $3.200000000e+01, v54;
	v12 =	vld [tilespmem:s26+$0x1210];
	[tilespmem:s26+$0x8A70] =	vst v52  }
0xdd: {  	v5 =	vmul.f32 $3.200000000e+01, v9;
	v9 =	vadd.f32 v14, v13;
	v13 =	vld [tilespmem:s26+$0x5210];
	[tilespmem:s26+$0x8A00] =	vst v3;
	v3 =	vmul.f32 $3.200000000e+01, v39  }
0xde: {  	v62 =	vadd.f32 v62, v61;
	v14 =	vld [tilespmem:s26+$0x1220];
	[tilespmem:s26+$0x8E10] =	vst v56  }
0xdf: {  	v24 =	vld [tilespmem:s26+$0x1270];
	[tilespmem:s26+$0x8A20] =	vst v3;
	v3 =	vmul.f32 $3.200000000e+01, v43  }
0xe0: {  	v42 =	vmul.f32 $3.200000000e+01, v62;
	v28 =	vld [tilespmem:s26+$0x1610];
	[tilespmem:s26+$0x8E30] =	vst v60  }
0xe1: {  	v32 =	vld [tilespmem:s26+$0x1630];
	[tilespmem:s26+$0x8A40] =	vst v3;
	v3 =	vmul.f32 $3.200000000e+01, v47  }
0xe2: {  	v40 =	vld [tilespmem:s26+$0x1650];
	[tilespmem:s26+$0x8E50] =	vst v42  }
0xe3: {  	v48 =	vld [tilespmem:s26+$0x1670];
	[tilespmem:s26+$0x8A60] =	vst v3;
	v3 =	vmul.f32 $3.200000000e+01, v51  }
0xe4: {  	v60 =	vld [tilespmem:s26+$0x5A10];
	[tilespmem:s26+$0x8230] =	vst v5;
	v5 =	vmul.f32 $3.200000000e+01, v9  }
0xe5: {  	v4 =	vadd.f32 v4, v63;
	v63 =	vld [tilespmem:s26+$0x1A20];
	[tilespmem:s26+$0x8E00] =	vst v3;
	v3 =	vmul.f32 $3.200000000e+01, v55  }
0xe6: {  	v6 =	vadd.f32 v8, v6;
	v20 =	vmul.f32 $3.200000000e+01, v18;
	v18 =	vld [tilespmem:s26+$0x1240];
	[tilespmem:s26+$0x8250] =	vst v5  }
0xe7: {  	v16 =	vld [tilespmem:s26+$0x1230];
	[tilespmem:s26+$0x8E20] =	vst v3;
	v3 =	vmul.f32 $3.200000000e+01, v59  }
0xe8: {  	v19 =	vld [tilespmem:s26+$0x5240];
	v46 =	vmul.f32 $3.200000000e+01, v6;
	[tilespmem:s26+$0x8270] =	vst v20;
	v32 =	vadd.f32 v33, v32  }
0xe9: {  	v20 =	vld [tilespmem:s26+$0x1250];
	v44 =	vadd.f32 v11, v10;
	[tilespmem:s26+$0x8E40] =	vst v3;
	v3 =	vmul.f32 $3.200000000e+01, v4  }
0xea: {  	[tilespmem:s26+$0x8E70] =	vst v46;
	v38 =	vadd.f32 v41, v40;
	v37 =	vmul.f32 $3.200000000e+01, v32;
	v23 =	vld [tilespmem:s26+$0x5260]  }
0xeb: {  	v49 =	vadd.f32 v15, v14;
	v27 =	vld [tilespmem:s26+$0x5600];
	[tilespmem:s26+$0x8E60] =	vst v3;
	v3 =	vmul.f32 $3.200000000e+01, v44  }
0xec: {  	v42 =	vmul.f32 $3.200000000e+01, v38;
	v52 =	vadd.f32 v17, v16;
	[tilespmem:s26+$0x9630] =	vst v37;
	v31 =	vld [tilespmem:s26+$0x5620]  }
0xed: {  	v62 =	vadd.f32 v25, v24;
	v25 =	vld [tilespmem:s26+$0x5A20];
	v54 =	vadd.f32 v19, v18;
	[tilespmem:s26+$0x9200] =	vst v3;
	v3 =	vmul.f32 $3.200000000e+01, v49  }
0xee: {  	v33 =	vld [tilespmem:s26+$0x1A40];
	v57 =	vadd.f32 v21, v20;
	[tilespmem:s26+$0x9650] =	vst v42;
	v56 =	vmul.f32 $3.200000000e+01, v52  }
0xef: {  	v35 =	vld [tilespmem:s26+$0x5640];
	v59 =	vadd.f32 v23, v22;
	[tilespmem:s26+$0x9220] =	vst v3;
	v3 =	vmul.f32 $3.200000000e+01, v54  }
0xf0: {  	v61 =	vmul.f32 $3.200000000e+01, v57;
	[tilespmem:s26+$0x9230] =	vst v56;
	v24 =	vadd.f32 v27, v26;
	v27 =	vadd.f32 v29, v28;
	v28 =	vld [tilespmem:s26+$0x1A30]  }
0xf1: {  	v29 =	vadd.f32 v31, v30;
	v30 =	vld [tilespmem:s26+$0x5A30];
	[tilespmem:s26+$0x9240] =	vst v3;
	v3 =	vmul.f32 $3.200000000e+01, v59  }
0xf2: {  	[tilespmem:s26+$0x9250] =	vst v61;
	v26 =	vmul.f32 $3.200000000e+01, v62;
	v43 =	vld [tilespmem:s26+$0x1660]  }
0xf3: {  	v41 =	vld [tilespmem:s26+$0x5A50];
	[tilespmem:s26+$0x9260] =	vst v3;
	v3 =	vmul.f32 $3.200000000e+01, v24  }
0xf4: {  	[tilespmem:s26+$0x9270] =	vst v26;
	v31 =	vmul.f32 $3.200000000e+01, v27;
	v47 =	vadd.f32 v13, v12;
	v55 =	vld [tilespmem:s26+$0x5A00]  }
0xf5: {  	v46 =	vld [tilespmem:s26+$0x5A60];
	v34 =	vadd.f32 v35, v34;
	[tilespmem:s26+$0x9600] =	vst v3;
	v3 =	vmul.f32 $3.200000000e+01, v29  }
0xf6: {  	v39 =	vld [tilespmem:s26+$0x1A50];
	[tilespmem:s26+$0x9610] =	vst v31;
	v51 =	vmul.f32 $3.200000000e+01, v47;
	v52 =	vadd.f32 v30, v28  }
0xf7: {  	v35 =	vld [tilespmem:s26+$0x5A40];
	v40 =	vadd.f32 v45, v43;
	[tilespmem:s26+$0x9620] =	vst v3;
	v3 =	vmul.f32 $3.200000000e+01, v34  }
0xf8: {  	v43 =	vadd.f32 v50, v48;
	[tilespmem:s26+$0x9210] =	vst v51;
	v51 =	vld [tilespmem:s26+$0x5A70];
	v5 =	vmul.f32 $3.200000000e+01, v52  }
0xf9: {  	v45 =	vadd.f32 v55, v53;
	v49 =	vld [tilespmem:s26+$0x1A70];
	[tilespmem:s26+$0x9640] =	vst v3;
	v3 =	vmul.f32 $3.200000000e+01, v40  }
0xfa: {  	v48 =	vadd.f32 v60, v58;
	v47 =	vmul.f32 $3.200000000e+01, v43;
	[tilespmem:s26+$0x9A30] =	vst v5;
	v44 =	vld [tilespmem:s26+$0x1A60]  }
0xfb: {  	v50 =	vadd.f32 v25, v63;
	[tilespmem:s26+$0x9660] =	vst v3;
	v3 =	vmul.f32 $3.200000000e+01, v45  }
0xfc: {  	v6 =	vmul.f32 $3.200000000e+01, v48;
	[tilespmem:s26+$0x9670] =	vst v47;
	v53 =	vadd.f32 v41, v39  }
0xfd: {  	v4 =	vmul.f32 $3.200000000e+01, v50;
	[tilespmem:s26+$0x9A00] =	vst v3;
	v3 =	vadd.f32 v35, v33  }
0xfe: {  	[tilespmem:s26+$0x9A10] =	vst v6;
	v6 =	vmul.f32 $3.200000000e+01, v53;
	v55 =	vadd.f32 v51, v49  }
0xff: {  	[tilespmem:s26+$0x9A20] =	vst v4;
	v54 =	vadd.f32 v46, v44;
	v3 =	vmul.f32 $3.200000000e+01, v3  }
0x100: {  	s29 =	sand.u32 $0x7, s22;
	[tilespmem:s26+$0x9A50] =	vst v6;
	v56 =	vmul.f32 $3.200000000e+01, v55  }
0x101: {  	s28 =	sshll.u32 s29, $0x7;
	[tilespmem:s26+$0x9A40] =	vst v3;
	v3 =	vmul.f32 $3.200000000e+01, v54  }
0x102: {  	s28 =	sadd.s32 s28, s24;
	[tilespmem:s26+$0x9A70] =	vst v56  }
0x103: {  	s29 =	sor.u32 $0x1C00, s28;
	[tilespmem:s26+$0x9A60] =	vst v3  }
0x104: {  	v3 =	vld [tilespmem:s29+$0x200]  }
0x105: {  	v4 =	vld [tilespmem:s29+$0x4200];
	_ =	sdelay $0x4  }
0x106: {  	v3 =	vadd.f32 v4, v3;
	_ =	sdelay $0x1  }
0x107: {  	v3 =	vmul.f32 $3.200000000e+01, v3;
	_ =	sdelay $0x1  }
0x108: {  	[tilespmem:s29+$0x8200] =	vst v3;
	s29 =	sor.u32 $0x1C10, s28  }
0x109: {  	v3 =	vld [tilespmem:s29+$0x200]  }
0x10a: {  	v57 =	vld [tilespmem:s29+$0x4200];
	_ =	sdelay $0x4  }
0x10b: {  	v3 =	vadd.f32 v57, v3;
	_ =	sdelay $0x1  }
0x10c: {  	v3 =	vmul.f32 $3.200000000e+01, v3;
	_ =	sdelay $0x1  }
0x10d: {  	[tilespmem:s29+$0x8200] =	vst v3;
	s29 =	sor.u32 $0x1C20, s28  }
0x10e: {  	v3 =	vld [tilespmem:s29+$0x200]  }
0x10f: {  	v58 =	vld [tilespmem:s29+$0x4200];
	_ =	sdelay $0x4  }
0x110: {  	v3 =	vadd.f32 v58, v3;
	_ =	sdelay $0x1  }
0x111: {  	v3 =	vmul.f32 $3.200000000e+01, v3;
	_ =	sdelay $0x1  }
0x112: {  	[tilespmem:s29+$0x8200] =	vst v3;
	s29 =	sor.u32 $0x1C30, s28  }
0x113: {  	v3 =	vld [tilespmem:s29+$0x200]  }
0x114: {  	v59 =	vld [tilespmem:s29+$0x4200];
	_ =	sdelay $0x4  }
0x115: {  	v3 =	vadd.f32 v59, v3;
	_ =	sdelay $0x1  }
0x116: {  	v3 =	vmul.f32 $3.200000000e+01, v3;
	_ =	sdelay $0x1  }
0x117: {  	[tilespmem:s29+$0x8200] =	vst v3;
	s29 =	sor.u32 $0x1C40, s28  }
0x118: {  	v3 =	vld [tilespmem:s29+$0x200]  }
0x119: {  	v60 =	vld [tilespmem:s29+$0x4200];
	_ =	sdelay $0x4  }
0x11a: {  	v3 =	vadd.f32 v60, v3;
	_ =	sdelay $0x1  }
0x11b: {  	v3 =	vmul.f32 $3.200000000e+01, v3;
	_ =	sdelay $0x1  }
0x11c: {  	[tilespmem:s29+$0x8200] =	vst v3;
	s29 =	sor.u32 $0x1C50, s28  }
0x11d: {  	v3 =	vld [tilespmem:s29+$0x200]  }
0x11e: {  	v61 =	vld [tilespmem:s29+$0x4200];
	_ =	sdelay $0x4  }
0x11f: {  	v3 =	vadd.f32 v61, v3;
	_ =	sdelay $0x1  }
0x120: {  	v3 =	vmul.f32 $3.200000000e+01, v3;
	_ =	sdelay $0x1  }
0x121: {  	[tilespmem:s29+$0x8200] =	vst v3;
	s29 =	sor.u32 $0x1C60, s28  }
0x122: {  	v3 =	vld [tilespmem:s29+$0x200]  }
0x123: {  	v62 =	vld [tilespmem:s29+$0x4200];
	_ =	sdelay $0x4  }
0x124: {  	v3 =	vadd.f32 v62, v3;
	_ =	sdelay $0x1  }
0x125: {  	v3 =	vmul.f32 $3.200000000e+01, v3;
	_ =	sdelay $0x1  }
0x126: {  	[tilespmem:s29+$0x8200] =	vst v3;
	s29 =	sor.u32 $0x1C70, s28  }
0x127: {  	v3 =	vld [tilespmem:s29+$0x200]  }
0x128: {  	v63 =	vld [tilespmem:s29+$0x4200];
	_ =	sdelay $0x3  }
0x129: {  	p1 =	sne.s32 s25, $0x780  }
.Ltmp2:
0x12a: {  	v3 =	vadd.f32 v63, v3;
	(pc) =	sbr.rel @p1 .LBB2_3-.Ltmp2, $4  }
0x12b: {  	_ = 	snop  }
0x12c: {  	v3 =	vmul.f32 $3.200000000e+01, v3  }
0x12d: {  	s22 =	sadd.s32 $0x1, s22  }
0x12e: {  	s23 =	sadd.s32 $0x400, s23;
	s25 =	sadd.s32 $0x80, s25;
	s24 =	sadd.s32 $0x400, s24;
	[tilespmem:s29+$0x8200] =	vst v3  }
0x12f: {  	s22 =	sshll.u32 s20, $0xC  }
0x130: {  	p1 =	seq.s32 s20, $0x7;
	s22 =	sadd.s32 s22, s15  }
0x131: {  	[hbm4b:s22+s4] =	stream.linear.scatter [tilespmem:s16], [sflag:$0x3], $0x4000, $0x38;
	[tilespmem:$0x18200] =	vst v63  }
0x132: {  	v3 =	vld @!p1 [tilespmem:s21+$0x20];
	_ =	sdelay $0x4  }
0x133: {  	v4 =	vshll.u32 @!p1 v3, $0x3  }
0x134: {  	v5 =	vlaneseq.u32 @!p1;
	v3 =	vand.u32 @!p1 $0x7, v3;
	v4 =	vand.u32 @!p1 $0xFFFFFFC0, v4  }
0x135: {  	v6 =	vshrl.u32 @!p1 v5, $0x3;
	v3 =	vor.u32 @!p1 v3, v4;
	v4 =	vand.u32 @!p1 $0x7, v5  }
0x136: {  	v6 =	vmul.u32 @!p1 $0x8, v6;
	v7 =	vperm.xlane @!p1 v3, v4;
	_ =	sdelay $0x1  }
0x137: {  	v7 =	vadd.s32 @!p1 v6, v7;
	_ =	sdelay $0x3  }
0x138: {  	vm1 =	vmmov @!p1 $0xffff;
	s23 =	simm.s32 @!p1 $0x200;
	s22 =	simm.s32 @!p1 $0x0  }
0x139: {  	v5 =	vor.u32 @!p1 $0x8, v5;
	[tilespmem:s23], [sflag:$0x1] =	stream.indirect_vreg.gather @!p1 [hbm4b:s2+s22], $0x80, v7, vm1, $0xb8;
	[tilespmem:$0x18200] =	vst v63  }
0x13a: {  	v3 =	vperm.xlane @!p1 v3, v5;
	s23 =	simm.s32 @!p1 $0xA00  }
0x13b: {  	[tilespmem:s23], [sflag:$0x1] =	stream.indirect_vreg.gather @!p1 [hbm4b:s9+s22], $0x80, v7, vm1, $0xb8;
	[tilespmem:$0x18200] =	vst v63  }
0x13c: {  	v3 =	vadd.s32 @!p1 v6, v3;
	s23 =	simm.s32 @!p1 $0x1200  }
0x13d: {  	[tilespmem:s23], [sflag:$0x1] =	stream.indirect_vreg.gather @!p1 [hbm4b:s10+s22], $0x80, v7, vm1, $0xb8;
	[tilespmem:$0x18200] =	vst v63  }
0x13e: {  	s23 =	simm.s32 @!p1 $0x1A00  }
0x13f: {  	[tilespmem:s23], [sflag:$0x1] =	stream.indirect_vreg.gather @!p1 [hbm4b:s11+s22], $0x80, v7, vm1, $0xb8;
	[tilespmem:$0x18200] =	vst v63  }
0x140: {  	s23 =	simm.s32 @!p1 $0x2200  }
0x141: {  	[tilespmem:s23], [sflag:$0x1] =	stream.indirect_vreg.gather @!p1 [hbm4b:s2+s22], $0x80, v3, vm1, $0xb8;
	[tilespmem:$0x18200] =	vst v63  }
0x142: {  	s23 =	simm.s32 @!p1 $0x2A00  }
0x143: {  	[tilespmem:s23], [sflag:$0x1] =	stream.indirect_vreg.gather @!p1 [hbm4b:s9+s22], $0x80, v3, vm1, $0xb8;
	[tilespmem:$0x18200] =	vst v63  }
0x144: {  	s23 =	simm.s32 @!p1 $0x3200  }
0x145: {  	[tilespmem:s23], [sflag:$0x1] =	stream.indirect_vreg.gather @!p1 [hbm4b:s10+s22], $0x80, v3, vm1, $0xb8;
	[tilespmem:$0x18200] =	vst v63  }
0x146: {  	s23 =	simm.s32 @!p1 $0x3A00  }
0x147: {  	[tilespmem:s23], [sflag:$0x1] =	stream.indirect_vreg.gather @!p1 [hbm4b:s11+s22], $0x80, v3, vm1, $0xb8;
	[tilespmem:$0x18200] =	vst v63  }
0x148: {  	v3 =	vld @!p1 [tilespmem:s21+$0x120];
	_ =	sdelay $0x4  }
0x149: {  	v7 =	vshll.u32 @!p1 v3, $0x3  }
0x14a: {  	v3 =	vand.u32 @!p1 $0x7, v3;
	v7 =	vand.u32 @!p1 $0xFFFFFFC0, v7  }
0x14b: {  	v3 =	vor.u32 @!p1 v3, v7  }
0x14c: {  	v4 =	vperm.xlane @!p1 v3, v4;
	_ =	sdelay $0x1  }
0x14d: {  	v4 =	vadd.s32 @!p1 v6, v4;
	_ =	sdelay $0x3  }
0x14e: {  	s23 =	simm.s32 @!p1 $0x4200  }
0x14f: {  	[tilespmem:s23], [sflag:$0x1] =	stream.indirect_vreg.gather @!p1 [hbm4b:s6+s22], $0x80, v4, vm1, $0xb8;
	[tilespmem:$0x18200] =	vst v63  }
0x150: {  	v3 =	vperm.xlane @!p1 v3, v5;
	s23 =	simm.s32 @!p1 $0x4A00  }
0x151: {  	[tilespmem:s23], [sflag:$0x1] =	stream.indirect_vreg.gather @!p1 [hbm4b:s12+s22], $0x80, v4, vm1, $0xb8;
	[tilespmem:$0x18200] =	vst v63  }
0x152: {  	v3 =	vadd.s32 @!p1 v6, v3;
	s23 =	simm.s32 @!p1 $0x5200  }
0x153: {  	[tilespmem:s23], [sflag:$0x1] =	stream.indirect_vreg.gather @!p1 [hbm4b:s13+s22], $0x80, v4, vm1, $0xb8;
	[tilespmem:$0x18200] =	vst v63  }
0x154: {  	s23 =	simm.s32 @!p1 $0x5A00  }
0x155: {  	[tilespmem:s23], [sflag:$0x1] =	stream.indirect_vreg.gather @!p1 [hbm4b:s14+s22], $0x80, v4, vm1, $0xb8;
	[tilespmem:$0x18200] =	vst v63  }
0x156: {  	s23 =	simm.s32 @!p1 $0x6200  }
0x157: {  	[tilespmem:s23], [sflag:$0x1] =	stream.indirect_vreg.gather @!p1 [hbm4b:s6+s22], $0x80, v3, vm1, $0xb8;
	[tilespmem:$0x18200] =	vst v63  }
0x158: {  	s23 =	simm.s32 @!p1 $0x6A00  }
0x159: {  	[tilespmem:s23], [sflag:$0x1] =	stream.indirect_vreg.gather @!p1 [hbm4b:s12+s22], $0x80, v3, vm1, $0xb8;
	[tilespmem:$0x18200] =	vst v63  }
0x15a: {  	s23 =	simm.s32 @!p1 $0x7200  }
0x15b: {  	[tilespmem:s23], [sflag:$0x1] =	stream.indirect_vreg.gather @!p1 [hbm4b:s13+s22], $0x80, v3, vm1, $0xb8;
	[tilespmem:$0x18200] =	vst v63  }
0x15c: {  	s23 =	simm.s32 @!p1 $0x7A00  }
0x15d: {  	[tilespmem:s23], [sflag:$0x1] =	stream.indirect_vreg.gather @!p1 [hbm4b:s14+s22], $0x80, v3, vm1, $0xb8;
	[tilespmem:$0x18200] =	vst v63  }
0x15e: {  	_ =	swait.ge [sflag:s17], $0x4000  }
0x15f: {  	[sflag:s17] =	ssyncset.done $0x0  }
0x160: {  	[sflag:s17] =	ssyncadd.s32 $0xFFFFC000  }
0x161: {  	_ =	swait.ge [sflag:s17], $0x4000  }
0x162: {  	[sflag:s17] =	ssyncset.done $0x0  }
0x163: {  	s23 =	simm.s32 @!p0 $0x4;
	[sflag:s17] =	ssyncadd.s32 $0xFFFFC000  }
0x164: {  	s24 =	simm.s32 $0xFFFFC000;
	_ =	swait.ge @!p0 [sflag:s23], $0x4000  }
0x165: {  	s25 =	simm.s32 $0x0;
	s26 =	simm.s32 $0x0;
	[sflag:s23] =	ssyncset.done @!p0 $0x0  }
0x166: {  	s22 =	sor.u32 $0x10, s21;
	[sflag:s23] =	ssyncadd.s32 @!p0 $0xFFFFC000;
	s23 =	simm.s32 $0x0  }
.LBB2_5:
0x167: {  	s28 =	sadd.s32 $0x4000, s24  }
0x168: {  	s29 =	sand.u32 $0x380, s26;
	s28 =	sand.u32 $0x2000, s28  }
0x169: {  	s28 =	sor.u32 s29, s28  }
0x16a: {  	v3 =	vld [tilespmem:s28+$0xC200]  }
0x16b: {  	v4 =	vld [tilespmem:s28+$0x10200]  }
0x16c: {  	v5 =	vld [tilespmem:s28+$0xC210]  }
0x16d: {  	v6 =	vld [tilespmem:s28+$0x10210]  }
0x16e: {  	v7 =	vld [tilespmem:s28+$0xC220]  }
0x16f: {  	v8 =	vld [tilespmem:s28+$0x10220]  }
0x170: {  	v9 =	vld [tilespmem:s28+$0xC230]  }
0x171: {  	v10 =	vld [tilespmem:s28+$0x10230]  }
0x172: {  	v11 =	vld [tilespmem:s28+$0xC240]  }
0x173: {  	v12 =	vld [tilespmem:s28+$0x10240]  }
0x174: {  	v13 =	vld [tilespmem:s28+$0xC250]  }
0x175: {  	v14 =	vld [tilespmem:s28+$0x10250]  }
0x176: {  	v15 =	vld [tilespmem:s28+$0xC260]  }
0x177: {  	v16 =	vld [tilespmem:s28+$0x10260]  }
0x178: {  	v17 =	vld [tilespmem:s28+$0xC270]  }
0x179: {  	v18 =	vld [tilespmem:s28+$0x10270]  }
0x17a: {  	v19 =	vld [tilespmem:s28+$0xC600]  }
0x17b: {  	v20 =	vld [tilespmem:s28+$0x10600]  }
0x17c: {  	v21 =	vld [tilespmem:s28+$0xC610]  }
0x17d: {  	v22 =	vld [tilespmem:s28+$0x10610]  }
0x17e: {  	v23 =	vld [tilespmem:s28+$0xC620]  }
0x17f: {  	v24 =	vld [tilespmem:s28+$0x10620]  }
0x180: {  	v25 =	vld [tilespmem:s28+$0xC630]  }
0x181: {  	v26 =	vld [tilespmem:s28+$0x10630]  }
0x182: {  	v27 =	vld [tilespmem:s28+$0xC640]  }
0x183: {  	v28 =	vld [tilespmem:s28+$0x10640]  }
0x184: {  	v29 =	vld [tilespmem:s28+$0xC650]  }
0x185: {  	v30 =	vld [tilespmem:s28+$0x10650]  }
0x186: {  	v31 =	vld [tilespmem:s28+$0xC660]  }
0x187: {  	v32 =	vld [tilespmem:s28+$0x10660]  }
0x188: {  	v33 =	vld [tilespmem:s28+$0xC670]  }
0x189: {  	v34 =	vld [tilespmem:s28+$0x10670]  }
0x18a: {  	v35 =	vld [tilespmem:s28+$0xCA00]  }
0x18b: {  	v36 =	vld [tilespmem:s28+$0x10A00]  }
0x18c: {  	v37 =	vld [tilespmem:s28+$0xCA10]  }
0x18d: {  	v38 =	vld [tilespmem:s28+$0x10A10]  }
0x18e: {  	v39 =	vld [tilespmem:s28+$0xCA20]  }
0x18f: {  	v40 =	vld [tilespmem:s28+$0x10A20]  }
0x190: {  	v41 =	vld [tilespmem:s28+$0xCA30]  }
0x191: {  	v42 =	vld [tilespmem:s28+$0x10A30]  }
0x192: {  	v43 =	vld [tilespmem:s28+$0xCA40]  }
0x193: {  	v44 =	vld [tilespmem:s28+$0x10A40]  }
0x194: {  	v45 =	vld [tilespmem:s28+$0xCA50]  }
0x195: {  	v46 =	vld [tilespmem:s28+$0x10A50]  }
0x196: {  	v47 =	vld [tilespmem:s28+$0xCA60]  }
0x197: {  	v48 =	vld [tilespmem:s28+$0x10A60]  }
0x198: {  	v49 =	vld [tilespmem:s28+$0xCA70]  }
0x199: {  	v50 =	vld [tilespmem:s28+$0x10A70]  }
0x19a: {  	v51 =	vld [tilespmem:s28+$0xCE00]  }
0x19b: {  	v52 =	vld [tilespmem:s28+$0x10E00]  }
0x19c: {  	v53 =	vld [tilespmem:s28+$0xCE10]  }
0x19d: {  	v54 =	vld [tilespmem:s28+$0x10E10]  }
0x19e: {  	v55 =	vld [tilespmem:s28+$0xCE20]  }
0x19f: {  	v56 =	vld [tilespmem:s28+$0x10E20]  }
0x1a0: {  	v57 =	vld [tilespmem:s28+$0xCE30]  }
0x1a1: {  	v58 =	vld [tilespmem:s28+$0x10E30]  }
0x1a2: {  	v59 =	vld [tilespmem:s28+$0xCE40]  }
0x1a3: {  	v60 =	vld [tilespmem:s28+$0x10E40]  }
0x1a4: {  	v61 =	vld [tilespmem:s28+$0xCE50]  }
0x1a5: {  	v62 =	vld [tilespmem:s28+$0x10E50]  }
0x1a6: {  	v63 =	vld [tilespmem:s28+$0xCE60]  }
0x1a7: {  	v3 =	vadd.f32 v4, v3;
	v4 =	vld [tilespmem:s28+$0x10E60]  }
0x1a8: {  	v5 =	vadd.f32 v6, v5;
	v6 =	vld [tilespmem:s28+$0xCE70]  }
0x1a9: {  	v7 =	vadd.f32 v8, v7;
	v8 =	vld [tilespmem:s28+$0x10E70];
	v22 =	vadd.f32 v22, v21;
	v3 =	vmul.f32 $3.200000000e+01, v3  }
0x1aa: {  	v9 =	vadd.f32 v10, v9;
	v10 =	vld [tilespmem:s28+$0xD200];
	v16 =	vadd.f32 v16, v15;
	v5 =	vmul.f32 $3.200000000e+01, v5  }
0x1ab: {  	v15 =	vld [tilespmem:s28+$0x11220];
	v23 =	vadd.f32 v24, v23;
	v26 =	vadd.f32 v26, v25;
	v24 =	vmul.f32 $3.200000000e+01, v22;
	[tilespmem:s28+$0x14200] =	vst v3  }
0x1ac: {  	v18 =	vadd.f32 v18, v17;
	v17 =	vld [tilespmem:s28+$0x11230];
	v3 =	vmul.f32 $3.200000000e+01, v7;
	v7 =	vadd.f32 v12, v11;
	[tilespmem:s28+$0x14210] =	vst v5  }
0x1ad: {  	v27 =	vadd.f32 v28, v27;
	v30 =	vadd.f32 v30, v29;
	v21 =	vld [tilespmem:s28+$0x11250];
	v28 =	vmul.f32 $3.200000000e+01, v26;
	[tilespmem:s28+$0x14610] =	vst v24  }
0x1ae: {  	v25 =	vld [tilespmem:s28+$0x11270];
	[tilespmem:s28+$0x14220] =	vst v3;
	v3 =	vmul.f32 $3.200000000e+01, v7  }
0x1af: {  	v31 =	vadd.f32 v32, v31;
	v34 =	vadd.f32 v34, v33;
	v29 =	vld [tilespmem:s28+$0x11610];
	v32 =	vmul.f32 $3.200000000e+01, v30;
	[tilespmem:s28+$0x14630] =	vst v28  }
0x1b0: {  	v35 =	vadd.f32 v36, v35;
	v33 =	vld [tilespmem:s28+$0x11630];
	v7 =	vadd.f32 v20, v19;
	[tilespmem:s28+$0x14240] =	vst v3;
	v3 =	vmul.f32 $3.200000000e+01, v16  }
0x1b1: {  	v38 =	vadd.f32 v38, v37;
	v42 =	vadd.f32 v42, v41;
	v41 =	vld [tilespmem:s28+$0x11650];
	v36 =	vmul.f32 $3.200000000e+01, v34;
	[tilespmem:s28+$0x14650] =	vst v32  }
0x1b2: {  	v46 =	vadd.f32 v46, v45;
	v45 =	vld [tilespmem:s28+$0x11660];
	[tilespmem:s28+$0x14260] =	vst v3;
	v3 =	vmul.f32 $3.200000000e+01, v7  }
0x1b3: {  	v39 =	vadd.f32 v40, v39;
	v54 =	vadd.f32 v54, v53;
	v53 =	vld [tilespmem:s28+$0xDA00];
	v40 =	vmul.f32 $3.200000000e+01, v38;
	[tilespmem:s28+$0x14670] =	vst v36  }
0x1b4: {  	v22 =	vld [tilespmem:s28+$0xD260];
	[tilespmem:s28+$0x14600] =	vst v3;
	v3 =	vmul.f32 $3.200000000e+01, v23  }
0x1b5: {  	v43 =	vadd.f32 v44, v43;
	v26 =	vld [tilespmem:s28+$0xD600];
	v44 =	vmul.f32 $3.200000000e+01, v42;
	[tilespmem:s28+$0x14A10] =	vst v40  }
0x1b6: {  	v50 =	vadd.f32 v50, v49;
	v30 =	vld [tilespmem:s28+$0xD620];
	[tilespmem:s28+$0x14620] =	vst v3;
	v3 =	vmul.f32 $3.200000000e+01, v27  }
0x1b7: {  	v47 =	vadd.f32 v48, v47;
	v58 =	vadd.f32 v58, v57;
	v48 =	vmul.f32 $3.200000000e+01, v46;
	v34 =	vld [tilespmem:s28+$0xD640];
	[tilespmem:s28+$0x14A30] =	vst v44  }
0x1b8: {  	v51 =	vadd.f32 v52, v51;
	v52 =	vmul.f32 $3.200000000e+01, v50;
	v50 =	vld [tilespmem:s28+$0x11670];
	[tilespmem:s28+$0x14640] =	vst v3;
	v3 =	vmul.f32 $3.200000000e+01, v31  }
0x1b9: {  	v59 =	vadd.f32 v60, v59;
	v60 =	vmul.f32 $3.200000000e+01, v58;
	v58 =	vld [tilespmem:s28+$0xDA10];
	[tilespmem:s28+$0x14A50] =	vst v48  }
0x1ba: {  	v11 =	vld [tilespmem:s28+$0x11200];
	[tilespmem:s28+$0x14660] =	vst v3;
	v3 =	vmul.f32 $3.200000000e+01, v35  }
0x1bb: {  	v55 =	vadd.f32 v56, v55;
	v56 =	vmul.f32 $3.200000000e+01, v54;
	v12 =	vld [tilespmem:s28+$0xD210];
	[tilespmem:s28+$0x14A70] =	vst v52  }
0x1bc: {  	v5 =	vmul.f32 $3.200000000e+01, v9;
	v9 =	vadd.f32 v14, v13;
	v13 =	vld [tilespmem:s28+$0x11210];
	[tilespmem:s28+$0x14A00] =	vst v3;
	v3 =	vmul.f32 $3.200000000e+01, v39  }
0x1bd: {  	v62 =	vadd.f32 v62, v61;
	v14 =	vld [tilespmem:s28+$0xD220];
	[tilespmem:s28+$0x14E10] =	vst v56  }
0x1be: {  	v24 =	vld [tilespmem:s28+$0xD270];
	[tilespmem:s28+$0x14A20] =	vst v3;
	v3 =	vmul.f32 $3.200000000e+01, v43  }
0x1bf: {  	v42 =	vmul.f32 $3.200000000e+01, v62;
	v28 =	vld [tilespmem:s28+$0xD610];
	[tilespmem:s28+$0x14E30] =	vst v60  }
0x1c0: {  	v32 =	vld [tilespmem:s28+$0xD630];
	[tilespmem:s28+$0x14A40] =	vst v3;
	v3 =	vmul.f32 $3.200000000e+01, v47  }
0x1c1: {  	v40 =	vld [tilespmem:s28+$0xD650];
	[tilespmem:s28+$0x14E50] =	vst v42  }
0x1c2: {  	v48 =	vld [tilespmem:s28+$0xD670];
	[tilespmem:s28+$0x14A60] =	vst v3;
	v3 =	vmul.f32 $3.200000000e+01, v51  }
0x1c3: {  	v60 =	vld [tilespmem:s28+$0x11A10];
	[tilespmem:s28+$0x14230] =	vst v5;
	v5 =	vmul.f32 $3.200000000e+01, v9  }
0x1c4: {  	v4 =	vadd.f32 v4, v63;
	v63 =	vld [tilespmem:s28+$0xDA20];
	[tilespmem:s28+$0x14E00] =	vst v3;
	v3 =	vmul.f32 $3.200000000e+01, v55  }
0x1c5: {  	v6 =	vadd.f32 v8, v6;
	v20 =	vmul.f32 $3.200000000e+01, v18;
	v18 =	vld [tilespmem:s28+$0xD240];
	[tilespmem:s28+$0x14250] =	vst v5  }
0x1c6: {  	v16 =	vld [tilespmem:s28+$0xD230];
	[tilespmem:s28+$0x14E20] =	vst v3;
	v3 =	vmul.f32 $3.200000000e+01, v59  }
0x1c7: {  	v19 =	vld [tilespmem:s28+$0x11240];
	v46 =	vmul.f32 $3.200000000e+01, v6;
	[tilespmem:s28+$0x14270] =	vst v20;
	v32 =	vadd.f32 v33, v32  }
0x1c8: {  	v20 =	vld [tilespmem:s28+$0xD250];
	v44 =	vadd.f32 v11, v10;
	[tilespmem:s28+$0x14E40] =	vst v3;
	v3 =	vmul.f32 $3.200000000e+01, v4  }
0x1c9: {  	[tilespmem:s28+$0x14E70] =	vst v46;
	v38 =	vadd.f32 v41, v40;
	v37 =	vmul.f32 $3.200000000e+01, v32;
	v23 =	vld [tilespmem:s28+$0x11260]  }
0x1ca: {  	v49 =	vadd.f32 v15, v14;
	v27 =	vld [tilespmem:s28+$0x11600];
	[tilespmem:s28+$0x14E60] =	vst v3;
	v3 =	vmul.f32 $3.200000000e+01, v44  }
0x1cb: {  	v42 =	vmul.f32 $3.200000000e+01, v38;
	v52 =	vadd.f32 v17, v16;
	[tilespmem:s28+$0x15630] =	vst v37;
	v31 =	vld [tilespmem:s28+$0x11620]  }
0x1cc: {  	v62 =	vadd.f32 v25, v24;
	v25 =	vld [tilespmem:s28+$0x11A20];
	v54 =	vadd.f32 v19, v18;
	[tilespmem:s28+$0x15200] =	vst v3;
	v3 =	vmul.f32 $3.200000000e+01, v49  }
0x1cd: {  	v33 =	vld [tilespmem:s28+$0xDA40];
	v57 =	vadd.f32 v21, v20;
	[tilespmem:s28+$0x15650] =	vst v42;
	v56 =	vmul.f32 $3.200000000e+01, v52  }
0x1ce: {  	v35 =	vld [tilespmem:s28+$0x11640];
	v59 =	vadd.f32 v23, v22;
	[tilespmem:s28+$0x15220] =	vst v3;
	v3 =	vmul.f32 $3.200000000e+01, v54  }
0x1cf: {  	v61 =	vmul.f32 $3.200000000e+01, v57;
	[tilespmem:s28+$0x15230] =	vst v56;
	v24 =	vadd.f32 v27, v26;
	v27 =	vadd.f32 v29, v28;
	v28 =	vld [tilespmem:s28+$0xDA30]  }
0x1d0: {  	v29 =	vadd.f32 v31, v30;
	v30 =	vld [tilespmem:s28+$0x11A30];
	[tilespmem:s28+$0x15240] =	vst v3;
	v3 =	vmul.f32 $3.200000000e+01, v59  }
0x1d1: {  	[tilespmem:s28+$0x15250] =	vst v61;
	v26 =	vmul.f32 $3.200000000e+01, v62;
	v43 =	vld [tilespmem:s28+$0xD660]  }
0x1d2: {  	v41 =	vld [tilespmem:s28+$0x11A50];
	[tilespmem:s28+$0x15260] =	vst v3;
	v3 =	vmul.f32 $3.200000000e+01, v24  }
0x1d3: {  	[tilespmem:s28+$0x15270] =	vst v26;
	v31 =	vmul.f32 $3.200000000e+01, v27;
	v47 =	vadd.f32 v13, v12;
	v55 =	vld [tilespmem:s28+$0x11A00]  }
0x1d4: {  	v46 =	vld [tilespmem:s28+$0x11A60];
	v34 =	vadd.f32 v35, v34;
	[tilespmem:s28+$0x15600] =	vst v3;
	v3 =	vmul.f32 $3.200000000e+01, v29  }
0x1d5: {  	v39 =	vld [tilespmem:s28+$0xDA50];
	[tilespmem:s28+$0x15610] =	vst v31;
	v51 =	vmul.f32 $3.200000000e+01, v47;
	v52 =	vadd.f32 v30, v28  }
0x1d6: {  	v35 =	vld [tilespmem:s28+$0x11A40];
	v40 =	vadd.f32 v45, v43;
	[tilespmem:s28+$0x15620] =	vst v3;
	v3 =	vmul.f32 $3.200000000e+01, v34  }
0x1d7: {  	v43 =	vadd.f32 v50, v48;
	[tilespmem:s28+$0x15210] =	vst v51;
	v51 =	vld [tilespmem:s28+$0x11A70];
	v5 =	vmul.f32 $3.200000000e+01, v52  }
0x1d8: {  	v45 =	vadd.f32 v55, v53;
	v49 =	vld [tilespmem:s28+$0xDA70];
	[tilespmem:s28+$0x15640] =	vst v3;
	v3 =	vmul.f32 $3.200000000e+01, v40  }
0x1d9: {  	v48 =	vadd.f32 v60, v58;
	v47 =	vmul.f32 $3.200000000e+01, v43;
	[tilespmem:s28+$0x15A30] =	vst v5;
	v44 =	vld [tilespmem:s28+$0xDA60]  }
0x1da: {  	v50 =	vadd.f32 v25, v63;
	[tilespmem:s28+$0x15660] =	vst v3;
	v3 =	vmul.f32 $3.200000000e+01, v45  }
0x1db: {  	v6 =	vmul.f32 $3.200000000e+01, v48;
	[tilespmem:s28+$0x15670] =	vst v47;
	v53 =	vadd.f32 v41, v39  }
0x1dc: {  	v4 =	vmul.f32 $3.200000000e+01, v50;
	[tilespmem:s28+$0x15A00] =	vst v3;
	v3 =	vadd.f32 v35, v33  }
0x1dd: {  	[tilespmem:s28+$0x15A10] =	vst v6;
	v6 =	vmul.f32 $3.200000000e+01, v53;
	v55 =	vadd.f32 v51, v49  }
0x1de: {  	[tilespmem:s28+$0x15A20] =	vst v4;
	v54 =	vadd.f32 v46, v44;
	v3 =	vmul.f32 $3.200000000e+01, v3  }
0x1df: {  	s29 =	sand.u32 $0x7, s23;
	[tilespmem:s28+$0x15A50] =	vst v6;
	v56 =	vmul.f32 $3.200000000e+01, v55  }
0x1e0: {  	s29 =	sshll.u32 s29, $0x7;
	[tilespmem:s28+$0x15A40] =	vst v3;
	v3 =	vmul.f32 $3.200000000e+01, v54  }
0x1e1: {  	s29 =	sadd.s32 s29, s25;
	[tilespmem:s28+$0x15A70] =	vst v56  }
0x1e2: {  	[tilespmem:s28+$0x15A60] =	vst v3;
	s28 =	sor.u32 $0x1C00, s29  }
0x1e3: {  	v3 =	vld [tilespmem:s28+$0xC200]  }
0x1e4: {  	v4 =	vld [tilespmem:s28+$0x10200];
	_ =	sdelay $0x4  }
0x1e5: {  	v3 =	vadd.f32 v4, v3;
	_ =	sdelay $0x1  }
0x1e6: {  	v3 =	vmul.f32 $3.200000000e+01, v3;
	_ =	sdelay $0x1  }
0x1e7: {  	[tilespmem:s28+$0x14200] =	vst v3;
	s28 =	sor.u32 $0x1C10, s29  }
0x1e8: {  	v3 =	vld [tilespmem:s28+$0xC200]  }
0x1e9: {  	v57 =	vld [tilespmem:s28+$0x10200];
	_ =	sdelay $0x4  }
0x1ea: {  	v3 =	vadd.f32 v57, v3;
	_ =	sdelay $0x1  }
0x1eb: {  	v3 =	vmul.f32 $3.200000000e+01, v3;
	_ =	sdelay $0x1  }
0x1ec: {  	[tilespmem:s28+$0x14200] =	vst v3;
	s28 =	sor.u32 $0x1C20, s29  }
0x1ed: {  	v3 =	vld [tilespmem:s28+$0xC200]  }
0x1ee: {  	v58 =	vld [tilespmem:s28+$0x10200];
	_ =	sdelay $0x4  }
0x1ef: {  	v3 =	vadd.f32 v58, v3;
	_ =	sdelay $0x1  }
0x1f0: {  	v3 =	vmul.f32 $3.200000000e+01, v3;
	_ =	sdelay $0x1  }
0x1f1: {  	[tilespmem:s28+$0x14200] =	vst v3;
	s28 =	sor.u32 $0x1C30, s29  }
0x1f2: {  	v3 =	vld [tilespmem:s28+$0xC200]  }
0x1f3: {  	v59 =	vld [tilespmem:s28+$0x10200];
	_ =	sdelay $0x4  }
0x1f4: {  	v3 =	vadd.f32 v59, v3;
	_ =	sdelay $0x1  }
0x1f5: {  	v3 =	vmul.f32 $3.200000000e+01, v3;
	_ =	sdelay $0x1  }
0x1f6: {  	[tilespmem:s28+$0x14200] =	vst v3;
	s28 =	sor.u32 $0x1C40, s29  }
0x1f7: {  	v3 =	vld [tilespmem:s28+$0xC200]  }
0x1f8: {  	v60 =	vld [tilespmem:s28+$0x10200];
	_ =	sdelay $0x4  }
0x1f9: {  	v3 =	vadd.f32 v60, v3;
	_ =	sdelay $0x1  }
0x1fa: {  	v3 =	vmul.f32 $3.200000000e+01, v3;
	_ =	sdelay $0x1  }
0x1fb: {  	[tilespmem:s28+$0x14200] =	vst v3;
	s28 =	sor.u32 $0x1C50, s29  }
0x1fc: {  	v3 =	vld [tilespmem:s28+$0xC200]  }
0x1fd: {  	v61 =	vld [tilespmem:s28+$0x10200];
	_ =	sdelay $0x4  }
0x1fe: {  	v3 =	vadd.f32 v61, v3;
	_ =	sdelay $0x1  }
0x1ff: {  	v3 =	vmul.f32 $3.200000000e+01, v3;
	_ =	sdelay $0x1  }
0x200: {  	[tilespmem:s28+$0x14200] =	vst v3;
	s28 =	sor.u32 $0x1C60, s29  }
0x201: {  	v3 =	vld [tilespmem:s28+$0xC200]  }
0x202: {  	v62 =	vld [tilespmem:s28+$0x10200];
	_ =	sdelay $0x4  }
0x203: {  	v3 =	vadd.f32 v62, v3;
	_ =	sdelay $0x1  }
0x204: {  	v3 =	vmul.f32 $3.200000000e+01, v3;
	_ =	sdelay $0x1  }
0x205: {  	s29 =	sor.u32 $0x1C70, s29;
	[tilespmem:s28+$0x14200] =	vst v3  }
0x206: {  	v3 =	vld [tilespmem:s29+$0xC200]  }
0x207: {  	v63 =	vld [tilespmem:s29+$0x10200];
	_ =	sdelay $0x3  }
0x208: {  	p0 =	sne.s32 s26, $0x780  }
.Ltmp3:
0x209: {  	v3 =	vadd.f32 v63, v3;
	(pc) =	sbr.rel @p0 .LBB2_5-.Ltmp3, $4  }
0x20a: {  	_ = 	snop  }
0x20b: {  	v3 =	vmul.f32 $3.200000000e+01, v3  }
0x20c: {  	s24 =	sadd.s32 $0x400, s24  }
0x20d: {  	s26 =	sadd.s32 $0x80, s26;
	s23 =	sadd.s32 $0x1, s23;
	s25 =	sadd.s32 $0x400, s25;
	[tilespmem:s29+$0x14200] =	vst v3  }
.Ltmp4:
0x20e: {  	(pc) =	sbr.rel @p1 .LBB2_8-.Ltmp4, $4  }
0x20f: {  	s22 =	sadd.s32 s5, s22  }
0x210: {  	s23 =	rddreg [dreg:$0x2];
	s22 =	sshll.u32 s22, $0x7  }
0x211: {  	s22 =	sadd.s32 s23, s22  }
0x212: {  	[hbm4b:s22+s4] =	stream.linear.scatter [tilespmem:s3], [sflag:$0x4], $0x4000, $0x38;
	[tilespmem:$0x18200] =	vst v63  }
0x213: {  	v3 =	vld [tilespmem:s21+$0x30];
	_ =	sdelay $0x4  }
0x214: {  	v4 =	vshll.u32 v3, $0x3  }
0x215: {  	v3 =	vand.u32 $0x7, v3;
	v4 =	vand.u32 $0xFFFFFFC0, v4  }
0x216: {  	v3 =	vor.u32 v3, v4  }
0x217: {  	v4 =	vperm.xlane v3, v0;
	_ =	sdelay $0x1  }
0x218: {  	v4 =	vadd.s32 v1, v4;
	_ =	sdelay $0x3  }
0x219: {  	s22 =	simm.s32 $0xC200  }
0x21a: {  	[tilespmem:s22], [sflag:$0x2] =	stream.indirect_vreg.gather [hbm4b:s2+s4], $0x80, v4, vm0, $0xb8;
	[tilespmem:$0x18200] =	vst v63  }
0x21b: {  	s28 =	simm.s32 $0xCA00;
	v3 =	vperm.xlane v3, v2  }
0x21c: {  	[tilespmem:s28], [sflag:$0x2] =	stream.indirect_vreg.gather [hbm4b:s9+s4], $0x80, v4, vm0, $0xb8;
	[tilespmem:$0x18200] =	vst v63  }
0x21d: {  	s29 =	simm.s32 $0xD200;
	v3 =	vadd.s32 v1, v3  }
0x21e: {  	[tilespmem:s29], [sflag:$0x2] =	stream.indirect_vreg.gather [hbm4b:s10+s4], $0x80, v4, vm0, $0xb8;
	[tilespmem:$0x18200] =	vst v63  }
0x21f: {  	s23 =	simm.s32 $0xDA00  }
0x220: {  	[tilespmem:s23], [sflag:$0x2] =	stream.indirect_vreg.gather [hbm4b:s11+s4], $0x80, v4, vm0, $0xb8;
	[tilespmem:$0x18200] =	vst v63  }
0x221: {  	s24 =	simm.s32 $0xE200  }
0x222: {  	[tilespmem:s24], [sflag:$0x2] =	stream.indirect_vreg.gather [hbm4b:s2+s4], $0x80, v3, vm0, $0xb8;
	[tilespmem:$0x18200] =	vst v63  }
0x223: {  	s25 =	simm.s32 $0xEA00  }
0x224: {  	[tilespmem:s25], [sflag:$0x2] =	stream.indirect_vreg.gather [hbm4b:s9+s4], $0x80, v3, vm0, $0xb8;
	[tilespmem:$0x18200] =	vst v63  }
0x225: {  	s26 =	simm.s32 $0xF200  }
0x226: {  	[tilespmem:s26], [sflag:$0x2] =	stream.indirect_vreg.gather [hbm4b:s10+s4], $0x80, v3, vm0, $0xb8;
	[tilespmem:$0x18200] =	vst v63  }
0x227: {  	s28 =	simm.s32 $0xFA00  }
0x228: {  	[tilespmem:s28], [sflag:$0x2] =	stream.indirect_vreg.gather [hbm4b:s11+s4], $0x80, v3, vm0, $0xb8;
	[tilespmem:$0x18200] =	vst v63  }
0x229: {  	v3 =	vld [tilespmem:s21+$0x130];
	_ =	sdelay $0x4  }
0x22a: {  	v63 =	vshll.u32 v3, $0x3  }
0x22b: {  	v3 =	vand.u32 $0x7, v3;
	v4 =	vand.u32 $0xFFFFFFC0, v63  }
0x22c: {  	v3 =	vor.u32 v3, v4  }
0x22d: {  	v4 =	vperm.xlane v3, v0;
	_ =	sdelay $0x1  }
0x22e: {  	v4 =	vadd.s32 v1, v4;
	_ =	sdelay $0x3  }
0x22f: {  	s29 =	simm.s32 $0x10200  }
0x230: {  	[tilespmem:s29], [sflag:$0x2] =	stream.indirect_vreg.gather [hbm4b:s6+s4], $0x80, v4, vm0, $0xb8;
	[tilespmem:$0x18200] =	vst v63  }
0x231: {  	v3 =	vperm.xlane v3, v2  }
0x232: {  	[tilespmem:s30], [sflag:$0x2] =	stream.indirect_vreg.gather [hbm4b:s12+s4], $0x80, v4, vm0, $0xb8;
	[tilespmem:$0x18200] =	vst v63  }
0x233: {  	v3 =	vadd.s32 v1, v3  }
0x234: {  	[tilespmem:s31], [sflag:$0x2] =	stream.indirect_vreg.gather [hbm4b:s13+s4], $0x80, v4, vm0, $0xb8;
	[tilespmem:$0x18200] =	vst v63  }
0x235: {  	_ = 	snop  }
0x236: {  	[tilespmem:s1], [sflag:$0x2] =	stream.indirect_vreg.gather [hbm4b:s14+s4], $0x80, v4, vm0, $0xb8;
	[tilespmem:$0x18200] =	vst v63  }
0x237: {  	_ = 	snop  }
0x238: {  	[tilespmem:s0], [sflag:$0x2] =	stream.indirect_vreg.gather [hbm4b:s6+s4], $0x80, v3, vm0, $0xb8;
	[tilespmem:$0x18200] =	vst v63  }
0x239: {  	_ = 	snop  }
0x23a: {  	[tilespmem:s18], [sflag:$0x2] =	stream.indirect_vreg.gather [hbm4b:s12+s4], $0x80, v3, vm0, $0xb8;
	[tilespmem:$0x18200] =	vst v63  }
.Ltmp5:
0x23b: {  	_ = 	snop;
	(pc) =	sbr.rel .LBB2_2-.Ltmp5, $4  }
0x23c: {  	_ = 	snop  }
0x23d: {  	[tilespmem:s19], [sflag:$0x2] =	stream.indirect_vreg.gather [hbm4b:s13+s4], $0x80, v3, vm0, $0xb8;
	[tilespmem:$0x18200] =	vst v63  }
0x23e: {  	s20 =	sadd.s32 $0x1, s20  }
0x23f: {  	[tilespmem:s7], [sflag:$0x2] =	stream.indirect_vreg.gather [hbm4b:s14+s4], $0x80, v3, vm0, $0xb8;
	[tilespmem:$0x18200] =	vst v63  }
.LBB2_9:
0x240: {  	_ =	sfence.sel $0x180000  }
0x241: {  	[bflag:$0x0] =	sbarrier.arrive $0xFFFF  }
0x242: {  	_ =	strace $0x90000047  }
0x243: {  	s0 =	stileid.u32;
	[bflag:$0x2] =	sbarrier.arrive $0xFFFF  }
0x244: {  	p0 =	sne.s32 s0, $0x0;
	s0 =	rddreg [dreg:$0x3]  }
0x245: {  	s0 =	sadd.s32 @!p0 $0x100000, s0  }
0x246: {  	[sflag:s0] =	ssyncadd.tile.s32 @!p0 $0x1;
	_ =	shalt  }
.Lfunc_end2:
_tile_overlayer_lowered:
.L_overlay_start_2:
0x247: {  	(tag) =	ssettag $0x2  }
0x248: {  	s0 =	rddreg [dreg:$0x0];
	s2 =	stileid.u32  }
0x249: {  	s1 =	rddreg [dreg:$0x1];
	p0 =	sne.s32 s2, $0x0  }
0x24a: {  	s3 =	rddreg [dreg:$0x2];
	[bflag:$0x3] =	sbarrier.arrive $0xFFFF;
	s2 =	simm.s32 @!p0 $0x1C05  }
0x24b: {  	[timem:s3], [sflag:s2] =	dma.local @!p0 [hbm:s0], s1  }
0x24c: {  	s0 =	simm.s32 @!p0 $0x5  }
0x24d: {  	_ =	swait.ge @!p0 [sflag:s0], s1  }
0x24e: {  	s1 =	ssub.s32 @!p0 $0x0, s1;
	[sflag:s0] =	ssyncset.done @!p0 $0x0  }
0x24f: {  	[sflag:s0] =	ssyncadd.s32 @!p0 s1  }
0x250: {  	[bflag:$0x3] =	sbarrier.arrive $0xFFFF  }
0x251: {  	_ =	shalt  }

</sc_bundles>
